<compile_context>
chip_gen: v7x
topology: tpu7x:2x2x1
jax: 0.10.2.dev20260603
libtpu: 0.0.44.dev20260713+nightly
codegen_flags: <defaults>
</compile_context>

<pallas_src>
import functools

import jax
import jax.numpy as jnp
from jax import lax
from jax.experimental import pallas as pl
from jax.experimental.pallas import tpu as pltpu
from jax.experimental.pallas import tpu_sc as plsc

_NC, _NS, _L = 2, 16, 16
_NW = _NC * _NS

_A1 = 12800
_A2 = 12800
_C1 = 200
_C2 = 80


def _reduce_stream(src, wid, rows_per_w, chunk, bufs, sems, acc, out_row, ngrp):
    n = rows_per_w // chunk
    base = wid * rows_per_w

    def dma(c):
        off = pl.multiple_of(base + c * chunk, 8)
        return pltpu.async_copy(src.at[pl.ds(off, chunk)], bufs[c % 2], sems[c % 2])

    h = dma(0)
    accs = tuple(jnp.zeros((_L,), jnp.float32) for _ in range(ngrp))
    for c in range(n):
        nh = dma(c + 1) if c + 1 < n else None
        h.wait()
        buf = bufs[c % 2]

        def row(r, accs):
            r2 = 2 * r
            accs = tuple(accs[g] + buf[r2, pl.ds(g * _L, _L)] for g in range(ngrp))
            return tuple(accs[g] + buf[r2 + 1, pl.ds(g * _L, _L)] for g in range(ngrp))

        accs = lax.fori_loop(0, chunk // 2, row, accs)
        h = nh
    for g in range(ngrp):
        acc[pl.ds(g * _L, _L)] = accs[g]
    pltpu.sync_copy(acc, out_row)


def _sc_reduce_body(nbr1, nbr2, p1, p2, buf1a, buf1b, buf2a, buf2b, a1, a2,
                    sem0, sem1, sem2, sem3):
    wid = lax.axis_index("s") * _NC + lax.axis_index("c")
    _reduce_stream(nbr1, wid, _A1 // _NW, _C1, (buf1a, buf1b), (sem0, sem1),
                   a1, p1.at[wid], 8)
    _reduce_stream(nbr2, wid, _A2 // _NW, _C2, (buf2a, buf2b), (sem2, sem3),
                   a2, p2.at[wid], 16)



def _sc_reduce(nbr1, nbr2):
    feat = nbr1.shape[1]
    hid = nbr2.shape[1]
    mesh = plsc.VectorSubcoreMesh(core_axis_name="c", subcore_axis_name="s")
    f = pl.kernel(
        _sc_reduce_body,
        mesh=mesh,
        out_type=[
            jax.ShapeDtypeStruct((_NW, feat), jnp.float32),
            jax.ShapeDtypeStruct((_NW, hid), jnp.float32),
        ],
        scratch_types=[
            pltpu.VMEM((_C1, feat), jnp.float32),
            pltpu.VMEM((_C1, feat), jnp.float32),
            pltpu.VMEM((_C2, hid), jnp.float32),
            pltpu.VMEM((_C2, hid), jnp.float32),
            pltpu.VMEM((feat,), jnp.float32),
            pltpu.VMEM((hid,), jnp.float32),
            pltpu.SemaphoreType.DMA,
            pltpu.SemaphoreType.DMA,
            pltpu.SemaphoreType.DMA,
            pltpu.SemaphoreType.DMA,
        ],
    )
    return f(nbr1, nbr2)


def _fused_body(nbr1, nbr2, node, p1, p2,
                w_self1, b_self1, w_nbr1, b_nbr1, g1, be1,
                w_self2, b_self2, w_nbr2, b_nbr2, g2, be2,
                out,
                acc1, acc2, c1s, c2s, ssq, buf,
                *, R, D, n_nbr, dense_blk, eps):
    i = pl.program_id(0)

    @pl.when(i == 0)
    def _init():
        acc1[...] = jnp.zeros_like(acc1)
        acc2[...] = jnp.zeros_like(acc2)
        ssq[...] = jnp.zeros_like(ssq)

    @pl.when(i < R)
    def _reduce():
        acc1[...] += jnp.sum(nbr1[...], axis=0, keepdims=True)
        acc2[...] += jnp.sum(nbr2[...], axis=0, keepdims=True)

    @pl.when(i < D)
    def _prehoist():
        buf[pl.ds(i * dense_blk, dense_blk), :] = jnp.dot(
            node[...], w_self1[...], preferred_element_type=jnp.float32)

    @pl.when(i == R)
    def _bias():
        agg1 = (acc1[...] + jnp.sum(p1[...], axis=0, keepdims=True)) * (1.0 / n_nbr)
        agg2 = (acc2[...] + jnp.sum(p2[...], axis=0, keepdims=True)) * (1.0 / n_nbr)
        c1s[...] = (jnp.dot(agg1, w_nbr1[...], preferred_element_type=jnp.float32)
                    + b_self1[...] + b_nbr1[...])
        c2s[...] = (jnp.dot(agg2, w_nbr2[...], preferred_element_type=jnp.float32)
                    + b_self2[...] + b_nbr2[...])

    @pl.when((i >= R) & (i < R + D))
    def _dense():
        j = i - R
        x = buf[pl.ds(j * dense_blk, dense_blk), :] + c1s[...]
        mu = jnp.mean(x, axis=-1, keepdims=True)
        var = jnp.mean((x - mu) ** 2, axis=-1, keepdims=True)
        x = (x - mu) * lax.rsqrt(var + eps) * g1[...] + be1[...]
        h1 = jnp.maximum(x, 0.0)
        y = jnp.dot(h1, w_self2[...], preferred_element_type=jnp.float32)
        y = y + c2s[...]
        mu2 = jnp.mean(y, axis=-1, keepdims=True)
        var2 = jnp.mean((y - mu2) ** 2, axis=-1, keepdims=True)
        y = (y - mu2) * lax.rsqrt(var2 + eps) * g2[...] + be2[...]
        h2 = jnp.maximum(y, 0.0)
        buf[pl.ds(j * dense_blk, dense_blk), :] = h2
        ssq[...] += jnp.sum(h2 * h2, axis=0, keepdims=True)

    @pl.when(i >= R + D)
    def _emit():
        j = i - (R + D)
        inv = 1.0 / jnp.maximum(jnp.sqrt(ssq[...]), 1e-12)
        out[...] = buf[pl.ds(j * dense_blk, dense_blk), :] * inv


def kernel(node_feat, neighbor_feats_l1, neighbor_feats_l2,
           W_self1, b_self1, W_nbr1, b_nbr1, g1, be1,
           W_self2, b_self2, W_nbr2, b_nbr2, g2, be2):
    n_nodes, feat = node_feat.shape
    n_nbr = neighbor_feats_l1.shape[0]
    hid = W_self1.shape[1]
    emb = W_self2.shape[1]

    p1, p2 = _sc_reduce(neighbor_feats_l1, neighbor_feats_l2)

    nbr_blk = 3200
    dense_blk = 1000 if n_nodes % 1000 == 0 else n_nodes
    off = _A1 // nbr_blk
    R = (n_nbr - _A1) // nbr_blk
    D = n_nodes // dense_blk
    grid = (R + 2 * D,)

    b_self1 = b_self1.reshape(1, hid)
    b_nbr1 = b_nbr1.reshape(1, hid)
    g1 = g1.reshape(1, hid)
    be1 = be1.reshape(1, hid)
    b_self2 = b_self2.reshape(1, emb)
    b_nbr2 = b_nbr2.reshape(1, emb)
    g2 = g2.reshape(1, emb)
    be2 = be2.reshape(1, emb)

    def nbr_map(i):
        return (off + jnp.minimum(i, R - 1), 0)

    def node_map(i):
        return (jnp.minimum(i, D - 1), 0)

    def out_map(i):
        return (jnp.clip(i - (R + D), 0, D - 1), 0)

    full = lambda s: pl.BlockSpec(s, lambda i: (0, 0))

    body = functools.partial(_fused_body, R=R, D=D, n_nbr=n_nbr,
                             dense_blk=dense_blk, eps=1e-5)

    return pl.pallas_call(
        body,
        grid=grid,
        in_specs=[
            pl.BlockSpec((nbr_blk, feat), nbr_map),
            pl.BlockSpec((nbr_blk, hid), nbr_map),
            pl.BlockSpec((dense_blk, feat), node_map),
            full((_NW, feat)), full((_NW, hid)),
            full((feat, hid)), full((1, hid)), full((feat, hid)), full((1, hid)),
            full((1, hid)), full((1, hid)),
            full((hid, emb)), full((1, emb)), full((hid, emb)), full((1, emb)),
            full((1, emb)), full((1, emb)),
        ],
        out_specs=pl.BlockSpec((dense_blk, emb), out_map),
        out_shape=jax.ShapeDtypeStruct((n_nodes, emb), jnp.float32),
        scratch_shapes=[
            pltpu.VMEM((1, feat), jnp.float32),
            pltpu.VMEM((1, hid), jnp.float32),
            pltpu.VMEM((1, hid), jnp.float32),
            pltpu.VMEM((1, emb), jnp.float32),
            pltpu.VMEM((1, emb), jnp.float32),
            pltpu.VMEM((n_nodes, emb), jnp.float32),
        ],
        compiler_params=pltpu.CompilerParams(
            dimension_semantics=("arbitrary",),
        ),
    )(neighbor_feats_l1, neighbor_feats_l2, node_feat, p1, p2,
      W_self1, b_self1, W_nbr1, b_nbr1, g1, be1,
      W_self2, b_self2, W_nbr2, b_nbr2, g2, be2)

# --- scband reference (transcript-rebuilt; emitter-appended) ---
"""Pipeline reference for scband-inductive-gnn-8581344657903 (READ-ONLY COPY).

The authoritative reference and input builder live on the scoring server;
editing this copy changes nothing except your own understanding.
"""

import jax, jax.numpy as jnp
import numpy as np

FEATURE_DIM = 128
HIDDEN_DIM = 256
EMBED_DIM = 256
N_NODES = 10000
N_NBR = 160000


def _layer_norm(x, gamma, beta, eps=1e-5):
    mu = jnp.mean(x, axis=-1, keepdims=True)
    var = jnp.mean((x - mu) ** 2, axis=-1, keepdims=True)
    return (x - mu) / jnp.sqrt(var + eps) * gamma + beta


def setup_inputs(seed: int = 0) -> dict:
    key = jax.random.key(seed)
    ks = jax.random.split(key, 16)
    d = {}
    d['node_feat'] = jax.random.normal(ks[0], (N_NODES, FEATURE_DIM), dtype=jnp.float32)
    d['neighbor_feats_l1'] = jax.random.normal(ks[1], (N_NBR, FEATURE_DIM), dtype=jnp.float32)
    d['neighbor_feats_l2'] = jax.random.normal(ks[2], (N_NBR, HIDDEN_DIM), dtype=jnp.float32)
    s1 = 1.0 / np.sqrt(FEATURE_DIM)
    d['W_self1'] = jax.random.uniform(ks[3], (FEATURE_DIM, HIDDEN_DIM), minval=-s1, maxval=s1, dtype=jnp.float32)
    d['b_self1'] = jax.random.uniform(ks[4], (HIDDEN_DIM,), minval=-s1, maxval=s1, dtype=jnp.float32)
    d['W_nbr1'] = jax.random.uniform(ks[5], (FEATURE_DIM, HIDDEN_DIM), minval=-s1, maxval=s1, dtype=jnp.float32)
    d['b_nbr1'] = jax.random.uniform(ks[6], (HIDDEN_DIM,), minval=-s1, maxval=s1, dtype=jnp.float32)
    d['g1'] = jnp.ones((HIDDEN_DIM,), dtype=jnp.float32)
    d['be1'] = jnp.zeros((HIDDEN_DIM,), dtype=jnp.float32)
    s2 = 1.0 / np.sqrt(HIDDEN_DIM)
    d['W_self2'] = jax.random.uniform(ks[7], (HIDDEN_DIM, EMBED_DIM), minval=-s2, maxval=s2, dtype=jnp.float32)
    d['b_self2'] = jax.random.uniform(ks[8], (EMBED_DIM,), minval=-s2, maxval=s2, dtype=jnp.float32)
    d['W_nbr2'] = jax.random.uniform(ks[9], (HIDDEN_DIM, EMBED_DIM), minval=-s2, maxval=s2, dtype=jnp.float32)
    d['b_nbr2'] = jax.random.uniform(ks[10], (EMBED_DIM,), minval=-s2, maxval=s2, dtype=jnp.float32)
    d['g2'] = jnp.ones((EMBED_DIM,), dtype=jnp.float32)
    d['be2'] = jnp.zeros((EMBED_DIM,), dtype=jnp.float32)
    return d


def reference(node_feat, neighbor_feats_l1, neighbor_feats_l2, W_self1, b_self1, W_nbr1, b_nbr1, g1, be1, W_self2, b_self2, W_nbr2, b_nbr2, g2, be2):
    # Layer 1: GraphSAGE mean aggregation
    agg1 = jnp.mean(neighbor_feats_l1, axis=0)
    out1 = node_feat @ W_self1 + b_self1 + (agg1 @ W_nbr1 + b_nbr1)
    h1 = jax.nn.relu(_layer_norm(out1, g1, be1))
    # Dropout in eval mode == identity
    # Layer 2
    agg2 = jnp.mean(neighbor_feats_l2, axis=0)
    out2 = h1 @ W_self2 + b_self2 + (agg2 @ W_nbr2 + b_nbr2)
    h2 = jax.nn.relu(_layer_norm(out2, g2, be2))
    # F.normalize(h2, dim=0): divide by max(L2 norm along dim 0, eps)
    norm = jnp.sqrt(jnp.sum(h2 * h2, axis=0, keepdims=True))
    return h2 / jnp.maximum(norm, 1e-12)

if __name__ == "__main__":
    import jax
    _d = setup_inputs()
    print(jax.jit(kernel)(*tuple(_d.values())))

</pallas_src>

<mosaic_0001>
#map = affine_map<(d0, d1) -> (0, 0)>
module attributes {stable_mosaic.version = 14 : i64} {
  func.func @_sc_reduce_body(%arg0: i32, %arg1: i32, %arg2: memref<160000x128xf32, #tpu.memory_space<hbm>>, %arg3: memref<160000x256xf32, #tpu.memory_space<hbm>>, %arg4: memref<32x128xf32, #tpu.memory_space<hbm>>, %arg5: memref<32x256xf32, #tpu.memory_space<hbm>>, %arg6: memref<200x128xf32, #tpu.memory_space<vmem>>, %arg7: memref<200x128xf32, #tpu.memory_space<vmem>>, %arg8: memref<80x256xf32, #tpu.memory_space<vmem>>, %arg9: memref<80x256xf32, #tpu.memory_space<vmem>>, %arg10: memref<128xf32, #tpu.memory_space<vmem>>, %arg11: memref<256xf32, #tpu.memory_space<vmem>>, %arg12: memref<!tpu.dma_semaphore, #tpu.memory_space<semaphore_mem>>, %arg13: memref<!tpu.dma_semaphore, #tpu.memory_space<semaphore_mem>>, %arg14: memref<!tpu.dma_semaphore, #tpu.memory_space<semaphore_mem>>, %arg15: memref<!tpu.dma_semaphore, #tpu.memory_space<semaphore_mem>>) attributes {dimension_semantics = [#tpu.dimension_semantics<core_parallel>, #tpu.dimension_semantics<subcore_parallel>], iteration_bounds = array<i64: 2, 16>, scalar_prefetch = 0 : i64, scratch_operands = 10 : i64, tpu.core_type = #tpu.core_type<sc_vector_subcore>, window_params = [{transform_indices = #map}, {transform_indices = #map}, {transform_indices = #map}, {transform_indices = #map}]} {
    %mul3A = arith.constant 2 : i32
    %mul3A_0 = arith.muli %arg1, %mul3A : i32
    %add3A = arith.addi %mul3A_0, %arg0 : i32
    %mul3A_1 = arith.constant 400 : i32
    %mul3A_2 = arith.muli %add3A, %mul3A_1 : i32
    %add3A_3 = arith.constant 0 : i32
    %add3A_4 = arith.addi %mul3A_2, %add3A_3 : i32
    %multiple_of3A = tpu.assume_multiple %add3A_4, 8 : i32
    %dma_start3A = arith.constant 0 : i32
    %dma_start3A_5 = tpu.memref_slice %arg2[%multiple_of3A, %dma_start3A] : memref<160000x128xf32, #tpu.memory_space<hbm>> -> memref<200x128xf32, #tpu.memory_space<hbm>>
    %dma_start3A_6 = arith.constant 0 : i32
    %dma_start3A_7 = tpu.memref_slice %arg2[%multiple_of3A, %dma_start3A_6] : memref<160000x128xf32, #tpu.memory_space<hbm>> -> memref<200x128xf32, #tpu.memory_space<hbm>>
    tpu.enqueue_dma source(%dma_start3A_7 : memref<200x128xf32, #tpu.memory_space<hbm>>) target(%arg6 : memref<200x128xf32, #tpu.memory_space<vmem>>) target_semaphore(%arg12 : memref<!tpu.dma_semaphore, #tpu.memory_space<semaphore_mem>>)
    %broadcast_in_dim3A = arith.constant 0.000000e+00 : f32
    %broadcast_in_dim3A_8 = vector.broadcast %broadcast_in_dim3A : f32 to vector<16xf32>
    %broadcast_in_dim3A_9 = arith.constant 0.000000e+00 : f32
    %broadcast_in_dim3A_10 = vector.broadcast %broadcast_in_dim3A_9 : f32 to vector<16xf32>
    %broadcast_in_dim3A_11 = arith.constant 0.000000e+00 : f32
    %broadcast_in_dim3A_12 = vector.broadcast %broadcast_in_dim3A_11 : f32 to vector<16xf32>
    %broadcast_in_dim3A_13 = arith.constant 0.000000e+00 : f32
    %broadcast_in_dim3A_14 = vector.broadcast %broadcast_in_dim3A_13 : f32 to vector<16xf32>
    %broadcast_in_dim3A_15 = arith.constant 0.000000e+00 : f32
    %broadcast_in_dim3A_16 = vector.broadcast %broadcast_in_dim3A_15 : f32 to vector<16xf32>
    %broadcast_in_dim3A_17 = arith.constant 0.000000e+00 : f32
    %broadcast_in_dim3A_18 = vector.broadcast %broadcast_in_dim3A_17 : f32 to vector<16xf32>
    %broadcast_in_dim3A_19 = arith.constant 0.000000e+00 : f32
    %broadcast_in_dim3A_20 = vector.broadcast %broadcast_in_dim3A_19 : f32 to vector<16xf32>
    %broadcast_in_dim3A_21 = arith.constant 0.000000e+00 : f32
    %broadcast_in_dim3A_22 = vector.broadcast %broadcast_in_dim3A_21 : f32 to vector<16xf32>
    %add3A_23 = arith.constant 200 : i32
    %add3A_24 = arith.addi %mul3A_2, %add3A_23 : i32
    %multiple_of3A_25 = tpu.assume_multiple %add3A_24, 8 : i32
    %dma_start3A_26 = arith.constant 0 : i32
    %dma_start3A_27 = tpu.memref_slice %arg2[%multiple_of3A_25, %dma_start3A_26] : memref<160000x128xf32, #tpu.memory_space<hbm>> -> memref<200x128xf32, #tpu.memory_space<hbm>>
    %dma_start3A_28 = arith.constant 0 : i32
    %dma_start3A_29 = tpu.memref_slice %arg2[%multiple_of3A_25, %dma_start3A_28] : memref<160000x128xf32, #tpu.memory_space<hbm>> -> memref<200x128xf32, #tpu.memory_space<hbm>>
    tpu.enqueue_dma source(%dma_start3A_29 : memref<200x128xf32, #tpu.memory_space<hbm>>) target(%arg7 : memref<200x128xf32, #tpu.memory_space<vmem>>) target_semaphore(%arg13 : memref<!tpu.dma_semaphore, #tpu.memory_space<semaphore_mem>>)
    %dma_wait3A = arith.constant 0 : i32
    %dma_wait3A_30 = tpu.memref_slice %arg2[%multiple_of3A, %dma_wait3A] : memref<160000x128xf32, #tpu.memory_space<hbm>> -> memref<200x128xf32, #tpu.memory_space<hbm>>
    %dma_wait3A_31 = arith.constant 0 : i32
    %dma_wait3A_32 = tpu.memref_slice %arg2[%multiple_of3A, %dma_wait3A_31] : memref<160000x128xf32, #tpu.memory_space<hbm>> -> memref<200x128xf32, #tpu.memory_space<hbm>>
    tpu.wait_dma2 semaphore(%arg12 : memref<!tpu.dma_semaphore, #tpu.memory_space<semaphore_mem>>) src(%dma_wait3A_32 : memref<200x128xf32, #tpu.memory_space<hbm>>) dst(%arg6 : memref<200x128xf32, #tpu.memory_space<vmem>>)
    %scan3A = arith.constant 0 : i32
    %scan3A_33 = arith.constant 100 : i32
    %scan3A_34 = arith.addi %scan3A, %scan3A_33 : i32
    %scan3A_35 = arith.constant 1 : i32
    %scan3A_36:8 = scf.for %scan3A_262 = %scan3A to %scan3A_34 step %scan3A_35 iter_args(%scan3A_263 = %broadcast_in_dim3A_8, %scan3A_264 = %broadcast_in_dim3A_10, %scan3A_265 = %broadcast_in_dim3A_12, %scan3A_266 = %broadcast_in_dim3A_14, %scan3A_267 = %broadcast_in_dim3A_16, %scan3A_268 = %broadcast_in_dim3A_18, %scan3A_269 = %broadcast_in_dim3A_20, %scan3A_270 = %broadcast_in_dim3A_22) -> (vector<16xf32>, vector<16xf32>, vector<16xf32>, vector<16xf32>, vector<16xf32>, vector<16xf32>, vector<16xf32>, vector<16xf32>)  : i32 {
      %mul3A_271 = arith.constant 2 : i32
      %mul3A_272 = arith.muli %mul3A_271, %scan3A_262 : i32
      %get3A = arith.index_cast %mul3A_272 : i32 to index
      %get3A_273 = arith.constant 0 : index
      %get3A_274 = tpu.vector_load %arg6[%get3A, %get3A_273] {strides = array<i32>} : memref<200x128xf32, #tpu.memory_space<vmem>>, vector<1x16xf32>,
      %get3A_275 = vector.shape_cast %get3A_274 : vector<1x16xf32> to vector<16xf32>
      %add3A_276 = arith.addf %scan3A_263, %get3A_275 : vector<16xf32>
      %get3A_277 = arith.index_cast %mul3A_272 : i32 to index
      %get3A_278 = arith.constant 16 : index
      %get3A_279 = tpu.vector_load %arg6[%get3A_277, %get3A_278] {strides = array<i32>} : memref<200x128xf32, #tpu.memory_space<vmem>>, vector<1x16xf32>,
      %get3A_280 = vector.shape_cast %get3A_279 : vector<1x16xf32> to vector<16xf32>
      %add3A_281 = arith.addf %scan3A_264, %get3A_280 : vector<16xf32>
      %get3A_282 = arith.index_cast %mul3A_272 : i32 to index
      %get3A_283 = arith.constant 32 : index
      %get3A_284 = tpu.vector_load %arg6[%get3A_282, %get3A_283] {strides = array<i32>} : memref<200x128xf32, #tpu.memory_space<vmem>>, vector<1x16xf32>,
      %get3A_285 = vector.shape_cast %get3A_284 : vector<1x16xf32> to vector<16xf32>
      %add3A_286 = arith.addf %scan3A_265, %get3A_285 : vector<16xf32>
      %get3A_287 = arith.index_cast %mul3A_272 : i32 to index
      %get3A_288 = arith.constant 48 : index
      %get3A_289 = tpu.vector_load %arg6[%get3A_287, %get3A_288] {strides = array<i32>} : memref<200x128xf32, #tpu.memory_space<vmem>>, vector<1x16xf32>,
      %get3A_290 = vector.shape_cast %get3A_289 : vector<1x16xf32> to vector<16xf32>
      %add3A_291 = arith.addf %scan3A_266, %get3A_290 : vector<16xf32>
      %get3A_292 = arith.index_cast %mul3A_272 : i32 to index
      %get3A_293 = arith.constant 64 : index
      %get3A_294 = tpu.vector_load %arg6[%get3A_292, %get3A_293] {strides = array<i32>} : memref<200x128xf32, #tpu.memory_space<vmem>>, vector<1x16xf32>,
      %get3A_295 = vector.shape_cast %get3A_294 : vector<1x16xf32> to vector<16xf32>
      %add3A_296 = arith.addf %scan3A_267, %get3A_295 : vector<16xf32>
      %get3A_297 = arith.index_cast %mul3A_272 : i32 to index
      %get3A_298 = arith.constant 80 : index
      %get3A_299 = tpu.vector_load %arg6[%get3A_297, %get3A_298] {strides = array<i32>} : memref<200x128xf32, #tpu.memory_space<vmem>>, vector<1x16xf32>,
      %get3A_300 = vector.shape_cast %get3A_299 : vector<1x16xf32> to vector<16xf32>
      %add3A_301 = arith.addf %scan3A_268, %get3A_300 : vector<16xf32>
      %get3A_302 = arith.index_cast %mul3A_272 : i32 to index
      %get3A_303 = arith.constant 96 : index
      %get3A_304 = tpu.vector_load %arg6[%get3A_302, %get3A_303] {strides = array<i32>} : memref<200x128xf32, #tpu.memory_space<vmem>>, vector<1x16xf32>,
      %get3A_305 = vector.shape_cast %get3A_304 : vector<1x16xf32> to vector<16xf32>
      %add3A_306 = arith.addf %scan3A_269, %get3A_305 : vector<16xf32>
      %get3A_307 = arith.index_cast %mul3A_272 : i32 to index
      %get3A_308 = arith.constant 112 : index
      %get3A_309 = tpu.vector_load %arg6[%get3A_307, %get3A_308] {strides = array<i32>} : memref<200x128xf32, #tpu.memory_space<vmem>>, vector<1x16xf32>,
      %get3A_310 = vector.shape_cast %get3A_309 : vector<1x16xf32> to vector<16xf32>
      %add3A_311 = arith.addf %scan3A_270, %get3A_310 : vector<16xf32>
      %add3A_312 = arith.constant 1 : i32
      %add3A_313 = arith.addi %mul3A_272, %add3A_312 : i32
      %get3A_314 = arith.index_cast %add3A_313 : i32 to index
      %get3A_315 = arith.constant 0 : index
      %get3A_316 = tpu.vector_load %arg6[%get3A_314, %get3A_315] {strides = array<i32>} : memref<200x128xf32, #tpu.memory_space<vmem>>, vector<1x16xf32>,
      %get3A_317 = vector.shape_cast %get3A_316 : vector<1x16xf32> to vector<16xf32>
      %add3A_318 = arith.addf %add3A_276, %get3A_317 : vector<16xf32>
      %add3A_319 = arith.constant 1 : i32
      %add3A_320 = arith.addi %mul3A_272, %add3A_319 : i32
      %get3A_321 = arith.index_cast %add3A_320 : i32 to index
      %get3A_322 = arith.constant 16 : index
      %get3A_323 = tpu.vector_load %arg6[%get3A_321, %get3A_322] {strides = array<i32>} : memref<200x128xf32, #tpu.memory_space<vmem>>, vector<1x16xf32>,
      %get3A_324 = vector.shape_cast %get3A_323 : vector<1x16xf32> to vector<16xf32>
      %add3A_325 = arith.addf %add3A_281, %get3A_324 : vector<16xf32>
      %add3A_326 = arith.constant 1 : i32
      %add3A_327 = arith.addi %mul3A_272, %add3A_326 : i32
      %get3A_328 = arith.index_cast %add3A_327 : i32 to index
      %get3A_329 = arith.constant 32 : index
      %get3A_330 = tpu.vector_load %arg6[%get3A_328, %get3A_329] {strides = array<i32>} : memref<200x128xf32, #tpu.memory_space<vmem>>, vector<1x16xf32>,
      %get3A_331 = vector.shape_cast %get3A_330 : vector<1x16xf32> to vector<16xf32>
      %add3A_332 = arith.addf %add3A_286, %get3A_331 : vector<16xf32>
      %add3A_333 = arith.constant 1 : i32
      %add3A_334 = arith.addi %mul3A_272, %add3A_333 : i32
      %get3A_335 = arith.index_cast %add3A_334 : i32 to index
      %get3A_336 = arith.constant 48 : index
      %get3A_337 = tpu.vector_load %arg6[%get3A_335, %get3A_336] {strides = array<i32>} : memref<200x128xf32, #tpu.memory_space<vmem>>, vector<1x16xf32>,
      %get3A_338 = vector.shape_cast %get3A_337 : vector<1x16xf32> to vector<16xf32>
      %add3A_339 = arith.addf %add3A_291, %get3A_338 : vector<16xf32>
      %add3A_340 = arith.constant 1 : i32
      %add3A_341 = arith.addi %mul3A_272, %add3A_340 : i32
      %get3A_342 = arith.index_cast %add3A_341 : i32 to index
      %get3A_343 = arith.constant 64 : index
      %get3A_344 = tpu.vector_load %arg6[%get3A_342, %get3A_343] {strides = array<i32>} : memref<200x128xf32, #tpu.memory_space<vmem>>, vector<1x16xf32>,
      %get3A_345 = vector.shape_cast %get3A_344 : vector<1x16xf32> to vector<16xf32>
      %add3A_346 = arith.addf %add3A_296, %get3A_345 : vector<16xf32>
      %add3A_347 = arith.constant 1 : i32
      %add3A_348 = arith.addi %mul3A_272, %add3A_347 : i32
      %get3A_349 = arith.index_cast %add3A_348 : i32 to index
      %get3A_350 = arith.constant 80 : index
      %get3A_351 = tpu.vector_load %arg6[%get3A_349, %get3A_350] {strides = array<i32>} : memref<200x128xf32, #tpu.memory_space<vmem>>, vector<1x16xf32>,
      %get3A_352 = vector.shape_cast %get3A_351 : vector<1x16xf32> to vector<16xf32>
      %add3A_353 = arith.addf %add3A_301, %get3A_352 : vector<16xf32>
      %add3A_354 = arith.constant 1 : i32
      %add3A_355 = arith.addi %mul3A_272, %add3A_354 : i32
      %get3A_356 = arith.index_cast %add3A_355 : i32 to index
      %get3A_357 = arith.constant 96 : index
      %get3A_358 = tpu.vector_load %arg6[%get3A_356, %get3A_357] {strides = array<i32>} : memref<200x128xf32, #tpu.memory_space<vmem>>, vector<1x16xf32>,
      %get3A_359 = vector.shape_cast %get3A_358 : vector<1x16xf32> to vector<16xf32>
      %add3A_360 = arith.addf %add3A_306, %get3A_359 : vector<16xf32>
      %add3A_361 = arith.constant 1 : i32
      %add3A_362 = arith.addi %mul3A_272, %add3A_361 : i32
      %get3A_363 = arith.index_cast %add3A_362 : i32 to index
      %get3A_364 = arith.constant 112 : index
      %get3A_365 = tpu.vector_load %arg6[%get3A_363, %get3A_364] {strides = array<i32>} : memref<200x128xf32, #tpu.memory_space<vmem>>, vector<1x16xf32>,
      %get3A_366 = vector.shape_cast %get3A_365 : vector<1x16xf32> to vector<16xf32>
      %add3A_367 = arith.addf %add3A_311, %get3A_366 : vector<16xf32>
      scf.yield %add3A_318, %add3A_325, %add3A_332, %add3A_339, %add3A_346, %add3A_353, %add3A_360, %add3A_367 : vector<16xf32>, vector<16xf32>, vector<16xf32>, vector<16xf32>, vector<16xf32>, vector<16xf32>, vector<16xf32>, vector<16xf32>
    }
    %scan3A_37 = arith.constant 100 : i32
    %dma_wait3A_38 = arith.constant 0 : i32
    %dma_wait3A_39 = tpu.memref_slice %arg2[%multiple_of3A_25, %dma_wait3A_38] : memref<160000x128xf32, #tpu.memory_space<hbm>> -> memref<200x128xf32, #tpu.memory_space<hbm>>
    %dma_wait3A_40 = arith.constant 0 : i32
    %dma_wait3A_41 = tpu.memref_slice %arg2[%multiple_of3A_25, %dma_wait3A_40] : memref<160000x128xf32, #tpu.memory_space<hbm>> -> memref<200x128xf32, #tpu.memory_space<hbm>>
    tpu.wait_dma2 semaphore(%arg13 : memref<!tpu.dma_semaphore, #tpu.memory_space<semaphore_mem>>) src(%dma_wait3A_41 : memref<200x128xf32, #tpu.memory_space<hbm>>) dst(%arg7 : memref<200x128xf32, #tpu.memory_space<vmem>>)
    %scan3A_42 = arith.constant 0 : i32
    %scan3A_43 = arith.constant 100 : i32
    %scan3A_44 = arith.addi %scan3A_42, %scan3A_43 : i32
    %scan3A_45 = arith.constant 1 : i32
    %scan3A_46:8 = scf.for %scan3A_262 = %scan3A_42 to %scan3A_44 step %scan3A_45 iter_args(%scan3A_263 = %scan3A_36#0, %scan3A_264 = %scan3A_36#1, %scan3A_265 = %scan3A_36#2, %scan3A_266 = %scan3A_36#3, %scan3A_267 = %scan3A_36#4, %scan3A_268 = %scan3A_36#5, %scan3A_269 = %scan3A_36#6, %scan3A_270 = %scan3A_36#7) -> (vector<16xf32>, vector<16xf32>, vector<16xf32>, vector<16xf32>, vector<16xf32>, vector<16xf32>, vector<16xf32>, vector<16xf32>)  : i32 {
      %mul3A_271 = arith.constant 2 : i32
      %mul3A_272 = arith.muli %mul3A_271, %scan3A_262 : i32
      %get3A = arith.index_cast %mul3A_272 : i32 to index
      %get3A_273 = arith.constant 0 : index
      %get3A_274 = tpu.vector_load %arg7[%get3A, %get3A_273] {strides = array<i32>} : memref<200x128xf32, #tpu.memory_space<vmem>>, vector<1x16xf32>,
      %get3A_275 = vector.shape_cast %get3A_274 : vector<1x16xf32> to vector<16xf32>
      %add3A_276 = arith.addf %scan3A_263, %get3A_275 : vector<16xf32>
      %get3A_277 = arith.index_cast %mul3A_272 : i32 to index
      %get3A_278 = arith.constant 16 : index
      %get3A_279 = tpu.vector_load %arg7[%get3A_277, %get3A_278] {strides = array<i32>} : memref<200x128xf32, #tpu.memory_space<vmem>>, vector<1x16xf32>,
      %get3A_280 = vector.shape_cast %get3A_279 : vector<1x16xf32> to vector<16xf32>
      %add3A_281 = arith.addf %scan3A_264, %get3A_280 : vector<16xf32>
      %get3A_282 = arith.index_cast %mul3A_272 : i32 to index
      %get3A_283 = arith.constant 32 : index
      %get3A_284 = tpu.vector_load %arg7[%get3A_282, %get3A_283] {strides = array<i32>} : memref<200x128xf32, #tpu.memory_space<vmem>>, vector<1x16xf32>,
      %get3A_285 = vector.shape_cast %get3A_284 : vector<1x16xf32> to vector<16xf32>
      %add3A_286 = arith.addf %scan3A_265, %get3A_285 : vector<16xf32>
      %get3A_287 = arith.index_cast %mul3A_272 : i32 to index
      %get3A_288 = arith.constant 48 : index
      %get3A_289 = tpu.vector_load %arg7[%get3A_287, %get3A_288] {strides = array<i32>} : memref<200x128xf32, #tpu.memory_space<vmem>>, vector<1x16xf32>,
      %get3A_290 = vector.shape_cast %get3A_289 : vector<1x16xf32> to vector<16xf32>
      %add3A_291 = arith.addf %scan3A_266, %get3A_290 : vector<16xf32>
      %get3A_292 = arith.index_cast %mul3A_272 : i32 to index
      %get3A_293 = arith.constant 64 : index
      %get3A_294 = tpu.vector_load %arg7[%get3A_292, %get3A_293] {strides = array<i32>} : memref<200x128xf32, #tpu.memory_space<vmem>>, vector<1x16xf32>,
      %get3A_295 = vector.shape_cast %get3A_294 : vector<1x16xf32> to vector<16xf32>
      %add3A_296 = arith.addf %scan3A_267, %get3A_295 : vector<16xf32>
      %get3A_297 = arith.index_cast %mul3A_272 : i32 to index
      %get3A_298 = arith.constant 80 : index
      %get3A_299 = tpu.vector_load %arg7[%get3A_297, %get3A_298] {strides = array<i32>} : memref<200x128xf32, #tpu.memory_space<vmem>>, vector<1x16xf32>,
      %get3A_300 = vector.shape_cast %get3A_299 : vector<1x16xf32> to vector<16xf32>
      %add3A_301 = arith.addf %scan3A_268, %get3A_300 : vector<16xf32>
      %get3A_302 = arith.index_cast %mul3A_272 : i32 to index
      %get3A_303 = arith.constant 96 : index
      %get3A_304 = tpu.vector_load %arg7[%get3A_302, %get3A_303] {strides = array<i32>} : memref<200x128xf32, #tpu.memory_space<vmem>>, vector<1x16xf32>,
      %get3A_305 = vector.shape_cast %get3A_304 : vector<1x16xf32> to vector<16xf32>
      %add3A_306 = arith.addf %scan3A_269, %get3A_305 : vector<16xf32>
      %get3A_307 = arith.index_cast %mul3A_272 : i32 to index
      %get3A_308 = arith.constant 112 : index
      %get3A_309 = tpu.vector_load %arg7[%get3A_307, %get3A_308] {strides = array<i32>} : memref<200x128xf32, #tpu.memory_space<vmem>>, vector<1x16xf32>,
      %get3A_310 = vector.shape_cast %get3A_309 : vector<1x16xf32> to vector<16xf32>
      %add3A_311 = arith.addf %scan3A_270, %get3A_310 : vector<16xf32>
      %add3A_312 = arith.constant 1 : i32
      %add3A_313 = arith.addi %mul3A_272, %add3A_312 : i32
      %get3A_314 = arith.index_cast %add3A_313 : i32 to index
      %get3A_315 = arith.constant 0 : index
      %get3A_316 = tpu.vector_load %arg7[%get3A_314, %get3A_315] {strides = array<i32>} : memref<200x128xf32, #tpu.memory_space<vmem>>, vector<1x16xf32>,
      %get3A_317 = vector.shape_cast %get3A_316 : vector<1x16xf32> to vector<16xf32>
      %add3A_318 = arith.addf %add3A_276, %get3A_317 : vector<16xf32>
      %add3A_319 = arith.constant 1 : i32
      %add3A_320 = arith.addi %mul3A_272, %add3A_319 : i32
      %get3A_321 = arith.index_cast %add3A_320 : i32 to index
      %get3A_322 = arith.constant 16 : index
      %get3A_323 = tpu.vector_load %arg7[%get3A_321, %get3A_322] {strides = array<i32>} : memref<200x128xf32, #tpu.memory_space<vmem>>, vector<1x16xf32>,
      %get3A_324 = vector.shape_cast %get3A_323 : vector<1x16xf32> to vector<16xf32>
      %add3A_325 = arith.addf %add3A_281, %get3A_324 : vector<16xf32>
      %add3A_326 = arith.constant 1 : i32
      %add3A_327 = arith.addi %mul3A_272, %add3A_326 : i32
      %get3A_328 = arith.index_cast %add3A_327 : i32 to index
      %get3A_329 = arith.constant 32 : index
      %get3A_330 = tpu.vector_load %arg7[%get3A_328, %get3A_329] {strides = array<i32>} : memref<200x128xf32, #tpu.memory_space<vmem>>, vector<1x16xf32>,
      %get3A_331 = vector.shape_cast %get3A_330 : vector<1x16xf32> to vector<16xf32>
      %add3A_332 = arith.addf %add3A_286, %get3A_331 : vector<16xf32>
      %add3A_333 = arith.constant 1 : i32
      %add3A_334 = arith.addi %mul3A_272, %add3A_333 : i32
      %get3A_335 = arith.index_cast %add3A_334 : i32 to index
      %get3A_336 = arith.constant 48 : index
      %get3A_337 = tpu.vector_load %arg7[%get3A_335, %get3A_336] {strides = array<i32>} : memref<200x128xf32, #tpu.memory_space<vmem>>, vector<1x16xf32>,
      %get3A_338 = vector.shape_cast %get3A_337 : vector<1x16xf32> to vector<16xf32>
      %add3A_339 = arith.addf %add3A_291, %get3A_338 : vector<16xf32>
      %add3A_340 = arith.constant 1 : i32
      %add3A_341 = arith.addi %mul3A_272, %add3A_340 : i32
      %get3A_342 = arith.index_cast %add3A_341 : i32 to index
      %get3A_343 = arith.constant 64 : index
      %get3A_344 = tpu.vector_load %arg7[%get3A_342, %get3A_343] {strides = array<i32>} : memref<200x128xf32, #tpu.memory_space<vmem>>, vector<1x16xf32>,
      %get3A_345 = vector.shape_cast %get3A_344 : vector<1x16xf32> to vector<16xf32>
      %add3A_346 = arith.addf %add3A_296, %get3A_345 : vector<16xf32>
      %add3A_347 = arith.constant 1 : i32
      %add3A_348 = arith.addi %mul3A_272, %add3A_347 : i32
      %get3A_349 = arith.index_cast %add3A_348 : i32 to index
      %get3A_350 = arith.constant 80 : index
      %get3A_351 = tpu.vector_load %arg7[%get3A_349, %get3A_350] {strides = array<i32>} : memref<200x128xf32, #tpu.memory_space<vmem>>, vector<1x16xf32>,
      %get3A_352 = vector.shape_cast %get3A_351 : vector<1x16xf32> to vector<16xf32>
      %add3A_353 = arith.addf %add3A_301, %get3A_352 : vector<16xf32>
      %add3A_354 = arith.constant 1 : i32
      %add3A_355 = arith.addi %mul3A_272, %add3A_354 : i32
      %get3A_356 = arith.index_cast %add3A_355 : i32 to index
      %get3A_357 = arith.constant 96 : index
      %get3A_358 = tpu.vector_load %arg7[%get3A_356, %get3A_357] {strides = array<i32>} : memref<200x128xf32, #tpu.memory_space<vmem>>, vector<1x16xf32>,
      %get3A_359 = vector.shape_cast %get3A_358 : vector<1x16xf32> to vector<16xf32>
      %add3A_360 = arith.addf %add3A_306, %get3A_359 : vector<16xf32>
      %add3A_361 = arith.constant 1 : i32
      %add3A_362 = arith.addi %mul3A_272, %add3A_361 : i32
      %get3A_363 = arith.index_cast %add3A_362 : i32 to index
      %get3A_364 = arith.constant 112 : index
      %get3A_365 = tpu.vector_load %arg7[%get3A_363, %get3A_364] {strides = array<i32>} : memref<200x128xf32, #tpu.memory_space<vmem>>, vector<1x16xf32>,
      %get3A_366 = vector.shape_cast %get3A_365 : vector<1x16xf32> to vector<16xf32>
      %add3A_367 = arith.addf %add3A_311, %get3A_366 : vector<16xf32>
      scf.yield %add3A_318, %add3A_325, %add3A_332, %add3A_339, %add3A_346, %add3A_353, %add3A_360, %add3A_367 : vector<16xf32>, vector<16xf32>, vector<16xf32>, vector<16xf32>, vector<16xf32>, vector<16xf32>, vector<16xf32>, vector<16xf32>
    }
    %scan3A_47 = arith.constant 100 : i32
    %swap3A = arith.constant 0 : index
    %swap3A_48 = tpu.vector_load %arg10[%swap3A] {strides = array<i32>} : memref<128xf32, #tpu.memory_space<vmem>>, vector<16xf32>,
    %swap3A_49 = vector.shape_cast %swap3A_48 : vector<16xf32> to vector<16xf32>
    %swap3A_50 = vector.shape_cast %scan3A_46#0 : vector<16xf32> to vector<16xf32>
    tpu.vector_store %arg10[%swap3A], %swap3A_50 {strides = array<i32>} : memref<128xf32, #tpu.memory_space<vmem>>, vector<16xf32>,
    %swap3A_51 = arith.constant 16 : index
    %swap3A_52 = tpu.vector_load %arg10[%swap3A_51] {strides = array<i32>} : memref<128xf32, #tpu.memory_space<vmem>>, vector<16xf32>,
    %swap3A_53 = vector.shape_cast %swap3A_52 : vector<16xf32> to vector<16xf32>
    %swap3A_54 = vector.shape_cast %scan3A_46#1 : vector<16xf32> to vector<16xf32>
    tpu.vector_store %arg10[%swap3A_51], %swap3A_54 {strides = array<i32>} : memref<128xf32, #tpu.memory_space<vmem>>, vector<16xf32>,
    %swap3A_55 = arith.constant 32 : index
    %swap3A_56 = tpu.vector_load %arg10[%swap3A_55] {strides = array<i32>} : memref<128xf32, #tpu.memory_space<vmem>>, vector<16xf32>,
    %swap3A_57 = vector.shape_cast %swap3A_56 : vector<16xf32> to vector<16xf32>
    %swap3A_58 = vector.shape_cast %scan3A_46#2 : vector<16xf32> to vector<16xf32>
    tpu.vector_store %arg10[%swap3A_55], %swap3A_58 {strides = array<i32>} : memref<128xf32, #tpu.memory_space<vmem>>, vector<16xf32>,
    %swap3A_59 = arith.constant 48 : index
    %swap3A_60 = tpu.vector_load %arg10[%swap3A_59] {strides = array<i32>} : memref<128xf32, #tpu.memory_space<vmem>>, vector<16xf32>,
    %swap3A_61 = vector.shape_cast %swap3A_60 : vector<16xf32> to vector<16xf32>
    %swap3A_62 = vector.shape_cast %scan3A_46#3 : vector<16xf32> to vector<16xf32>
    tpu.vector_store %arg10[%swap3A_59], %swap3A_62 {strides = array<i32>} : memref<128xf32, #tpu.memory_space<vmem>>, vector<16xf32>,
    %swap3A_63 = arith.constant 64 : index
    %swap3A_64 = tpu.vector_load %arg10[%swap3A_63] {strides = array<i32>} : memref<128xf32, #tpu.memory_space<vmem>>, vector<16xf32>,
    %swap3A_65 = vector.shape_cast %swap3A_64 : vector<16xf32> to vector<16xf32>
    %swap3A_66 = vector.shape_cast %scan3A_46#4 : vector<16xf32> to vector<16xf32>
    tpu.vector_store %arg10[%swap3A_63], %swap3A_66 {strides = array<i32>} : memref<128xf32, #tpu.memory_space<vmem>>, vector<16xf32>,
    %swap3A_67 = arith.constant 80 : index
    %swap3A_68 = tpu.vector_load %arg10[%swap3A_67] {strides = array<i32>} : memref<128xf32, #tpu.memory_space<vmem>>, vector<16xf32>,
    %swap3A_69 = vector.shape_cast %swap3A_68 : vector<16xf32> to vector<16xf32>
    %swap3A_70 = vector.shape_cast %scan3A_46#5 : vector<16xf32> to vector<16xf32>
    tpu.vector_store %arg10[%swap3A_67], %swap3A_70 {strides = array<i32>} : memref<128xf32, #tpu.memory_space<vmem>>, vector<16xf32>,
    %swap3A_71 = arith.constant 96 : index
    %swap3A_72 = tpu.vector_load %arg10[%swap3A_71] {strides = array<i32>} : memref<128xf32, #tpu.memory_space<vmem>>, vector<16xf32>,
    %swap3A_73 = vector.shape_cast %swap3A_72 : vector<16xf32> to vector<16xf32>
    %swap3A_74 = vector.shape_cast %scan3A_46#6 : vector<16xf32> to vector<16xf32>
    tpu.vector_store %arg10[%swap3A_71], %swap3A_74 {strides = array<i32>} : memref<128xf32, #tpu.memory_space<vmem>>, vector<16xf32>,
    %swap3A_75 = arith.constant 112 : index
    %swap3A_76 = tpu.vector_load %arg10[%swap3A_75] {strides = array<i32>} : memref<128xf32, #tpu.memory_space<vmem>>, vector<16xf32>,
    %swap3A_77 = vector.shape_cast %swap3A_76 : vector<16xf32> to vector<16xf32>
    %swap3A_78 = vector.shape_cast %scan3A_46#7 : vector<16xf32> to vector<16xf32>
    tpu.vector_store %arg10[%swap3A_75], %swap3A_78 {strides = array<i32>} : memref<128xf32, #tpu.memory_space<vmem>>, vector<16xf32>,
    "tpu.region"() ({
      %run_scoped3A = tpu.sem_alloc : memref<!tpu.dma_semaphore, #tpu.memory_space<semaphore_mem>>
      %dma_start3A_262 = arith.constant 0 : i32
      %dma_start3A_263 = tpu.memref_slice %arg4[%add3A, %dma_start3A_262] : memref<32x128xf32, #tpu.memory_space<hbm>> -> memref<1x128xf32, #tpu.memory_space<hbm>>
      %dma_start3A_264 = tpu.memref_squeeze %dma_start3A_263 : memref<1x128xf32, #tpu.memory_space<hbm>> -> memref<128xf32, #tpu.memory_space<hbm>>
      %dma_start3A_265 = arith.constant 0 : i32
      %dma_start3A_266 = tpu.memref_slice %arg4[%add3A, %dma_start3A_265] : memref<32x128xf32, #tpu.memory_space<hbm>> -> memref<1x128xf32, #tpu.memory_space<hbm>>
      %dma_start3A_267 = tpu.memref_squeeze %dma_start3A_266 : memref<1x128xf32, #tpu.memory_space<hbm>> -> memref<128xf32, #tpu.memory_space<hbm>>
      tpu.enqueue_dma source(%arg10 : memref<128xf32, #tpu.memory_space<vmem>>) target(%dma_start3A_267 : memref<128xf32, #tpu.memory_space<hbm>>) target_semaphore(%run_scoped3A : memref<!tpu.dma_semaphore, #tpu.memory_space<semaphore_mem>>)
      %dma_wait3A_268 = arith.constant 0 : i32
      %dma_wait3A_269 = tpu.memref_slice %arg4[%add3A, %dma_wait3A_268] : memref<32x128xf32, #tpu.memory_space<hbm>> -> memref<1x128xf32, #tpu.memory_space<hbm>>
      %dma_wait3A_270 = tpu.memref_squeeze %dma_wait3A_269 : memref<1x128xf32, #tpu.memory_space<hbm>> -> memref<128xf32, #tpu.memory_space<hbm>>
      %dma_wait3A_271 = arith.constant 0 : i32
      %dma_wait3A_272 = tpu.memref_slice %arg4[%add3A, %dma_wait3A_271] : memref<32x128xf32, #tpu.memory_space<hbm>> -> memref<1x128xf32, #tpu.memory_space<hbm>>
      %dma_wait3A_273 = tpu.memref_squeeze %dma_wait3A_272 : memref<1x128xf32, #tpu.memory_space<hbm>> -> memref<128xf32, #tpu.memory_space<hbm>>
      tpu.wait_dma2 semaphore(%run_scoped3A : memref<!tpu.dma_semaphore, #tpu.memory_space<semaphore_mem>>) src(%arg10 : memref<128xf32, #tpu.memory_space<vmem>>) dst(%dma_wait3A_273 : memref<128xf32, #tpu.memory_space<hbm>>)
      tpu.yield
    }) : () -> ()
    %mul3A_79 = arith.constant 400 : i32
    %mul3A_80 = arith.muli %add3A, %mul3A_79 : i32
    %add3A_81 = arith.constant 0 : i32
    %add3A_82 = arith.addi %mul3A_80, %add3A_81 : i32
    %multiple_of3A_83 = tpu.assume_multiple %add3A_82, 8 : i32
    %dma_start3A_84 = arith.constant 0 : i32
    %dma_start3A_85 = tpu.memref_slice %arg3[%multiple_of3A_83, %dma_start3A_84] : memref<160000x256xf32, #tpu.memory_space<hbm>> -> memref<80x256xf32, #tpu.memory_space<hbm>>
    %dma_start3A_86 = arith.constant 0 : i32
    %dma_start3A_87 = tpu.memref_slice %arg3[%multiple_of3A_83, %dma_start3A_86] : memref<160000x256xf32, #tpu.memory_space<hbm>> -> memref<80x256xf32, #tpu.memory_space<hbm>>
    tpu.enqueue_dma source(%dma_start3A_87 : memref<80x256xf32, #tpu.memory_space<hbm>>) target(%arg8 : memref<80x256xf32, #tpu.memory_space<vmem>>) target_semaphore(%arg14 : memref<!tpu.dma_semaphore, #tpu.memory_space<semaphore_mem>>)
    %broadcast_in_dim3A_88 = arith.constant 0.000000e+00 : f32
    %broadcast_in_dim3A_89 = vector.broadcast %broadcast_in_dim3A_88 : f32 to vector<16xf32>
    %broadcast_in_dim3A_90 = arith.constant 0.000000e+00 : f32
    %broadcast_in_dim3A_91 = vector.broadcast %broadcast_in_dim3A_90 : f32 to vector<16xf32>
    %broadcast_in_dim3A_92 = arith.constant 0.000000e+00 : f32
    %broadcast_in_dim3A_93 = vector.broadcast %broadcast_in_dim3A_92 : f32 to vector<16xf32>
    %broadcast_in_dim3A_94 = arith.constant 0.000000e+00 : f32
    %broadcast_in_dim3A_95 = vector.broadcast %broadcast_in_dim3A_94 : f32 to vector<16xf32>
    %broadcast_in_dim3A_96 = arith.constant 0.000000e+00 : f32
    %broadcast_in_dim3A_97 = vector.broadcast %broadcast_in_dim3A_96 : f32 to vector<16xf32>
    %broadcast_in_dim3A_98 = arith.constant 0.000000e+00 : f32
    %broadcast_in_dim3A_99 = vector.broadcast %broadcast_in_dim3A_98 : f32 to vector<16xf32>
    %broadcast_in_dim3A_100 = arith.constant 0.000000e+00 : f32
    %broadcast_in_dim3A_101 = vector.broadcast %broadcast_in_dim3A_100 : f32 to vector<16xf32>
    %broadcast_in_dim3A_102 = arith.constant 0.000000e+00 : f32
    %broadcast_in_dim3A_103 = vector.broadcast %broadcast_in_dim3A_102 : f32 to vector<16xf32>
    %broadcast_in_dim3A_104 = arith.constant 0.000000e+00 : f32
    %broadcast_in_dim3A_105 = vector.broadcast %broadcast_in_dim3A_104 : f32 to vector<16xf32>
    %broadcast_in_dim3A_106 = arith.constant 0.000000e+00 : f32
    %broadcast_in_dim3A_107 = vector.broadcast %broadcast_in_dim3A_106 : f32 to vector<16xf32>
    %broadcast_in_dim3A_108 = arith.constant 0.000000e+00 : f32
    %broadcast_in_dim3A_109 = vector.broadcast %broadcast_in_dim3A_108 : f32 to vector<16xf32>
    %broadcast_in_dim3A_110 = arith.constant 0.000000e+00 : f32
    %broadcast_in_dim3A_111 = vector.broadcast %broadcast_in_dim3A_110 : f32 to vector<16xf32>
    %broadcast_in_dim3A_112 = arith.constant 0.000000e+00 : f32
    %broadcast_in_dim3A_113 = vector.broadcast %broadcast_in_dim3A_112 : f32 to vector<16xf32>
    %broadcast_in_dim3A_114 = arith.constant 0.000000e+00 : f32
    %broadcast_in_dim3A_115 = vector.broadcast %broadcast_in_dim3A_114 : f32 to vector<16xf32>
    %broadcast_in_dim3A_116 = arith.constant 0.000000e+00 : f32
    %broadcast_in_dim3A_117 = vector.broadcast %broadcast_in_dim3A_116 : f32 to vector<16xf32>
    %broadcast_in_dim3A_118 = arith.constant 0.000000e+00 : f32
    %broadcast_in_dim3A_119 = vector.broadcast %broadcast_in_dim3A_118 : f32 to vector<16xf32>
    %add3A_120 = arith.constant 80 : i32
    %add3A_121 = arith.addi %mul3A_80, %add3A_120 : i32
    %multiple_of3A_122 = tpu.assume_multiple %add3A_121, 8 : i32
    %dma_start3A_123 = arith.constant 0 : i32
    %dma_start3A_124 = tpu.memref_slice %arg3[%multiple_of3A_122, %dma_start3A_123] : memref<160000x256xf32, #tpu.memory_space<hbm>> -> memref<80x256xf32, #tpu.memory_space<hbm>>
    %dma_start3A_125 = arith.constant 0 : i32
    %dma_start3A_126 = tpu.memref_slice %arg3[%multiple_of3A_122, %dma_start3A_125] : memref<160000x256xf32, #tpu.memory_space<hbm>> -> memref<80x256xf32, #tpu.memory_space<hbm>>
    tpu.enqueue_dma source(%dma_start3A_126 : memref<80x256xf32, #tpu.memory_space<hbm>>) target(%arg9 : memref<80x256xf32, #tpu.memory_space<vmem>>) target_semaphore(%arg15 : memref<!tpu.dma_semaphore, #tpu.memory_space<semaphore_mem>>)
    %dma_wait3A_127 = arith.constant 0 : i32
    %dma_wait3A_128 = tpu.memref_slice %arg3[%multiple_of3A_83, %dma_wait3A_127] : memref<160000x256xf32, #tpu.memory_space<hbm>> -> memref<80x256xf32, #tpu.memory_space<hbm>>
    %dma_wait3A_129 = arith.constant 0 : i32
    %dma_wait3A_130 = tpu.memref_slice %arg3[%multiple_of3A_83, %dma_wait3A_129] : memref<160000x256xf32, #tpu.memory_space<hbm>> -> memref<80x256xf32, #tpu.memory_space<hbm>>
    tpu.wait_dma2 semaphore(%arg14 : memref<!tpu.dma_semaphore, #tpu.memory_space<semaphore_mem>>) src(%dma_wait3A_130 : memref<80x256xf32, #tpu.memory_space<hbm>>) dst(%arg8 : memref<80x256xf32, #tpu.memory_space<vmem>>)
    %scan3A_131 = arith.constant 0 : i32
    %scan3A_132 = arith.constant 40 : i32
    %scan3A_133 = arith.addi %scan3A_131, %scan3A_132 : i32
    %scan3A_134 = arith.constant 1 : i32
    %scan3A_135:16 = scf.for %scan3A_262 = %scan3A_131 to %scan3A_133 step %scan3A_134 iter_args(%scan3A_263 = %broadcast_in_dim3A_89, %scan3A_264 = %broadcast_in_dim3A_91, %scan3A_265 = %broadcast_in_dim3A_93, %scan3A_266 = %broadcast_in_dim3A_95, %scan3A_267 = %broadcast_in_dim3A_97, %scan3A_268 = %broadcast_in_dim3A_99, %scan3A_269 = %broadcast_in_dim3A_101, %scan3A_270 = %broadcast_in_dim3A_103, %scan3A_271 = %broadcast_in_dim3A_105, %scan3A_272 = %broadcast_in_dim3A_107, %scan3A_273 = %broadcast_in_dim3A_109, %scan3A_274 = %broadcast_in_dim3A_111, %scan3A_275 = %broadcast_in_dim3A_113, %scan3A_276 = %broadcast_in_dim3A_115, %scan3A_277 = %broadcast_in_dim3A_117, %scan3A_278 = %broadcast_in_dim3A_119) -> (vector<16xf32>, vector<16xf32>, vector<16xf32>, vector<16xf32>, vector<16xf32>, vector<16xf32>, vector<16xf32>, vector<16xf32>, vector<16xf32>, vector<16xf32>, vector<16xf32>, vector<16xf32>, vector<16xf32>, vector<16xf32>, vector<16xf32>, vector<16xf32>)  : i32 {
      %mul3A_279 = arith.constant 2 : i32
      %mul3A_280 = arith.muli %mul3A_279, %scan3A_262 : i32
      %get3A = arith.index_cast %mul3A_280 : i32 to index
      %get3A_281 = arith.constant 0 : index
      %get3A_282 = tpu.vector_load %arg8[%get3A, %get3A_281] {strides = array<i32>} : memref<80x256xf32, #tpu.memory_space<vmem>>, vector<1x16xf32>,
      %get3A_283 = vector.shape_cast %get3A_282 : vector<1x16xf32> to vector<16xf32>
      %add3A_284 = arith.addf %scan3A_263, %get3A_283 : vector<16xf32>
      %get3A_285 = arith.index_cast %mul3A_280 : i32 to index
      %get3A_286 = arith.constant 16 : index
      %get3A_287 = tpu.vector_load %arg8[%get3A_285, %get3A_286] {strides = array<i32>} : memref<80x256xf32, #tpu.memory_space<vmem>>, vector<1x16xf32>,
      %get3A_288 = vector.shape_cast %get3A_287 : vector<1x16xf32> to vector<16xf32>
      %add3A_289 = arith.addf %scan3A_264, %get3A_288 : vector<16xf32>
      %get3A_290 = arith.index_cast %mul3A_280 : i32 to index
      %get3A_291 = arith.constant 32 : index
      %get3A_292 = tpu.vector_load %arg8[%get3A_290, %get3A_291] {strides = array<i32>} : memref<80x256xf32, #tpu.memory_space<vmem>>, vector<1x16xf32>,
      %get3A_293 = vector.shape_cast %get3A_292 : vector<1x16xf32> to vector<16xf32>
      %add3A_294 = arith.addf %scan3A_265, %get3A_293 : vector<16xf32>
      %get3A_295 = arith.index_cast %mul3A_280 : i32 to index
      %get3A_296 = arith.constant 48 : index
      %get3A_297 = tpu.vector_load %arg8[%get3A_295, %get3A_296] {strides = array<i32>} : memref<80x256xf32, #tpu.memory_space<vmem>>, vector<1x16xf32>,
      %get3A_298 = vector.shape_cast %get3A_297 : vector<1x16xf32> to vector<16xf32>
      %add3A_299 = arith.addf %scan3A_266, %get3A_298 : vector<16xf32>
      %get3A_300 = arith.index_cast %mul3A_280 : i32 to index
      %get3A_301 = arith.constant 64 : index
      %get3A_302 = tpu.vector_load %arg8[%get3A_300, %get3A_301] {strides = array<i32>} : memref<80x256xf32, #tpu.memory_space<vmem>>, vector<1x16xf32>,
      %get3A_303 = vector.shape_cast %get3A_302 : vector<1x16xf32> to vector<16xf32>
      %add3A_304 = arith.addf %scan3A_267, %get3A_303 : vector<16xf32>
      %get3A_305 = arith.index_cast %mul3A_280 : i32 to index
      %get3A_306 = arith.constant 80 : index
      %get3A_307 = tpu.vector_load %arg8[%get3A_305, %get3A_306] {strides = array<i32>} : memref<80x256xf32, #tpu.memory_space<vmem>>, vector<1x16xf32>,
      %get3A_308 = vector.shape_cast %get3A_307 : vector<1x16xf32> to vector<16xf32>
      %add3A_309 = arith.addf %scan3A_268, %get3A_308 : vector<16xf32>
      %get3A_310 = arith.index_cast %mul3A_280 : i32 to index
      %get3A_311 = arith.constant 96 : index
      %get3A_312 = tpu.vector_load %arg8[%get3A_310, %get3A_311] {strides = array<i32>} : memref<80x256xf32, #tpu.memory_space<vmem>>, vector<1x16xf32>,
      %get3A_313 = vector.shape_cast %get3A_312 : vector<1x16xf32> to vector<16xf32>
      %add3A_314 = arith.addf %scan3A_269, %get3A_313 : vector<16xf32>
      %get3A_315 = arith.index_cast %mul3A_280 : i32 to index
      %get3A_316 = arith.constant 112 : index
      %get3A_317 = tpu.vector_load %arg8[%get3A_315, %get3A_316] {strides = array<i32>} : memref<80x256xf32, #tpu.memory_space<vmem>>, vector<1x16xf32>,
      %get3A_318 = vector.shape_cast %get3A_317 : vector<1x16xf32> to vector<16xf32>
      %add3A_319 = arith.addf %scan3A_270, %get3A_318 : vector<16xf32>
      %get3A_320 = arith.index_cast %mul3A_280 : i32 to index
      %get3A_321 = arith.constant 128 : index
      %get3A_322 = tpu.vector_load %arg8[%get3A_320, %get3A_321] {strides = array<i32>} : memref<80x256xf32, #tpu.memory_space<vmem>>, vector<1x16xf32>,
      %get3A_323 = vector.shape_cast %get3A_322 : vector<1x16xf32> to vector<16xf32>
      %add3A_324 = arith.addf %scan3A_271, %get3A_323 : vector<16xf32>
      %get3A_325 = arith.index_cast %mul3A_280 : i32 to index
      %get3A_326 = arith.constant 144 : index
      %get3A_327 = tpu.vector_load %arg8[%get3A_325, %get3A_326] {strides = array<i32>} : memref<80x256xf32, #tpu.memory_space<vmem>>, vector<1x16xf32>,
      %get3A_328 = vector.shape_cast %get3A_327 : vector<1x16xf32> to vector<16xf32>
      %add3A_329 = arith.addf %scan3A_272, %get3A_328 : vector<16xf32>
      %get3A_330 = arith.index_cast %mul3A_280 : i32 to index
      %get3A_331 = arith.constant 160 : index
      %get3A_332 = tpu.vector_load %arg8[%get3A_330, %get3A_331] {strides = array<i32>} : memref<80x256xf32, #tpu.memory_space<vmem>>, vector<1x16xf32>,
      %get3A_333 = vector.shape_cast %get3A_332 : vector<1x16xf32> to vector<16xf32>
      %add3A_334 = arith.addf %scan3A_273, %get3A_333 : vector<16xf32>
      %get3A_335 = arith.index_cast %mul3A_280 : i32 to index
      %get3A_336 = arith.constant 176 : index
      %get3A_337 = tpu.vector_load %arg8[%get3A_335, %get3A_336] {strides = array<i32>} : memref<80x256xf32, #tpu.memory_space<vmem>>, vector<1x16xf32>,
      %get3A_338 = vector.shape_cast %get3A_337 : vector<1x16xf32> to vector<16xf32>
      %add3A_339 = arith.addf %scan3A_274, %get3A_338 : vector<16xf32>
      %get3A_340 = arith.index_cast %mul3A_280 : i32 to index
      %get3A_341 = arith.constant 192 : index
      %get3A_342 = tpu.vector_load %arg8[%get3A_340, %get3A_341] {strides = array<i32>} : memref<80x256xf32, #tpu.memory_space<vmem>>, vector<1x16xf32>,
      %get3A_343 = vector.shape_cast %get3A_342 : vector<1x16xf32> to vector<16xf32>
      %add3A_344 = arith.addf %scan3A_275, %get3A_343 : vector<16xf32>
      %get3A_345 = arith.index_cast %mul3A_280 : i32 to index
      %get3A_346 = arith.constant 208 : index
      %get3A_347 = tpu.vector_load %arg8[%get3A_345, %get3A_346] {strides = array<i32>} : memref<80x256xf32, #tpu.memory_space<vmem>>, vector<1x16xf32>,
      %get3A_348 = vector.shape_cast %get3A_347 : vector<1x16xf32> to vector<16xf32>
      %add3A_349 = arith.addf %scan3A_276, %get3A_348 : vector<16xf32>
      %get3A_350 = arith.index_cast %mul3A_280 : i32 to index
      %get3A_351 = arith.constant 224 : index
      %get3A_352 = tpu.vector_load %arg8[%get3A_350, %get3A_351] {strides = array<i32>} : memref<80x256xf32, #tpu.memory_space<vmem>>, vector<1x16xf32>,
      %get3A_353 = vector.shape_cast %get3A_352 : vector<1x16xf32> to vector<16xf32>
      %add3A_354 = arith.addf %scan3A_277, %get3A_353 : vector<16xf32>
      %get3A_355 = arith.index_cast %mul3A_280 : i32 to index
      %get3A_356 = arith.constant 240 : index
      %get3A_357 = tpu.vector_load %arg8[%get3A_355, %get3A_356] {strides = array<i32>} : memref<80x256xf32, #tpu.memory_space<vmem>>, vector<1x16xf32>,
      %get3A_358 = vector.shape_cast %get3A_357 : vector<1x16xf32> to vector<16xf32>
      %add3A_359 = arith.addf %scan3A_278, %get3A_358 : vector<16xf32>
      %add3A_360 = arith.constant 1 : i32
      %add3A_361 = arith.addi %mul3A_280, %add3A_360 : i32
      %get3A_362 = arith.index_cast %add3A_361 : i32 to index
      %get3A_363 = arith.constant 0 : index
      %get3A_364 = tpu.vector_load %arg8[%get3A_362, %get3A_363] {strides = array<i32>} : memref<80x256xf32, #tpu.memory_space<vmem>>, vector<1x16xf32>,
      %get3A_365 = vector.shape_cast %get3A_364 : vector<1x16xf32> to vector<16xf32>
      %add3A_366 = arith.addf %add3A_284, %get3A_365 : vector<16xf32>
      %add3A_367 = arith.constant 1 : i32
      %add3A_368 = arith.addi %mul3A_280, %add3A_367 : i32
      %get3A_369 = arith.index_cast %add3A_368 : i32 to index
      %get3A_370 = arith.constant 16 : index
      %get3A_371 = tpu.vector_load %arg8[%get3A_369, %get3A_370] {strides = array<i32>} : memref<80x256xf32, #tpu.memory_space<vmem>>, vector<1x16xf32>,
      %get3A_372 = vector.shape_cast %get3A_371 : vector<1x16xf32> to vector<16xf32>
      %add3A_373 = arith.addf %add3A_289, %get3A_372 : vector<16xf32>
      %add3A_374 = arith.constant 1 : i32
      %add3A_375 = arith.addi %mul3A_280, %add3A_374 : i32
      %get3A_376 = arith.index_cast %add3A_375 : i32 to index
      %get3A_377 = arith.constant 32 : index
      %get3A_378 = tpu.vector_load %arg8[%get3A_376, %get3A_377] {strides = array<i32>} : memref<80x256xf32, #tpu.memory_space<vmem>>, vector<1x16xf32>,
      %get3A_379 = vector.shape_cast %get3A_378 : vector<1x16xf32> to vector<16xf32>
      %add3A_380 = arith.addf %add3A_294, %get3A_379 : vector<16xf32>
      %add3A_381 = arith.constant 1 : i32
      %add3A_382 = arith.addi %mul3A_280, %add3A_381 : i32
      %get3A_383 = arith.index_cast %add3A_382 : i32 to index
      %get3A_384 = arith.constant 48 : index
      %get3A_385 = tpu.vector_load %arg8[%get3A_383, %get3A_384] {strides = array<i32>} : memref<80x256xf32, #tpu.memory_space<vmem>>, vector<1x16xf32>,
      %get3A_386 = vector.shape_cast %get3A_385 : vector<1x16xf32> to vector<16xf32>
      %add3A_387 = arith.addf %add3A_299, %get3A_386 : vector<16xf32>
      %add3A_388 = arith.constant 1 : i32
      %add3A_389 = arith.addi %mul3A_280, %add3A_388 : i32
      %get3A_390 = arith.index_cast %add3A_389 : i32 to index
      %get3A_391 = arith.constant 64 : index
      %get3A_392 = tpu.vector_load %arg8[%get3A_390, %get3A_391] {strides = array<i32>} : memref<80x256xf32, #tpu.memory_space<vmem>>, vector<1x16xf32>,
      %get3A_393 = vector.shape_cast %get3A_392 : vector<1x16xf32> to vector<16xf32>
      %add3A_394 = arith.addf %add3A_304, %get3A_393 : vector<16xf32>
      %add3A_395 = arith.constant 1 : i32
      %add3A_396 = arith.addi %mul3A_280, %add3A_395 : i32
      %get3A_397 = arith.index_cast %add3A_396 : i32 to index
      %get3A_398 = arith.constant 80 : index
      %get3A_399 = tpu.vector_load %arg8[%get3A_397, %get3A_398] {strides = array<i32>} : memref<80x256xf32, #tpu.memory_space<vmem>>, vector<1x16xf32>,
      %get3A_400 = vector.shape_cast %get3A_399 : vector<1x16xf32> to vector<16xf32>
      %add3A_401 = arith.addf %add3A_309, %get3A_400 : vector<16xf32>
      %add3A_402 = arith.constant 1 : i32
      %add3A_403 = arith.addi %mul3A_280, %add3A_402 : i32
      %get3A_404 = arith.index_cast %add3A_403 : i32 to index
      %get3A_405 = arith.constant 96 : index
      %get3A_406 = tpu.vector_load %arg8[%get3A_404, %get3A_405] {strides = array<i32>} : memref<80x256xf32, #tpu.memory_space<vmem>>, vector<1x16xf32>,
      %get3A_407 = vector.shape_cast %get3A_406 : vector<1x16xf32> to vector<16xf32>
      %add3A_408 = arith.addf %add3A_314, %get3A_407 : vector<16xf32>
      %add3A_409 = arith.constant 1 : i32
      %add3A_410 = arith.addi %mul3A_280, %add3A_409 : i32
      %get3A_411 = arith.index_cast %add3A_410 : i32 to index
      %get3A_412 = arith.constant 112 : index
      %get3A_413 = tpu.vector_load %arg8[%get3A_411, %get3A_412] {strides = array<i32>} : memref<80x256xf32, #tpu.memory_space<vmem>>, vector<1x16xf32>,
      %get3A_414 = vector.shape_cast %get3A_413 : vector<1x16xf32> to vector<16xf32>
      %add3A_415 = arith.addf %add3A_319, %get3A_414 : vector<16xf32>
      %add3A_416 = arith.constant 1 : i32
      %add3A_417 = arith.addi %mul3A_280, %add3A_416 : i32
      %get3A_418 = arith.index_cast %add3A_417 : i32 to index
      %get3A_419 = arith.constant 128 : index
      %get3A_420 = tpu.vector_load %arg8[%get3A_418, %get3A_419] {strides = array<i32>} : memref<80x256xf32, #tpu.memory_space<vmem>>, vector<1x16xf32>,
      %get3A_421 = vector.shape_cast %get3A_420 : vector<1x16xf32> to vector<16xf32>
      %add3A_422 = arith.addf %add3A_324, %get3A_421 : vector<16xf32>
      %add3A_423 = arith.constant 1 : i32
      %add3A_424 = arith.addi %mul3A_280, %add3A_423 : i32
      %get3A_425 = arith.index_cast %add3A_424 : i32 to index
      %get3A_426 = arith.constant 144 : index
      %get3A_427 = tpu.vector_load %arg8[%get3A_425, %get3A_426] {strides = array<i32>} : memref<80x256xf32, #tpu.memory_space<vmem>>, vector<1x16xf32>,
      %get3A_428 = vector.shape_cast %get3A_427 : vector<1x16xf32> to vector<16xf32>
      %add3A_429 = arith.addf %add3A_329, %get3A_428 : vector<16xf32>
      %add3A_430 = arith.constant 1 : i32
      %add3A_431 = arith.addi %mul3A_280, %add3A_430 : i32
      %get3A_432 = arith.index_cast %add3A_431 : i32 to index
      %get3A_433 = arith.constant 160 : index
      %get3A_434 = tpu.vector_load %arg8[%get3A_432, %get3A_433] {strides = array<i32>} : memref<80x256xf32, #tpu.memory_space<vmem>>, vector<1x16xf32>,
      %get3A_435 = vector.shape_cast %get3A_434 : vector<1x16xf32> to vector<16xf32>
      %add3A_436 = arith.addf %add3A_334, %get3A_435 : vector<16xf32>
      %add3A_437 = arith.constant 1 : i32
      %add3A_438 = arith.addi %mul3A_280, %add3A_437 : i32
      %get3A_439 = arith.index_cast %add3A_438 : i32 to index
      %get3A_440 = arith.constant 176 : index
      %get3A_441 = tpu.vector_load %arg8[%get3A_439, %get3A_440] {strides = array<i32>} : memref<80x256xf32, #tpu.memory_space<vmem>>, vector<1x16xf32>,
      %get3A_442 = vector.shape_cast %get3A_441 : vector<1x16xf32> to vector<16xf32>
      %add3A_443 = arith.addf %add3A_339, %get3A_442 : vector<16xf32>
      %add3A_444 = arith.constant 1 : i32
      %add3A_445 = arith.addi %mul3A_280, %add3A_444 : i32
      %get3A_446 = arith.index_cast %add3A_445 : i32 to index
      %get3A_447 = arith.constant 192 : index
      %get3A_448 = tpu.vector_load %arg8[%get3A_446, %get3A_447] {strides = array<i32>} : memref<80x256xf32, #tpu.memory_space<vmem>>, vector<1x16xf32>,
      %get3A_449 = vector.shape_cast %get3A_448 : vector<1x16xf32> to vector<16xf32>
      %add3A_450 = arith.addf %add3A_344, %get3A_449 : vector<16xf32>
      %add3A_451 = arith.constant 1 : i32
      %add3A_452 = arith.addi %mul3A_280, %add3A_451 : i32
      %get3A_453 = arith.index_cast %add3A_452 : i32 to index
      %get3A_454 = arith.constant 208 : index
      %get3A_455 = tpu.vector_load %arg8[%get3A_453, %get3A_454] {strides = array<i32>} : memref<80x256xf32, #tpu.memory_space<vmem>>, vector<1x16xf32>,
      %get3A_456 = vector.shape_cast %get3A_455 : vector<1x16xf32> to vector<16xf32>
      %add3A_457 = arith.addf %add3A_349, %get3A_456 : vector<16xf32>
      %add3A_458 = arith.constant 1 : i32
      %add3A_459 = arith.addi %mul3A_280, %add3A_458 : i32
      %get3A_460 = arith.index_cast %add3A_459 : i32 to index
      %get3A_461 = arith.constant 224 : index
      %get3A_462 = tpu.vector_load %arg8[%get3A_460, %get3A_461] {strides = array<i32>} : memref<80x256xf32, #tpu.memory_space<vmem>>, vector<1x16xf32>,
      %get3A_463 = vector.shape_cast %get3A_462 : vector<1x16xf32> to vector<16xf32>
      %add3A_464 = arith.addf %add3A_354, %get3A_463 : vector<16xf32>
      %add3A_465 = arith.constant 1 : i32
      %add3A_466 = arith.addi %mul3A_280, %add3A_465 : i32
      %get3A_467 = arith.index_cast %add3A_466 : i32 to index
      %get3A_468 = arith.constant 240 : index
      %get3A_469 = tpu.vector_load %arg8[%get3A_467, %get3A_468] {strides = array<i32>} : memref<80x256xf32, #tpu.memory_space<vmem>>, vector<1x16xf32>,
      %get3A_470 = vector.shape_cast %get3A_469 : vector<1x16xf32> to vector<16xf32>
      %add3A_471 = arith.addf %add3A_359, %get3A_470 : vector<16xf32>
      scf.yield %add3A_366, %add3A_373, %add3A_380, %add3A_387, %add3A_394, %add3A_401, %add3A_408, %add3A_415, %add3A_422, %add3A_429, %add3A_436, %add3A_443, %add3A_450, %add3A_457, %add3A_464, %add3A_471 : vector<16xf32>, vector<16xf32>, vector<16xf32>, vector<16xf32>, vector<16xf32>, vector<16xf32>, vector<16xf32>, vector<16xf32>, vector<16xf32>, vector<16xf32>, vector<16xf32>, vector<16xf32>, vector<16xf32>, vector<16xf32>, vector<16xf32>, vector<16xf32>
    }
    %scan3A_136 = arith.constant 40 : i32
    %add3A_137 = arith.constant 160 : i32
    %add3A_138 = arith.addi %mul3A_80, %add3A_137 : i32
    %multiple_of3A_139 = tpu.assume_multiple %add3A_138, 8 : i32
    %dma_start3A_140 = arith.constant 0 : i32
    %dma_start3A_141 = tpu.memref_slice %arg3[%multiple_of3A_139, %dma_start3A_140] : memref<160000x256xf32, #tpu.memory_space<hbm>> -> memref<80x256xf32, #tpu.memory_space<hbm>>
    %dma_start3A_142 = arith.constant 0 : i32
    %dma_start3A_143 = tpu.memref_slice %arg3[%multiple_of3A_139, %dma_start3A_142] : memref<160000x256xf32, #tpu.memory_space<hbm>> -> memref<80x256xf32, #tpu.memory_space<hbm>>
    tpu.enqueue_dma source(%dma_start3A_143 : memref<80x256xf32, #tpu.memory_space<hbm>>) target(%arg8 : memref<80x256xf32, #tpu.memory_space<vmem>>) target_semaphore(%arg14 : memref<!tpu.dma_semaphore, #tpu.memory_space<semaphore_mem>>)
    %dma_wait3A_144 = arith.constant 0 : i32
    %dma_wait3A_145 = tpu.memref_slice %arg3[%multiple_of3A_122, %dma_wait3A_144] : memref<160000x256xf32, #tpu.memory_space<hbm>> -> memref<80x256xf32, #tpu.memory_space<hbm>>
    %dma_wait3A_146 = arith.constant 0 : i32
    %dma_wait3A_147 = tpu.memref_slice %arg3[%multiple_of3A_122, %dma_wait3A_146] : memref<160000x256xf32, #tpu.memory_space<hbm>> -> memref<80x256xf32, #tpu.memory_space<hbm>>
    tpu.wait_dma2 semaphore(%arg15 : memref<!tpu.dma_semaphore, #tpu.memory_space<semaphore_mem>>) src(%dma_wait3A_147 : memref<80x256xf32, #tpu.memory_space<hbm>>) dst(%arg9 : memref<80x256xf32, #tpu.memory_space<vmem>>)
    %scan3A_148 = arith.constant 0 : i32
    %scan3A_149 = arith.constant 40 : i32
    %scan3A_150 = arith.addi %scan3A_148, %scan3A_149 : i32
    %scan3A_151 = arith.constant 1 : i32
    %scan3A_152:16 = scf.for %scan3A_262 = %scan3A_148 to %scan3A_150 step %scan3A_151 iter_args(%scan3A_263 = %scan3A_135#0, %scan3A_264 = %scan3A_135#1, %scan3A_265 = %scan3A_135#2, %scan3A_266 = %scan3A_135#3, %scan3A_267 = %scan3A_135#4, %scan3A_268 = %scan3A_135#5, %scan3A_269 = %scan3A_135#6, %scan3A_270 = %scan3A_135#7, %scan3A_271 = %scan3A_135#8, %scan3A_272 = %scan3A_135#9, %scan3A_273 = %scan3A_135#10, %scan3A_274 = %scan3A_135#11, %scan3A_275 = %scan3A_135#12, %scan3A_276 = %scan3A_135#13, %scan3A_277 = %scan3A_135#14, %scan3A_278 = %scan3A_135#15) -> (vector<16xf32>, vector<16xf32>, vector<16xf32>, vector<16xf32>, vector<16xf32>, vector<16xf32>, vector<16xf32>, vector<16xf32>, vector<16xf32>, vector<16xf32>, vector<16xf32>, vector<16xf32>, vector<16xf32>, vector<16xf32>, vector<16xf32>, vector<16xf32>)  : i32 {
      %mul3A_279 = arith.constant 2 : i32
      %mul3A_280 = arith.muli %mul3A_279, %scan3A_262 : i32
      %get3A = arith.index_cast %mul3A_280 : i32 to index
      %get3A_281 = arith.constant 0 : index
      %get3A_282 = tpu.vector_load %arg9[%get3A, %get3A_281] {strides = array<i32>} : memref<80x256xf32, #tpu.memory_space<vmem>>, vector<1x16xf32>,
      %get3A_283 = vector.shape_cast %get3A_282 : vector<1x16xf32> to vector<16xf32>
      %add3A_284 = arith.addf %scan3A_263, %get3A_283 : vector<16xf32>
      %get3A_285 = arith.index_cast %mul3A_280 : i32 to index
      %get3A_286 = arith.constant 16 : index
      %get3A_287 = tpu.vector_load %arg9[%get3A_285, %get3A_286] {strides = array<i32>} : memref<80x256xf32, #tpu.memory_space<vmem>>, vector<1x16xf32>,
      %get3A_288 = vector.shape_cast %get3A_287 : vector<1x16xf32> to vector<16xf32>
      %add3A_289 = arith.addf %scan3A_264, %get3A_288 : vector<16xf32>
      %get3A_290 = arith.index_cast %mul3A_280 : i32 to index
      %get3A_291 = arith.constant 32 : index
      %get3A_292 = tpu.vector_load %arg9[%get3A_290, %get3A_291] {strides = array<i32>} : memref<80x256xf32, #tpu.memory_space<vmem>>, vector<1x16xf32>,
      %get3A_293 = vector.shape_cast %get3A_292 : vector<1x16xf32> to vector<16xf32>
      %add3A_294 = arith.addf %scan3A_265, %get3A_293 : vector<16xf32>
      %get3A_295 = arith.index_cast %mul3A_280 : i32 to index
      %get3A_296 = arith.constant 48 : index
      %get3A_297 = tpu.vector_load %arg9[%get3A_295, %get3A_296] {strides = array<i32>} : memref<80x256xf32, #tpu.memory_space<vmem>>, vector<1x16xf32>,
      %get3A_298 = vector.shape_cast %get3A_297 : vector<1x16xf32> to vector<16xf32>
      %add3A_299 = arith.addf %scan3A_266, %get3A_298 : vector<16xf32>
      %get3A_300 = arith.index_cast %mul3A_280 : i32 to index
      %get3A_301 = arith.constant 64 : index
      %get3A_302 = tpu.vector_load %arg9[%get3A_300, %get3A_301] {strides = array<i32>} : memref<80x256xf32, #tpu.memory_space<vmem>>, vector<1x16xf32>,
      %get3A_303 = vector.shape_cast %get3A_302 : vector<1x16xf32> to vector<16xf32>
      %add3A_304 = arith.addf %scan3A_267, %get3A_303 : vector<16xf32>
      %get3A_305 = arith.index_cast %mul3A_280 : i32 to index
      %get3A_306 = arith.constant 80 : index
      %get3A_307 = tpu.vector_load %arg9[%get3A_305, %get3A_306] {strides = array<i32>} : memref<80x256xf32, #tpu.memory_space<vmem>>, vector<1x16xf32>,
      %get3A_308 = vector.shape_cast %get3A_307 : vector<1x16xf32> to vector<16xf32>
      %add3A_309 = arith.addf %scan3A_268, %get3A_308 : vector<16xf32>
      %get3A_310 = arith.index_cast %mul3A_280 : i32 to index
      %get3A_311 = arith.constant 96 : index
      %get3A_312 = tpu.vector_load %arg9[%get3A_310, %get3A_311] {strides = array<i32>} : memref<80x256xf32, #tpu.memory_space<vmem>>, vector<1x16xf32>,
      %get3A_313 = vector.shape_cast %get3A_312 : vector<1x16xf32> to vector<16xf32>
      %add3A_314 = arith.addf %scan3A_269, %get3A_313 : vector<16xf32>
      %get3A_315 = arith.index_cast %mul3A_280 : i32 to index
      %get3A_316 = arith.constant 112 : index
      %get3A_317 = tpu.vector_load %arg9[%get3A_315, %get3A_316] {strides = array<i32>} : memref<80x256xf32, #tpu.memory_space<vmem>>, vector<1x16xf32>,
      %get3A_318 = vector.shape_cast %get3A_317 : vector<1x16xf32> to vector<16xf32>
      %add3A_319 = arith.addf %scan3A_270, %get3A_318 : vector<16xf32>
      %get3A_320 = arith.index_cast %mul3A_280 : i32 to index
      %get3A_321 = arith.constant 128 : index
      %get3A_322 = tpu.vector_load %arg9[%get3A_320, %get3A_321] {strides = array<i32>} : memref<80x256xf32, #tpu.memory_space<vmem>>, vector<1x16xf32>,
      %get3A_323 = vector.shape_cast %get3A_322 : vector<1x16xf32> to vector<16xf32>
      %add3A_324 = arith.addf %scan3A_271, %get3A_323 : vector<16xf32>
      %get3A_325 = arith.index_cast %mul3A_280 : i32 to index
      %get3A_326 = arith.constant 144 : index
      %get3A_327 = tpu.vector_load %arg9[%get3A_325, %get3A_326] {strides = array<i32>} : memref<80x256xf32, #tpu.memory_space<vmem>>, vector<1x16xf32>,
      %get3A_328 = vector.shape_cast %get3A_327 : vector<1x16xf32> to vector<16xf32>
      %add3A_329 = arith.addf %scan3A_272, %get3A_328 : vector<16xf32>
      %get3A_330 = arith.index_cast %mul3A_280 : i32 to index
      %get3A_331 = arith.constant 160 : index
      %get3A_332 = tpu.vector_load %arg9[%get3A_330, %get3A_331] {strides = array<i32>} : memref<80x256xf32, #tpu.memory_space<vmem>>, vector<1x16xf32>,
      %get3A_333 = vector.shape_cast %get3A_332 : vector<1x16xf32> to vector<16xf32>
      %add3A_334 = arith.addf %scan3A_273, %get3A_333 : vector<16xf32>
      %get3A_335 = arith.index_cast %mul3A_280 : i32 to index
      %get3A_336 = arith.constant 176 : index
      %get3A_337 = tpu.vector_load %arg9[%get3A_335, %get3A_336] {strides = array<i32>} : memref<80x256xf32, #tpu.memory_space<vmem>>, vector<1x16xf32>,
      %get3A_338 = vector.shape_cast %get3A_337 : vector<1x16xf32> to vector<16xf32>
      %add3A_339 = arith.addf %scan3A_274, %get3A_338 : vector<16xf32>
      %get3A_340 = arith.index_cast %mul3A_280 : i32 to index
      %get3A_341 = arith.constant 192 : index
      %get3A_342 = tpu.vector_load %arg9[%get3A_340, %get3A_341] {strides = array<i32>} : memref<80x256xf32, #tpu.memory_space<vmem>>, vector<1x16xf32>,
      %get3A_343 = vector.shape_cast %get3A_342 : vector<1x16xf32> to vector<16xf32>
      %add3A_344 = arith.addf %scan3A_275, %get3A_343 : vector<16xf32>
      %get3A_345 = arith.index_cast %mul3A_280 : i32 to index
      %get3A_346 = arith.constant 208 : index
      %get3A_347 = tpu.vector_load %arg9[%get3A_345, %get3A_346] {strides = array<i32>} : memref<80x256xf32, #tpu.memory_space<vmem>>, vector<1x16xf32>,
      %get3A_348 = vector.shape_cast %get3A_347 : vector<1x16xf32> to vector<16xf32>
      %add3A_349 = arith.addf %scan3A_276, %get3A_348 : vector<16xf32>
      %get3A_350 = arith.index_cast %mul3A_280 : i32 to index
      %get3A_351 = arith.constant 224 : index
      %get3A_352 = tpu.vector_load %arg9[%get3A_350, %get3A_351] {strides = array<i32>} : memref<80x256xf32, #tpu.memory_space<vmem>>, vector<1x16xf32>,
      %get3A_353 = vector.shape_cast %get3A_352 : vector<1x16xf32> to vector<16xf32>
      %add3A_354 = arith.addf %scan3A_277, %get3A_353 : vector<16xf32>
      %get3A_355 = arith.index_cast %mul3A_280 : i32 to index
      %get3A_356 = arith.constant 240 : index
      %get3A_357 = tpu.vector_load %arg9[%get3A_355, %get3A_356] {strides = array<i32>} : memref<80x256xf32, #tpu.memory_space<vmem>>, vector<1x16xf32>,
      %get3A_358 = vector.shape_cast %get3A_357 : vector<1x16xf32> to vector<16xf32>
      %add3A_359 = arith.addf %scan3A_278, %get3A_358 : vector<16xf32>
      %add3A_360 = arith.constant 1 : i32
      %add3A_361 = arith.addi %mul3A_280, %add3A_360 : i32
      %get3A_362 = arith.index_cast %add3A_361 : i32 to index
      %get3A_363 = arith.constant 0 : index
      %get3A_364 = tpu.vector_load %arg9[%get3A_362, %get3A_363] {strides = array<i32>} : memref<80x256xf32, #tpu.memory_space<vmem>>, vector<1x16xf32>,
      %get3A_365 = vector.shape_cast %get3A_364 : vector<1x16xf32> to vector<16xf32>
      %add3A_366 = arith.addf %add3A_284, %get3A_365 : vector<16xf32>
      %add3A_367 = arith.constant 1 : i32
      %add3A_368 = arith.addi %mul3A_280, %add3A_367 : i32
      %get3A_369 = arith.index_cast %add3A_368 : i32 to index
      %get3A_370 = arith.constant 16 : index
      %get3A_371 = tpu.vector_load %arg9[%get3A_369, %get3A_370] {strides = array<i32>} : memref<80x256xf32, #tpu.memory_space<vmem>>, vector<1x16xf32>,
      %get3A_372 = vector.shape_cast %get3A_371 : vector<1x16xf32> to vector<16xf32>
      %add3A_373 = arith.addf %add3A_289, %get3A_372 : vector<16xf32>
      %add3A_374 = arith.constant 1 : i32
      %add3A_375 = arith.addi %mul3A_280, %add3A_374 : i32
      %get3A_376 = arith.index_cast %add3A_375 : i32 to index
      %get3A_377 = arith.constant 32 : index
      %get3A_378 = tpu.vector_load %arg9[%get3A_376, %get3A_377] {strides = array<i32>} : memref<80x256xf32, #tpu.memory_space<vmem>>, vector<1x16xf32>,
      %get3A_379 = vector.shape_cast %get3A_378 : vector<1x16xf32> to vector<16xf32>
      %add3A_380 = arith.addf %add3A_294, %get3A_379 : vector<16xf32>
      %add3A_381 = arith.constant 1 : i32
      %add3A_382 = arith.addi %mul3A_280, %add3A_381 : i32
      %get3A_383 = arith.index_cast %add3A_382 : i32 to index
      %get3A_384 = arith.constant 48 : index
      %get3A_385 = tpu.vector_load %arg9[%get3A_383, %get3A_384] {strides = array<i32>} : memref<80x256xf32, #tpu.memory_space<vmem>>, vector<1x16xf32>,
      %get3A_386 = vector.shape_cast %get3A_385 : vector<1x16xf32> to vector<16xf32>
      %add3A_387 = arith.addf %add3A_299, %get3A_386 : vector<16xf32>
      %add3A_388 = arith.constant 1 : i32
      %add3A_389 = arith.addi %mul3A_280, %add3A_388 : i32
      %get3A_390 = arith.index_cast %add3A_389 : i32 to index
      %get3A_391 = arith.constant 64 : index
      %get3A_392 = tpu.vector_load %arg9[%get3A_390, %get3A_391] {strides = array<i32>} : memref<80x256xf32, #tpu.memory_space<vmem>>, vector<1x16xf32>,
      %get3A_393 = vector.shape_cast %get3A_392 : vector<1x16xf32> to vector<16xf32>
      %add3A_394 = arith.addf %add3A_304, %get3A_393 : vector<16xf32>
      %add3A_395 = arith.constant 1 : i32
      %add3A_396 = arith.addi %mul3A_280, %add3A_395 : i32
      %get3A_397 = arith.index_cast %add3A_396 : i32 to index
      %get3A_398 = arith.constant 80 : index
      %get3A_399 = tpu.vector_load %arg9[%get3A_397, %get3A_398] {strides = array<i32>} : memref<80x256xf32, #tpu.memory_space<vmem>>, vector<1x16xf32>,
      %get3A_400 = vector.shape_cast %get3A_399 : vector<1x16xf32> to vector<16xf32>
      %add3A_401 = arith.addf %add3A_309, %get3A_400 : vector<16xf32>
      %add3A_402 = arith.constant 1 : i32
      %add3A_403 = arith.addi %mul3A_280, %add3A_402 : i32
      %get3A_404 = arith.index_cast %add3A_403 : i32 to index
      %get3A_405 = arith.constant 96 : index
      %get3A_406 = tpu.vector_load %arg9[%get3A_404, %get3A_405] {strides = array<i32>} : memref<80x256xf32, #tpu.memory_space<vmem>>, vector<1x16xf32>,
      %get3A_407 = vector.shape_cast %get3A_406 : vector<1x16xf32> to vector<16xf32>
      %add3A_408 = arith.addf %add3A_314, %get3A_407 : vector<16xf32>
      %add3A_409 = arith.constant 1 : i32
      %add3A_410 = arith.addi %mul3A_280, %add3A_409 : i32
      %get3A_411 = arith.index_cast %add3A_410 : i32 to index
      %get3A_412 = arith.constant 112 : index
      %get3A_413 = tpu.vector_load %arg9[%get3A_411, %get3A_412] {strides = array<i32>} : memref<80x256xf32, #tpu.memory_space<vmem>>, vector<1x16xf32>,
      %get3A_414 = vector.shape_cast %get3A_413 : vector<1x16xf32> to vector<16xf32>
      %add3A_415 = arith.addf %add3A_319, %get3A_414 : vector<16xf32>
      %add3A_416 = arith.constant 1 : i32
      %add3A_417 = arith.addi %mul3A_280, %add3A_416 : i32
      %get3A_418 = arith.index_cast %add3A_417 : i32 to index
      %get3A_419 = arith.constant 128 : index
      %get3A_420 = tpu.vector_load %arg9[%get3A_418, %get3A_419] {strides = array<i32>} : memref<80x256xf32, #tpu.memory_space<vmem>>, vector<1x16xf32>,
      %get3A_421 = vector.shape_cast %get3A_420 : vector<1x16xf32> to vector<16xf32>
      %add3A_422 = arith.addf %add3A_324, %get3A_421 : vector<16xf32>
      %add3A_423 = arith.constant 1 : i32
      %add3A_424 = arith.addi %mul3A_280, %add3A_423 : i32
      %get3A_425 = arith.index_cast %add3A_424 : i32 to index
      %get3A_426 = arith.constant 144 : index
      %get3A_427 = tpu.vector_load %arg9[%get3A_425, %get3A_426] {strides = array<i32>} : memref<80x256xf32, #tpu.memory_space<vmem>>, vector<1x16xf32>,
      %get3A_428 = vector.shape_cast %get3A_427 : vector<1x16xf32> to vector<16xf32>
      %add3A_429 = arith.addf %add3A_329, %get3A_428 : vector<16xf32>
      %add3A_430 = arith.constant 1 : i32
      %add3A_431 = arith.addi %mul3A_280, %add3A_430 : i32
      %get3A_432 = arith.index_cast %add3A_431 : i32 to index
      %get3A_433 = arith.constant 160 : index
      %get3A_434 = tpu.vector_load %arg9[%get3A_432, %get3A_433] {strides = array<i32>} : memref<80x256xf32, #tpu.memory_space<vmem>>, vector<1x16xf32>,
      %get3A_435 = vector.shape_cast %get3A_434 : vector<1x16xf32> to vector<16xf32>
      %add3A_436 = arith.addf %add3A_334, %get3A_435 : vector<16xf32>
      %add3A_437 = arith.constant 1 : i32
      %add3A_438 = arith.addi %mul3A_280, %add3A_437 : i32
      %get3A_439 = arith.index_cast %add3A_438 : i32 to index
      %get3A_440 = arith.constant 176 : index
      %get3A_441 = tpu.vector_load %arg9[%get3A_439, %get3A_440] {strides = array<i32>} : memref<80x256xf32, #tpu.memory_space<vmem>>, vector<1x16xf32>,
      %get3A_442 = vector.shape_cast %get3A_441 : vector<1x16xf32> to vector<16xf32>
      %add3A_443 = arith.addf %add3A_339, %get3A_442 : vector<16xf32>
      %add3A_444 = arith.constant 1 : i32
      %add3A_445 = arith.addi %mul3A_280, %add3A_444 : i32
      %get3A_446 = arith.index_cast %add3A_445 : i32 to index
      %get3A_447 = arith.constant 192 : index
      %get3A_448 = tpu.vector_load %arg9[%get3A_446, %get3A_447] {strides = array<i32>} : memref<80x256xf32, #tpu.memory_space<vmem>>, vector<1x16xf32>,
      %get3A_449 = vector.shape_cast %get3A_448 : vector<1x16xf32> to vector<16xf32>
      %add3A_450 = arith.addf %add3A_344, %get3A_449 : vector<16xf32>
      %add3A_451 = arith.constant 1 : i32
      %add3A_452 = arith.addi %mul3A_280, %add3A_451 : i32
      %get3A_453 = arith.index_cast %add3A_452 : i32 to index
      %get3A_454 = arith.constant 208 : index
      %get3A_455 = tpu.vector_load %arg9[%get3A_453, %get3A_454] {strides = array<i32>} : memref<80x256xf32, #tpu.memory_space<vmem>>, vector<1x16xf32>,
      %get3A_456 = vector.shape_cast %get3A_455 : vector<1x16xf32> to vector<16xf32>
      %add3A_457 = arith.addf %add3A_349, %get3A_456 : vector<16xf32>
      %add3A_458 = arith.constant 1 : i32
      %add3A_459 = arith.addi %mul3A_280, %add3A_458 : i32
      %get3A_460 = arith.index_cast %add3A_459 : i32 to index
      %get3A_461 = arith.constant 224 : index
      %get3A_462 = tpu.vector_load %arg9[%get3A_460, %get3A_461] {strides = array<i32>} : memref<80x256xf32, #tpu.memory_space<vmem>>, vector<1x16xf32>,
      %get3A_463 = vector.shape_cast %get3A_462 : vector<1x16xf32> to vector<16xf32>
      %add3A_464 = arith.addf %add3A_354, %get3A_463 : vector<16xf32>
      %add3A_465 = arith.constant 1 : i32
      %add3A_466 = arith.addi %mul3A_280, %add3A_465 : i32
      %get3A_467 = arith.index_cast %add3A_466 : i32 to index
      %get3A_468 = arith.constant 240 : index
      %get3A_469 = tpu.vector_load %arg9[%get3A_467, %get3A_468] {strides = array<i32>} : memref<80x256xf32, #tpu.memory_space<vmem>>, vector<1x16xf32>,
      %get3A_470 = vector.shape_cast %get3A_469 : vector<1x16xf32> to vector<16xf32>
      %add3A_471 = arith.addf %add3A_359, %get3A_470 : vector<16xf32>
      scf.yield %add3A_366, %add3A_373, %add3A_380, %add3A_387, %add3A_394, %add3A_401, %add3A_408, %add3A_415, %add3A_422, %add3A_429, %add3A_436, %add3A_443, %add3A_450, %add3A_457, %add3A_464, %add3A_471 : vector<16xf32>, vector<16xf32>, vector<16xf32>, vector<16xf32>, vector<16xf32>, vector<16xf32>, vector<16xf32>, vector<16xf32>, vector<16xf32>, vector<16xf32>, vector<16xf32>, vector<16xf32>, vector<16xf32>, vector<16xf32>, vector<16xf32>, vector<16xf32>
    }
    %scan3A_153 = arith.constant 40 : i32
    %add3A_154 = arith.constant 240 : i32
    %add3A_155 = arith.addi %mul3A_80, %add3A_154 : i32
    %multiple_of3A_156 = tpu.assume_multiple %add3A_155, 8 : i32
    %dma_start3A_157 = arith.constant 0 : i32
    %dma_start3A_158 = tpu.memref_slice %arg3[%multiple_of3A_156, %dma_start3A_157] : memref<160000x256xf32, #tpu.memory_space<hbm>> -> memref<80x256xf32, #tpu.memory_space<hbm>>
    %dma_start3A_159 = arith.constant 0 : i32
    %dma_start3A_160 = tpu.memref_slice %arg3[%multiple_of3A_156, %dma_start3A_159] : memref<160000x256xf32, #tpu.memory_space<hbm>> -> memref<80x256xf32, #tpu.memory_space<hbm>>
    tpu.enqueue_dma source(%dma_start3A_160 : memref<80x256xf32, #tpu.memory_space<hbm>>) target(%arg9 : memref<80x256xf32, #tpu.memory_space<vmem>>) target_semaphore(%arg15 : memref<!tpu.dma_semaphore, #tpu.memory_space<semaphore_mem>>)
    %dma_wait3A_161 = arith.constant 0 : i32
    %dma_wait3A_162 = tpu.memref_slice %arg3[%multiple_of3A_139, %dma_wait3A_161] : memref<160000x256xf32, #tpu.memory_space<hbm>> -> memref<80x256xf32, #tpu.memory_space<hbm>>
    %dma_wait3A_163 = arith.constant 0 : i32
    %dma_wait3A_164 = tpu.memref_slice %arg3[%multiple_of3A_139, %dma_wait3A_163] : memref<160000x256xf32, #tpu.memory_space<hbm>> -> memref<80x256xf32, #tpu.memory_space<hbm>>
    tpu.wait_dma2 semaphore(%arg14 : memref<!tpu.dma_semaphore, #tpu.memory_space<semaphore_mem>>) src(%dma_wait3A_164 : memref<80x256xf32, #tpu.memory_space<hbm>>) dst(%arg8 : memref<80x256xf32, #tpu.memory_space<vmem>>)
    %scan3A_165 = arith.constant 0 : i32
    %scan3A_166 = arith.constant 40 : i32
    %scan3A_167 = arith.addi %scan3A_165, %scan3A_166 : i32
    %scan3A_168 = arith.constant 1 : i32
    %scan3A_169:16 = scf.for %scan3A_262 = %scan3A_165 to %scan3A_167 step %scan3A_168 iter_args(%scan3A_263 = %scan3A_152#0, %scan3A_264 = %scan3A_152#1, %scan3A_265 = %scan3A_152#2, %scan3A_266 = %scan3A_152#3, %scan3A_267 = %scan3A_152#4, %scan3A_268 = %scan3A_152#5, %scan3A_269 = %scan3A_152#6, %scan3A_270 = %scan3A_152#7, %scan3A_271 = %scan3A_152#8, %scan3A_272 = %scan3A_152#9, %scan3A_273 = %scan3A_152#10, %scan3A_274 = %scan3A_152#11, %scan3A_275 = %scan3A_152#12, %scan3A_276 = %scan3A_152#13, %scan3A_277 = %scan3A_152#14, %scan3A_278 = %scan3A_152#15) -> (vector<16xf32>, vector<16xf32>, vector<16xf32>, vector<16xf32>, vector<16xf32>, vector<16xf32>, vector<16xf32>, vector<16xf32>, vector<16xf32>, vector<16xf32>, vector<16xf32>, vector<16xf32>, vector<16xf32>, vector<16xf32>, vector<16xf32>, vector<16xf32>)  : i32 {
      %mul3A_279 = arith.constant 2 : i32
      %mul3A_280 = arith.muli %mul3A_279, %scan3A_262 : i32
      %get3A = arith.index_cast %mul3A_280 : i32 to index
      %get3A_281 = arith.constant 0 : index
      %get3A_282 = tpu.vector_load %arg8[%get3A, %get3A_281] {strides = array<i32>} : memref<80x256xf32, #tpu.memory_space<vmem>>, vector<1x16xf32>,
      %get3A_283 = vector.shape_cast %get3A_282 : vector<1x16xf32> to vector<16xf32>
      %add3A_284 = arith.addf %scan3A_263, %get3A_283 : vector<16xf32>
      %get3A_285 = arith.index_cast %mul3A_280 : i32 to index
      %get3A_286 = arith.constant 16 : index
      %get3A_287 = tpu.vector_load %arg8[%get3A_285, %get3A_286] {strides = array<i32>} : memref<80x256xf32, #tpu.memory_space<vmem>>, vector<1x16xf32>,
      %get3A_288 = vector.shape_cast %get3A_287 : vector<1x16xf32> to vector<16xf32>
      %add3A_289 = arith.addf %scan3A_264, %get3A_288 : vector<16xf32>
      %get3A_290 = arith.index_cast %mul3A_280 : i32 to index
      %get3A_291 = arith.constant 32 : index
      %get3A_292 = tpu.vector_load %arg8[%get3A_290, %get3A_291] {strides = array<i32>} : memref<80x256xf32, #tpu.memory_space<vmem>>, vector<1x16xf32>,
      %get3A_293 = vector.shape_cast %get3A_292 : vector<1x16xf32> to vector<16xf32>
      %add3A_294 = arith.addf %scan3A_265, %get3A_293 : vector<16xf32>
      %get3A_295 = arith.index_cast %mul3A_280 : i32 to index
      %get3A_296 = arith.constant 48 : index
      %get3A_297 = tpu.vector_load %arg8[%get3A_295, %get3A_296] {strides = array<i32>} : memref<80x256xf32, #tpu.memory_space<vmem>>, vector<1x16xf32>,
      %get3A_298 = vector.shape_cast %get3A_297 : vector<1x16xf32> to vector<16xf32>
      %add3A_299 = arith.addf %scan3A_266, %get3A_298 : vector<16xf32>
      %get3A_300 = arith.index_cast %mul3A_280 : i32 to index
      %get3A_301 = arith.constant 64 : index
      %get3A_302 = tpu.vector_load %arg8[%get3A_300, %get3A_301] {strides = array<i32>} : memref<80x256xf32, #tpu.memory_space<vmem>>, vector<1x16xf32>,
      %get3A_303 = vector.shape_cast %get3A_302 : vector<1x16xf32> to vector<16xf32>
      %add3A_304 = arith.addf %scan3A_267, %get3A_303 : vector<16xf32>
      %get3A_305 = arith.index_cast %mul3A_280 : i32 to index
      %get3A_306 = arith.constant 80 : index
      %get3A_307 = tpu.vector_load %arg8[%get3A_305, %get3A_306] {strides = array<i32>} : memref<80x256xf32, #tpu.memory_space<vmem>>, vector<1x16xf32>,
      %get3A_308 = vector.shape_cast %get3A_307 : vector<1x16xf32> to vector<16xf32>
      %add3A_309 = arith.addf %scan3A_268, %get3A_308 : vector<16xf32>
      %get3A_310 = arith.index_cast %mul3A_280 : i32 to index
      %get3A_311 = arith.constant 96 : index
      %get3A_312 = tpu.vector_load %arg8[%get3A_310, %get3A_311] {strides = array<i32>} : memref<80x256xf32, #tpu.memory_space<vmem>>, vector<1x16xf32>,
      %get3A_313 = vector.shape_cast %get3A_312 : vector<1x16xf32> to vector<16xf32>
      %add3A_314 = arith.addf %scan3A_269, %get3A_313 : vector<16xf32>
      %get3A_315 = arith.index_cast %mul3A_280 : i32 to index
      %get3A_316 = arith.constant 112 : index
      %get3A_317 = tpu.vector_load %arg8[%get3A_315, %get3A_316] {strides = array<i32>} : memref<80x256xf32, #tpu.memory_space<vmem>>, vector<1x16xf32>,
      %get3A_318 = vector.shape_cast %get3A_317 : vector<1x16xf32> to vector<16xf32>
      %add3A_319 = arith.addf %scan3A_270, %get3A_318 : vector<16xf32>
      %get3A_320 = arith.index_cast %mul3A_280 : i32 to index
      %get3A_321 = arith.constant 128 : index
      %get3A_322 = tpu.vector_load %arg8[%get3A_320, %get3A_321] {strides = array<i32>} : memref<80x256xf32, #tpu.memory_space<vmem>>, vector<1x16xf32>,
      %get3A_323 = vector.shape_cast %get3A_322 : vector<1x16xf32> to vector<16xf32>
      %add3A_324 = arith.addf %scan3A_271, %get3A_323 : vector<16xf32>
      %get3A_325 = arith.index_cast %mul3A_280 : i32 to index
      %get3A_326 = arith.constant 144 : index
      %get3A_327 = tpu.vector_load %arg8[%get3A_325, %get3A_326] {strides = array<i32>} : memref<80x256xf32, #tpu.memory_space<vmem>>, vector<1x16xf32>,
      %get3A_328 = vector.shape_cast %get3A_327 : vector<1x16xf32> to vector<16xf32>
      %add3A_329 = arith.addf %scan3A_272, %get3A_328 : vector<16xf32>
      %get3A_330 = arith.index_cast %mul3A_280 : i32 to index
      %get3A_331 = arith.constant 160 : index
      %get3A_332 = tpu.vector_load %arg8[%get3A_330, %get3A_331] {strides = array<i32>} : memref<80x256xf32, #tpu.memory_space<vmem>>, vector<1x16xf32>,
      %get3A_333 = vector.shape_cast %get3A_332 : vector<1x16xf32> to vector<16xf32>
      %add3A_334 = arith.addf %scan3A_273, %get3A_333 : vector<16xf32>
      %get3A_335 = arith.index_cast %mul3A_280 : i32 to index
      %get3A_336 = arith.constant 176 : index
      %get3A_337 = tpu.vector_load %arg8[%get3A_335, %get3A_336] {strides = array<i32>} : memref<80x256xf32, #tpu.memory_space<vmem>>, vector<1x16xf32>,
      %get3A_338 = vector.shape_cast %get3A_337 : vector<1x16xf32> to vector<16xf32>
      %add3A_339 = arith.addf %scan3A_274, %get3A_338 : vector<16xf32>
      %get3A_340 = arith.index_cast %mul3A_280 : i32 to index
      %get3A_341 = arith.constant 192 : index
      %get3A_342 = tpu.vector_load %arg8[%get3A_340, %get3A_341] {strides = array<i32>} : memref<80x256xf32, #tpu.memory_space<vmem>>, vector<1x16xf32>,
      %get3A_343 = vector.shape_cast %get3A_342 : vector<1x16xf32> to vector<16xf32>
      %add3A_344 = arith.addf %scan3A_275, %get3A_343 : vector<16xf32>
      %get3A_345 = arith.index_cast %mul3A_280 : i32 to index
      %get3A_346 = arith.constant 208 : index
      %get3A_347 = tpu.vector_load %arg8[%get3A_345, %get3A_346] {strides = array<i32>} : memref<80x256xf32, #tpu.memory_space<vmem>>, vector<1x16xf32>,
      %get3A_348 = vector.shape_cast %get3A_347 : vector<1x16xf32> to vector<16xf32>
      %add3A_349 = arith.addf %scan3A_276, %get3A_348 : vector<16xf32>
      %get3A_350 = arith.index_cast %mul3A_280 : i32 to index
      %get3A_351 = arith.constant 224 : index
      %get3A_352 = tpu.vector_load %arg8[%get3A_350, %get3A_351] {strides = array<i32>} : memref<80x256xf32, #tpu.memory_space<vmem>>, vector<1x16xf32>,
      %get3A_353 = vector.shape_cast %get3A_352 : vector<1x16xf32> to vector<16xf32>
      %add3A_354 = arith.addf %scan3A_277, %get3A_353 : vector<16xf32>
      %get3A_355 = arith.index_cast %mul3A_280 : i32 to index
      %get3A_356 = arith.constant 240 : index
      %get3A_357 = tpu.vector_load %arg8[%get3A_355, %get3A_356] {strides = array<i32>} : memref<80x256xf32, #tpu.memory_space<vmem>>, vector<1x16xf32>,
      %get3A_358 = vector.shape_cast %get3A_357 : vector<1x16xf32> to vector<16xf32>
      %add3A_359 = arith.addf %scan3A_278, %get3A_358 : vector<16xf32>
      %add3A_360 = arith.constant 1 : i32
      %add3A_361 = arith.addi %mul3A_280, %add3A_360 : i32
      %get3A_362 = arith.index_cast %add3A_361 : i32 to index
      %get3A_363 = arith.constant 0 : index
      %get3A_364 = tpu.vector_load %arg8[%get3A_362, %get3A_363] {strides = array<i32>} : memref<80x256xf32, #tpu.memory_space<vmem>>, vector<1x16xf32>,
      %get3A_365 = vector.shape_cast %get3A_364 : vector<1x16xf32> to vector<16xf32>
      %add3A_366 = arith.addf %add3A_284, %get3A_365 : vector<16xf32>
      %add3A_367 = arith.constant 1 : i32
      %add3A_368 = arith.addi %mul3A_280, %add3A_367 : i32
      %get3A_369 = arith.index_cast %add3A_368 : i32 to index
      %get3A_370 = arith.constant 16 : index
      %get3A_371 = tpu.vector_load %arg8[%get3A_369, %get3A_370] {strides = array<i32>} : memref<80x256xf32, #tpu.memory_space<vmem>>, vector<1x16xf32>,
      %get3A_372 = vector.shape_cast %get3A_371 : vector<1x16xf32> to vector<16xf32>
      %add3A_373 = arith.addf %add3A_289, %get3A_372 : vector<16xf32>
      %add3A_374 = arith.constant 1 : i32
      %add3A_375 = arith.addi %mul3A_280, %add3A_374 : i32
      %get3A_376 = arith.index_cast %add3A_375 : i32 to index
      %get3A_377 = arith.constant 32 : index
      %get3A_378 = tpu.vector_load %arg8[%get3A_376, %get3A_377] {strides = array<i32>} : memref<80x256xf32, #tpu.memory_space<vmem>>, vector<1x16xf32>,
      %get3A_379 = vector.shape_cast %get3A_378 : vector<1x16xf32> to vector<16xf32>
      %add3A_380 = arith.addf %add3A_294, %get3A_379 : vector<16xf32>
      %add3A_381 = arith.constant 1 : i32
      %add3A_382 = arith.addi %mul3A_280, %add3A_381 : i32
      %get3A_383 = arith.index_cast %add3A_382 : i32 to index
      %get3A_384 = arith.constant 48 : index
      %get3A_385 = tpu.vector_load %arg8[%get3A_383, %get3A_384] {strides = array<i32>} : memref<80x256xf32, #tpu.memory_space<vmem>>, vector<1x16xf32>,
      %get3A_386 = vector.shape_cast %get3A_385 : vector<1x16xf32> to vector<16xf32>
      %add3A_387 = arith.addf %add3A_299, %get3A_386 : vector<16xf32>
      %add3A_388 = arith.constant 1 : i32
      %add3A_389 = arith.addi %mul3A_280, %add3A_388 : i32
      %get3A_390 = arith.index_cast %add3A_389 : i32 to index
      %get3A_391 = arith.constant 64 : index
      %get3A_392 = tpu.vector_load %arg8[%get3A_390, %get3A_391] {strides = array<i32>} : memref<80x256xf32, #tpu.memory_space<vmem>>, vector<1x16xf32>,
      %get3A_393 = vector.shape_cast %get3A_392 : vector<1x16xf32> to vector<16xf32>
      %add3A_394 = arith.addf %add3A_304, %get3A_393 : vector<16xf32>
      %add3A_395 = arith.constant 1 : i32
      %add3A_396 = arith.addi %mul3A_280, %add3A_395 : i32
      %get3A_397 = arith.index_cast %add3A_396 : i32 to index
      %get3A_398 = arith.constant 80 : index
      %get3A_399 = tpu.vector_load %arg8[%get3A_397, %get3A_398] {strides = array<i32>} : memref<80x256xf32, #tpu.memory_space<vmem>>, vector<1x16xf32>,
      %get3A_400 = vector.shape_cast %get3A_399 : vector<1x16xf32> to vector<16xf32>
      %add3A_401 = arith.addf %add3A_309, %get3A_400 : vector<16xf32>
      %add3A_402 = arith.constant 1 : i32
      %add3A_403 = arith.addi %mul3A_280, %add3A_402 : i32
      %get3A_404 = arith.index_cast %add3A_403 : i32 to index
      %get3A_405 = arith.constant 96 : index
      %get3A_406 = tpu.vector_load %arg8[%get3A_404, %get3A_405] {strides = array<i32>} : memref<80x256xf32, #tpu.memory_space<vmem>>, vector<1x16xf32>,
      %get3A_407 = vector.shape_cast %get3A_406 : vector<1x16xf32> to vector<16xf32>
      %add3A_408 = arith.addf %add3A_314, %get3A_407 : vector<16xf32>
      %add3A_409 = arith.constant 1 : i32
      %add3A_410 = arith.addi %mul3A_280, %add3A_409 : i32
      %get3A_411 = arith.index_cast %add3A_410 : i32 to index
      %get3A_412 = arith.constant 112 : index
      %get3A_413 = tpu.vector_load %arg8[%get3A_411, %get3A_412] {strides = array<i32>} : memref<80x256xf32, #tpu.memory_space<vmem>>, vector<1x16xf32>,
      %get3A_414 = vector.shape_cast %get3A_413 : vector<1x16xf32> to vector<16xf32>
      %add3A_415 = arith.addf %add3A_319, %get3A_414 : vector<16xf32>
      %add3A_416 = arith.constant 1 : i32
      %add3A_417 = arith.addi %mul3A_280, %add3A_416 : i32
      %get3A_418 = arith.index_cast %add3A_417 : i32 to index
      %get3A_419 = arith.constant 128 : index
      %get3A_420 = tpu.vector_load %arg8[%get3A_418, %get3A_419] {strides = array<i32>} : memref<80x256xf32, #tpu.memory_space<vmem>>, vector<1x16xf32>,
      %get3A_421 = vector.shape_cast %get3A_420 : vector<1x16xf32> to vector<16xf32>
      %add3A_422 = arith.addf %add3A_324, %get3A_421 : vector<16xf32>
      %add3A_423 = arith.constant 1 : i32
      %add3A_424 = arith.addi %mul3A_280, %add3A_423 : i32
      %get3A_425 = arith.index_cast %add3A_424 : i32 to index
      %get3A_426 = arith.constant 144 : index
      %get3A_427 = tpu.vector_load %arg8[%get3A_425, %get3A_426] {strides = array<i32>} : memref<80x256xf32, #tpu.memory_space<vmem>>, vector<1x16xf32>,
      %get3A_428 = vector.shape_cast %get3A_427 : vector<1x16xf32> to vector<16xf32>
      %add3A_429 = arith.addf %add3A_329, %get3A_428 : vector<16xf32>
      %add3A_430 = arith.constant 1 : i32
      %add3A_431 = arith.addi %mul3A_280, %add3A_430 : i32
      %get3A_432 = arith.index_cast %add3A_431 : i32 to index
      %get3A_433 = arith.constant 160 : index
      %get3A_434 = tpu.vector_load %arg8[%get3A_432, %get3A_433] {strides = array<i32>} : memref<80x256xf32, #tpu.memory_space<vmem>>, vector<1x16xf32>,
      %get3A_435 = vector.shape_cast %get3A_434 : vector<1x16xf32> to vector<16xf32>
      %add3A_436 = arith.addf %add3A_334, %get3A_435 : vector<16xf32>
      %add3A_437 = arith.constant 1 : i32
      %add3A_438 = arith.addi %mul3A_280, %add3A_437 : i32
      %get3A_439 = arith.index_cast %add3A_438 : i32 to index
      %get3A_440 = arith.constant 176 : index
      %get3A_441 = tpu.vector_load %arg8[%get3A_439, %get3A_440] {strides = array<i32>} : memref<80x256xf32, #tpu.memory_space<vmem>>, vector<1x16xf32>,
      %get3A_442 = vector.shape_cast %get3A_441 : vector<1x16xf32> to vector<16xf32>
      %add3A_443 = arith.addf %add3A_339, %get3A_442 : vector<16xf32>
      %add3A_444 = arith.constant 1 : i32
      %add3A_445 = arith.addi %mul3A_280, %add3A_444 : i32
      %get3A_446 = arith.index_cast %add3A_445 : i32 to index
      %get3A_447 = arith.constant 192 : index
      %get3A_448 = tpu.vector_load %arg8[%get3A_446, %get3A_447] {strides = array<i32>} : memref<80x256xf32, #tpu.memory_space<vmem>>, vector<1x16xf32>,
      %get3A_449 = vector.shape_cast %get3A_448 : vector<1x16xf32> to vector<16xf32>
      %add3A_450 = arith.addf %add3A_344, %get3A_449 : vector<16xf32>
      %add3A_451 = arith.constant 1 : i32
      %add3A_452 = arith.addi %mul3A_280, %add3A_451 : i32
      %get3A_453 = arith.index_cast %add3A_452 : i32 to index
      %get3A_454 = arith.constant 208 : index
      %get3A_455 = tpu.vector_load %arg8[%get3A_453, %get3A_454] {strides = array<i32>} : memref<80x256xf32, #tpu.memory_space<vmem>>, vector<1x16xf32>,
      %get3A_456 = vector.shape_cast %get3A_455 : vector<1x16xf32> to vector<16xf32>
      %add3A_457 = arith.addf %add3A_349, %get3A_456 : vector<16xf32>
      %add3A_458 = arith.constant 1 : i32
      %add3A_459 = arith.addi %mul3A_280, %add3A_458 : i32
      %get3A_460 = arith.index_cast %add3A_459 : i32 to index
      %get3A_461 = arith.constant 224 : index
      %get3A_462 = tpu.vector_load %arg8[%get3A_460, %get3A_461] {strides = array<i32>} : memref<80x256xf32, #tpu.memory_space<vmem>>, vector<1x16xf32>,
      %get3A_463 = vector.shape_cast %get3A_462 : vector<1x16xf32> to vector<16xf32>
      %add3A_464 = arith.addf %add3A_354, %get3A_463 : vector<16xf32>
      %add3A_465 = arith.constant 1 : i32
      %add3A_466 = arith.addi %mul3A_280, %add3A_465 : i32
      %get3A_467 = arith.index_cast %add3A_466 : i32 to index
      %get3A_468 = arith.constant 240 : index
      %get3A_469 = tpu.vector_load %arg8[%get3A_467, %get3A_468] {strides = array<i32>} : memref<80x256xf32, #tpu.memory_space<vmem>>, vector<1x16xf32>,
      %get3A_470 = vector.shape_cast %get3A_469 : vector<1x16xf32> to vector<16xf32>
      %add3A_471 = arith.addf %add3A_359, %get3A_470 : vector<16xf32>
      scf.yield %add3A_366, %add3A_373, %add3A_380, %add3A_387, %add3A_394, %add3A_401, %add3A_408, %add3A_415, %add3A_422, %add3A_429, %add3A_436, %add3A_443, %add3A_450, %add3A_457, %add3A_464, %add3A_471 : vector<16xf32>, vector<16xf32>, vector<16xf32>, vector<16xf32>, vector<16xf32>, vector<16xf32>, vector<16xf32>, vector<16xf32>, vector<16xf32>, vector<16xf32>, vector<16xf32>, vector<16xf32>, vector<16xf32>, vector<16xf32>, vector<16xf32>, vector<16xf32>
    }
    %scan3A_170 = arith.constant 40 : i32
    %add3A_171 = arith.constant 320 : i32
    %add3A_172 = arith.addi %mul3A_80, %add3A_171 : i32
    %multiple_of3A_173 = tpu.assume_multiple %add3A_172, 8 : i32
    %dma_start3A_174 = arith.constant 0 : i32
    %dma_start3A_175 = tpu.memref_slice %arg3[%multiple_of3A_173, %dma_start3A_174] : memref<160000x256xf32, #tpu.memory_space<hbm>> -> memref<80x256xf32, #tpu.memory_space<hbm>>
    %dma_start3A_176 = arith.constant 0 : i32
    %dma_start3A_177 = tpu.memref_slice %arg3[%multiple_of3A_173, %dma_start3A_176] : memref<160000x256xf32, #tpu.memory_space<hbm>> -> memref<80x256xf32, #tpu.memory_space<hbm>>
    tpu.enqueue_dma source(%dma_start3A_177 : memref<80x256xf32, #tpu.memory_space<hbm>>) target(%arg8 : memref<80x256xf32, #tpu.memory_space<vmem>>) target_semaphore(%arg14 : memref<!tpu.dma_semaphore, #tpu.memory_space<semaphore_mem>>)
    %dma_wait3A_178 = arith.constant 0 : i32
    %dma_wait3A_179 = tpu.memref_slice %arg3[%multiple_of3A_156, %dma_wait3A_178] : memref<160000x256xf32, #tpu.memory_space<hbm>> -> memref<80x256xf32, #tpu.memory_space<hbm>>
    %dma_wait3A_180 = arith.constant 0 : i32
    %dma_wait3A_181 = tpu.memref_slice %arg3[%multiple_of3A_156, %dma_wait3A_180] : memref<160000x256xf32, #tpu.memory_space<hbm>> -> memref<80x256xf32, #tpu.memory_space<hbm>>
    tpu.wait_dma2 semaphore(%arg15 : memref<!tpu.dma_semaphore, #tpu.memory_space<semaphore_mem>>) src(%dma_wait3A_181 : memref<80x256xf32, #tpu.memory_space<hbm>>) dst(%arg9 : memref<80x256xf32, #tpu.memory_space<vmem>>)
    %scan3A_182 = arith.constant 0 : i32
    %scan3A_183 = arith.constant 40 : i32
    %scan3A_184 = arith.addi %scan3A_182, %scan3A_183 : i32
    %scan3A_185 = arith.constant 1 : i32
    %scan3A_186:16 = scf.for %scan3A_262 = %scan3A_182 to %scan3A_184 step %scan3A_185 iter_args(%scan3A_263 = %scan3A_169#0, %scan3A_264 = %scan3A_169#1, %scan3A_265 = %scan3A_169#2, %scan3A_266 = %scan3A_169#3, %scan3A_267 = %scan3A_169#4, %scan3A_268 = %scan3A_169#5, %scan3A_269 = %scan3A_169#6, %scan3A_270 = %scan3A_169#7, %scan3A_271 = %scan3A_169#8, %scan3A_272 = %scan3A_169#9, %scan3A_273 = %scan3A_169#10, %scan3A_274 = %scan3A_169#11, %scan3A_275 = %scan3A_169#12, %scan3A_276 = %scan3A_169#13, %scan3A_277 = %scan3A_169#14, %scan3A_278 = %scan3A_169#15) -> (vector<16xf32>, vector<16xf32>, vector<16xf32>, vector<16xf32>, vector<16xf32>, vector<16xf32>, vector<16xf32>, vector<16xf32>, vector<16xf32>, vector<16xf32>, vector<16xf32>, vector<16xf32>, vector<16xf32>, vector<16xf32>, vector<16xf32>, vector<16xf32>)  : i32 {
      %mul3A_279 = arith.constant 2 : i32
      %mul3A_280 = arith.muli %mul3A_279, %scan3A_262 : i32
      %get3A = arith.index_cast %mul3A_280 : i32 to index
      %get3A_281 = arith.constant 0 : index
      %get3A_282 = tpu.vector_load %arg9[%get3A, %get3A_281] {strides = array<i32>} : memref<80x256xf32, #tpu.memory_space<vmem>>, vector<1x16xf32>,
      %get3A_283 = vector.shape_cast %get3A_282 : vector<1x16xf32> to vector<16xf32>
      %add3A_284 = arith.addf %scan3A_263, %get3A_283 : vector<16xf32>
      %get3A_285 = arith.index_cast %mul3A_280 : i32 to index
      %get3A_286 = arith.constant 16 : index
      %get3A_287 = tpu.vector_load %arg9[%get3A_285, %get3A_286] {strides = array<i32>} : memref<80x256xf32, #tpu.memory_space<vmem>>, vector<1x16xf32>,
      %get3A_288 = vector.shape_cast %get3A_287 : vector<1x16xf32> to vector<16xf32>
      %add3A_289 = arith.addf %scan3A_264, %get3A_288 : vector<16xf32>
      %get3A_290 = arith.index_cast %mul3A_280 : i32 to index
      %get3A_291 = arith.constant 32 : index
      %get3A_292 = tpu.vector_load %arg9[%get3A_290, %get3A_291] {strides = array<i32>} : memref<80x256xf32, #tpu.memory_space<vmem>>, vector<1x16xf32>,
      %get3A_293 = vector.shape_cast %get3A_292 : vector<1x16xf32> to vector<16xf32>
      %add3A_294 = arith.addf %scan3A_265, %get3A_293 : vector<16xf32>
      %get3A_295 = arith.index_cast %mul3A_280 : i32 to index
      %get3A_296 = arith.constant 48 : index
      %get3A_297 = tpu.vector_load %arg9[%get3A_295, %get3A_296] {strides = array<i32>} : memref<80x256xf32, #tpu.memory_space<vmem>>, vector<1x16xf32>,
      %get3A_298 = vector.shape_cast %get3A_297 : vector<1x16xf32> to vector<16xf32>
      %add3A_299 = arith.addf %scan3A_266, %get3A_298 : vector<16xf32>
      %get3A_300 = arith.index_cast %mul3A_280 : i32 to index
      %get3A_301 = arith.constant 64 : index
      %get3A_302 = tpu.vector_load %arg9[%get3A_300, %get3A_301] {strides = array<i32>} : memref<80x256xf32, #tpu.memory_space<vmem>>, vector<1x16xf32>,
      %get3A_303 = vector.shape_cast %get3A_302 : vector<1x16xf32> to vector<16xf32>
      %add3A_304 = arith.addf %scan3A_267, %get3A_303 : vector<16xf32>
      %get3A_305 = arith.index_cast %mul3A_280 : i32 to index
      %get3A_306 = arith.constant 80 : index
      %get3A_307 = tpu.vector_load %arg9[%get3A_305, %get3A_306] {strides = array<i32>} : memref<80x256xf32, #tpu.memory_space<vmem>>, vector<1x16xf32>,
      %get3A_308 = vector.shape_cast %get3A_307 : vector<1x16xf32> to vector<16xf32>
      %add3A_309 = arith.addf %scan3A_268, %get3A_308 : vector<16xf32>
      %get3A_310 = arith.index_cast %mul3A_280 : i32 to index
      %get3A_311 = arith.constant 96 : index
      %get3A_312 = tpu.vector_load %arg9[%get3A_310, %get3A_311] {strides = array<i32>} : memref<80x256xf32, #tpu.memory_space<vmem>>, vector<1x16xf32>,
      %get3A_313 = vector.shape_cast %get3A_312 : vector<1x16xf32> to vector<16xf32>
      %add3A_314 = arith.addf %scan3A_269, %get3A_313 : vector<16xf32>
      %get3A_315 = arith.index_cast %mul3A_280 : i32 to index
      %get3A_316 = arith.constant 112 : index
      %get3A_317 = tpu.vector_load %arg9[%get3A_315, %get3A_316] {strides = array<i32>} : memref<80x256xf32, #tpu.memory_space<vmem>>, vector<1x16xf32>,
      %get3A_318 = vector.shape_cast %get3A_317 : vector<1x16xf32> to vector<16xf32>
      %add3A_319 = arith.addf %scan3A_270, %get3A_318 : vector<16xf32>
      %get3A_320 = arith.index_cast %mul3A_280 : i32 to index
      %get3A_321 = arith.constant 128 : index
      %get3A_322 = tpu.vector_load %arg9[%get3A_320, %get3A_321] {strides = array<i32>} : memref<80x256xf32, #tpu.memory_space<vmem>>, vector<1x16xf32>,
      %get3A_323 = vector.shape_cast %get3A_322 : vector<1x16xf32> to vector<16xf32>
      %add3A_324 = arith.addf %scan3A_271, %get3A_323 : vector<16xf32>
      %get3A_325 = arith.index_cast %mul3A_280 : i32 to index
      %get3A_326 = arith.constant 144 : index
      %get3A_327 = tpu.vector_load %arg9[%get3A_325, %get3A_326] {strides = array<i32>} : memref<80x256xf32, #tpu.memory_space<vmem>>, vector<1x16xf32>,
      %get3A_328 = vector.shape_cast %get3A_327 : vector<1x16xf32> to vector<16xf32>
      %add3A_329 = arith.addf %scan3A_272, %get3A_328 : vector<16xf32>
      %get3A_330 = arith.index_cast %mul3A_280 : i32 to index
      %get3A_331 = arith.constant 160 : index
      %get3A_332 = tpu.vector_load %arg9[%get3A_330, %get3A_331] {strides = array<i32>} : memref<80x256xf32, #tpu.memory_space<vmem>>, vector<1x16xf32>,
      %get3A_333 = vector.shape_cast %get3A_332 : vector<1x16xf32> to vector<16xf32>
      %add3A_334 = arith.addf %scan3A_273, %get3A_333 : vector<16xf32>
      %get3A_335 = arith.index_cast %mul3A_280 : i32 to index
      %get3A_336 = arith.constant 176 : index
      %get3A_337 = tpu.vector_load %arg9[%get3A_335, %get3A_336] {strides = array<i32>} : memref<80x256xf32, #tpu.memory_space<vmem>>, vector<1x16xf32>,
      %get3A_338 = vector.shape_cast %get3A_337 : vector<1x16xf32> to vector<16xf32>
      %add3A_339 = arith.addf %scan3A_274, %get3A_338 : vector<16xf32>
      %get3A_340 = arith.index_cast %mul3A_280 : i32 to index
      %get3A_341 = arith.constant 192 : index
      %get3A_342 = tpu.vector_load %arg9[%get3A_340, %get3A_341] {strides = array<i32>} : memref<80x256xf32, #tpu.memory_space<vmem>>, vector<1x16xf32>,
      %get3A_343 = vector.shape_cast %get3A_342 : vector<1x16xf32> to vector<16xf32>
      %add3A_344 = arith.addf %scan3A_275, %get3A_343 : vector<16xf32>
      %get3A_345 = arith.index_cast %mul3A_280 : i32 to index
      %get3A_346 = arith.constant 208 : index
      %get3A_347 = tpu.vector_load %arg9[%get3A_345, %get3A_346] {strides = array<i32>} : memref<80x256xf32, #tpu.memory_space<vmem>>, vector<1x16xf32>,
      %get3A_348 = vector.shape_cast %get3A_347 : vector<1x16xf32> to vector<16xf32>
      %add3A_349 = arith.addf %scan3A_276, %get3A_348 : vector<16xf32>
      %get3A_350 = arith.index_cast %mul3A_280 : i32 to index
      %get3A_351 = arith.constant 224 : index
      %get3A_352 = tpu.vector_load %arg9[%get3A_350, %get3A_351] {strides = array<i32>} : memref<80x256xf32, #tpu.memory_space<vmem>>, vector<1x16xf32>,
      %get3A_353 = vector.shape_cast %get3A_352 : vector<1x16xf32> to vector<16xf32>
      %add3A_354 = arith.addf %scan3A_277, %get3A_353 : vector<16xf32>
      %get3A_355 = arith.index_cast %mul3A_280 : i32 to index
      %get3A_356 = arith.constant 240 : index
      %get3A_357 = tpu.vector_load %arg9[%get3A_355, %get3A_356] {strides = array<i32>} : memref<80x256xf32, #tpu.memory_space<vmem>>, vector<1x16xf32>,
      %get3A_358 = vector.shape_cast %get3A_357 : vector<1x16xf32> to vector<16xf32>
      %add3A_359 = arith.addf %scan3A_278, %get3A_358 : vector<16xf32>
      %add3A_360 = arith.constant 1 : i32
      %add3A_361 = arith.addi %mul3A_280, %add3A_360 : i32
      %get3A_362 = arith.index_cast %add3A_361 : i32 to index
      %get3A_363 = arith.constant 0 : index
      %get3A_364 = tpu.vector_load %arg9[%get3A_362, %get3A_363] {strides = array<i32>} : memref<80x256xf32, #tpu.memory_space<vmem>>, vector<1x16xf32>,
      %get3A_365 = vector.shape_cast %get3A_364 : vector<1x16xf32> to vector<16xf32>
      %add3A_366 = arith.addf %add3A_284, %get3A_365 : vector<16xf32>
      %add3A_367 = arith.constant 1 : i32
      %add3A_368 = arith.addi %mul3A_280, %add3A_367 : i32
      %get3A_369 = arith.index_cast %add3A_368 : i32 to index
      %get3A_370 = arith.constant 16 : index
      %get3A_371 = tpu.vector_load %arg9[%get3A_369, %get3A_370] {strides = array<i32>} : memref<80x256xf32, #tpu.memory_space<vmem>>, vector<1x16xf32>,
      %get3A_372 = vector.shape_cast %get3A_371 : vector<1x16xf32> to vector<16xf32>
      %add3A_373 = arith.addf %add3A_289, %get3A_372 : vector<16xf32>
      %add3A_374 = arith.constant 1 : i32
      %add3A_375 = arith.addi %mul3A_280, %add3A_374 : i32
      %get3A_376 = arith.index_cast %add3A_375 : i32 to index
      %get3A_377 = arith.constant 32 : index
      %get3A_378 = tpu.vector_load %arg9[%get3A_376, %get3A_377] {strides = array<i32>} : memref<80x256xf32, #tpu.memory_space<vmem>>, vector<1x16xf32>,
      %get3A_379 = vector.shape_cast %get3A_378 : vector<1x16xf32> to vector<16xf32>
      %add3A_380 = arith.addf %add3A_294, %get3A_379 : vector<16xf32>
      %add3A_381 = arith.constant 1 : i32
      %add3A_382 = arith.addi %mul3A_280, %add3A_381 : i32
      %get3A_383 = arith.index_cast %add3A_382 : i32 to index
      %get3A_384 = arith.constant 48 : index
      %get3A_385 = tpu.vector_load %arg9[%get3A_383, %get3A_384] {strides = array<i32>} : memref<80x256xf32, #tpu.memory_space<vmem>>, vector<1x16xf32>,
      %get3A_386 = vector.shape_cast %get3A_385 : vector<1x16xf32> to vector<16xf32>
      %add3A_387 = arith.addf %add3A_299, %get3A_386 : vector<16xf32>
      %add3A_388 = arith.constant 1 : i32
      %add3A_389 = arith.addi %mul3A_280, %add3A_388 : i32
      %get3A_390 = arith.index_cast %add3A_389 : i32 to index
      %get3A_391 = arith.constant 64 : index
      %get3A_392 = tpu.vector_load %arg9[%get3A_390, %get3A_391] {strides = array<i32>} : memref<80x256xf32, #tpu.memory_space<vmem>>, vector<1x16xf32>,
      %get3A_393 = vector.shape_cast %get3A_392 : vector<1x16xf32> to vector<16xf32>
      %add3A_394 = arith.addf %add3A_304, %get3A_393 : vector<16xf32>
      %add3A_395 = arith.constant 1 : i32
      %add3A_396 = arith.addi %mul3A_280, %add3A_395 : i32
      %get3A_397 = arith.index_cast %add3A_396 : i32 to index
      %get3A_398 = arith.constant 80 : index
      %get3A_399 = tpu.vector_load %arg9[%get3A_397, %get3A_398] {strides = array<i32>} : memref<80x256xf32, #tpu.memory_space<vmem>>, vector<1x16xf32>,
      %get3A_400 = vector.shape_cast %get3A_399 : vector<1x16xf32> to vector<16xf32>
      %add3A_401 = arith.addf %add3A_309, %get3A_400 : vector<16xf32>
      %add3A_402 = arith.constant 1 : i32
      %add3A_403 = arith.addi %mul3A_280, %add3A_402 : i32
      %get3A_404 = arith.index_cast %add3A_403 : i32 to index
      %get3A_405 = arith.constant 96 : index
      %get3A_406 = tpu.vector_load %arg9[%get3A_404, %get3A_405] {strides = array<i32>} : memref<80x256xf32, #tpu.memory_space<vmem>>, vector<1x16xf32>,
      %get3A_407 = vector.shape_cast %get3A_406 : vector<1x16xf32> to vector<16xf32>
      %add3A_408 = arith.addf %add3A_314, %get3A_407 : vector<16xf32>
      %add3A_409 = arith.constant 1 : i32
      %add3A_410 = arith.addi %mul3A_280, %add3A_409 : i32
      %get3A_411 = arith.index_cast %add3A_410 : i32 to index
      %get3A_412 = arith.constant 112 : index
      %get3A_413 = tpu.vector_load %arg9[%get3A_411, %get3A_412] {strides = array<i32>} : memref<80x256xf32, #tpu.memory_space<vmem>>, vector<1x16xf32>,
      %get3A_414 = vector.shape_cast %get3A_413 : vector<1x16xf32> to vector<16xf32>
      %add3A_415 = arith.addf %add3A_319, %get3A_414 : vector<16xf32>
      %add3A_416 = arith.constant 1 : i32
      %add3A_417 = arith.addi %mul3A_280, %add3A_416 : i32
      %get3A_418 = arith.index_cast %add3A_417 : i32 to index
      %get3A_419 = arith.constant 128 : index
      %get3A_420 = tpu.vector_load %arg9[%get3A_418, %get3A_419] {strides = array<i32>} : memref<80x256xf32, #tpu.memory_space<vmem>>, vector<1x16xf32>,
      %get3A_421 = vector.shape_cast %get3A_420 : vector<1x16xf32> to vector<16xf32>
      %add3A_422 = arith.addf %add3A_324, %get3A_421 : vector<16xf32>
      %add3A_423 = arith.constant 1 : i32
      %add3A_424 = arith.addi %mul3A_280, %add3A_423 : i32
      %get3A_425 = arith.index_cast %add3A_424 : i32 to index
      %get3A_426 = arith.constant 144 : index
      %get3A_427 = tpu.vector_load %arg9[%get3A_425, %get3A_426] {strides = array<i32>} : memref<80x256xf32, #tpu.memory_space<vmem>>, vector<1x16xf32>,
      %get3A_428 = vector.shape_cast %get3A_427 : vector<1x16xf32> to vector<16xf32>
      %add3A_429 = arith.addf %add3A_329, %get3A_428 : vector<16xf32>
      %add3A_430 = arith.constant 1 : i32
      %add3A_431 = arith.addi %mul3A_280, %add3A_430 : i32
      %get3A_432 = arith.index_cast %add3A_431 : i32 to index
      %get3A_433 = arith.constant 160 : index
      %get3A_434 = tpu.vector_load %arg9[%get3A_432, %get3A_433] {strides = array<i32>} : memref<80x256xf32, #tpu.memory_space<vmem>>, vector<1x16xf32>,
      %get3A_435 = vector.shape_cast %get3A_434 : vector<1x16xf32> to vector<16xf32>
      %add3A_436 = arith.addf %add3A_334, %get3A_435 : vector<16xf32>
      %add3A_437 = arith.constant 1 : i32
      %add3A_438 = arith.addi %mul3A_280, %add3A_437 : i32
      %get3A_439 = arith.index_cast %add3A_438 : i32 to index
      %get3A_440 = arith.constant 176 : index
      %get3A_441 = tpu.vector_load %arg9[%get3A_439, %get3A_440] {strides = array<i32>} : memref<80x256xf32, #tpu.memory_space<vmem>>, vector<1x16xf32>,
      %get3A_442 = vector.shape_cast %get3A_441 : vector<1x16xf32> to vector<16xf32>
      %add3A_443 = arith.addf %add3A_339, %get3A_442 : vector<16xf32>
      %add3A_444 = arith.constant 1 : i32
      %add3A_445 = arith.addi %mul3A_280, %add3A_444 : i32
      %get3A_446 = arith.index_cast %add3A_445 : i32 to index
      %get3A_447 = arith.constant 192 : index
      %get3A_448 = tpu.vector_load %arg9[%get3A_446, %get3A_447] {strides = array<i32>} : memref<80x256xf32, #tpu.memory_space<vmem>>, vector<1x16xf32>,
      %get3A_449 = vector.shape_cast %get3A_448 : vector<1x16xf32> to vector<16xf32>
      %add3A_450 = arith.addf %add3A_344, %get3A_449 : vector<16xf32>
      %add3A_451 = arith.constant 1 : i32
      %add3A_452 = arith.addi %mul3A_280, %add3A_451 : i32
      %get3A_453 = arith.index_cast %add3A_452 : i32 to index
      %get3A_454 = arith.constant 208 : index
      %get3A_455 = tpu.vector_load %arg9[%get3A_453, %get3A_454] {strides = array<i32>} : memref<80x256xf32, #tpu.memory_space<vmem>>, vector<1x16xf32>,
      %get3A_456 = vector.shape_cast %get3A_455 : vector<1x16xf32> to vector<16xf32>
      %add3A_457 = arith.addf %add3A_349, %get3A_456 : vector<16xf32>
      %add3A_458 = arith.constant 1 : i32
      %add3A_459 = arith.addi %mul3A_280, %add3A_458 : i32
      %get3A_460 = arith.index_cast %add3A_459 : i32 to index
      %get3A_461 = arith.constant 224 : index
      %get3A_462 = tpu.vector_load %arg9[%get3A_460, %get3A_461] {strides = array<i32>} : memref<80x256xf32, #tpu.memory_space<vmem>>, vector<1x16xf32>,
      %get3A_463 = vector.shape_cast %get3A_462 : vector<1x16xf32> to vector<16xf32>
      %add3A_464 = arith.addf %add3A_354, %get3A_463 : vector<16xf32>
      %add3A_465 = arith.constant 1 : i32
      %add3A_466 = arith.addi %mul3A_280, %add3A_465 : i32
      %get3A_467 = arith.index_cast %add3A_466 : i32 to index
      %get3A_468 = arith.constant 240 : index
      %get3A_469 = tpu.vector_load %arg9[%get3A_467, %get3A_468] {strides = array<i32>} : memref<80x256xf32, #tpu.memory_space<vmem>>, vector<1x16xf32>,
      %get3A_470 = vector.shape_cast %get3A_469 : vector<1x16xf32> to vector<16xf32>
      %add3A_471 = arith.addf %add3A_359, %get3A_470 : vector<16xf32>
      scf.yield %add3A_366, %add3A_373, %add3A_380, %add3A_387, %add3A_394, %add3A_401, %add3A_408, %add3A_415, %add3A_422, %add3A_429, %add3A_436, %add3A_443, %add3A_450, %add3A_457, %add3A_464, %add3A_471 : vector<16xf32>, vector<16xf32>, vector<16xf32>, vector<16xf32>, vector<16xf32>, vector<16xf32>, vector<16xf32>, vector<16xf32>, vector<16xf32>, vector<16xf32>, vector<16xf32>, vector<16xf32>, vector<16xf32>, vector<16xf32>, vector<16xf32>, vector<16xf32>
    }
    %scan3A_187 = arith.constant 40 : i32
    %dma_wait3A_188 = arith.constant 0 : i32
    %dma_wait3A_189 = tpu.memref_slice %arg3[%multiple_of3A_173, %dma_wait3A_188] : memref<160000x256xf32, #tpu.memory_space<hbm>> -> memref<80x256xf32, #tpu.memory_space<hbm>>
    %dma_wait3A_190 = arith.constant 0 : i32
    %dma_wait3A_191 = tpu.memref_slice %arg3[%multiple_of3A_173, %dma_wait3A_190] : memref<160000x256xf32, #tpu.memory_space<hbm>> -> memref<80x256xf32, #tpu.memory_space<hbm>>
    tpu.wait_dma2 semaphore(%arg14 : memref<!tpu.dma_semaphore, #tpu.memory_space<semaphore_mem>>) src(%dma_wait3A_191 : memref<80x256xf32, #tpu.memory_space<hbm>>) dst(%arg8 : memref<80x256xf32, #tpu.memory_space<vmem>>)
    %scan3A_192 = arith.constant 0 : i32
    %scan3A_193 = arith.constant 40 : i32
    %scan3A_194 = arith.addi %scan3A_192, %scan3A_193 : i32
    %scan3A_195 = arith.constant 1 : i32
    %scan3A_196:16 = scf.for %scan3A_262 = %scan3A_192 to %scan3A_194 step %scan3A_195 iter_args(%scan3A_263 = %scan3A_186#0, %scan3A_264 = %scan3A_186#1, %scan3A_265 = %scan3A_186#2, %scan3A_266 = %scan3A_186#3, %scan3A_267 = %scan3A_186#4, %scan3A_268 = %scan3A_186#5, %scan3A_269 = %scan3A_186#6, %scan3A_270 = %scan3A_186#7, %scan3A_271 = %scan3A_186#8, %scan3A_272 = %scan3A_186#9, %scan3A_273 = %scan3A_186#10, %scan3A_274 = %scan3A_186#11, %scan3A_275 = %scan3A_186#12, %scan3A_276 = %scan3A_186#13, %scan3A_277 = %scan3A_186#14, %scan3A_278 = %scan3A_186#15) -> (vector<16xf32>, vector<16xf32>, vector<16xf32>, vector<16xf32>, vector<16xf32>, vector<16xf32>, vector<16xf32>, vector<16xf32>, vector<16xf32>, vector<16xf32>, vector<16xf32>, vector<16xf32>, vector<16xf32>, vector<16xf32>, vector<16xf32>, vector<16xf32>)  : i32 {
      %mul3A_279 = arith.constant 2 : i32
      %mul3A_280 = arith.muli %mul3A_279, %scan3A_262 : i32
      %get3A = arith.index_cast %mul3A_280 : i32 to index
      %get3A_281 = arith.constant 0 : index
      %get3A_282 = tpu.vector_load %arg8[%get3A, %get3A_281] {strides = array<i32>} : memref<80x256xf32, #tpu.memory_space<vmem>>, vector<1x16xf32>,
      %get3A_283 = vector.shape_cast %get3A_282 : vector<1x16xf32> to vector<16xf32>
      %add3A_284 = arith.addf %scan3A_263, %get3A_283 : vector<16xf32>
      %get3A_285 = arith.index_cast %mul3A_280 : i32 to index
      %get3A_286 = arith.constant 16 : index
      %get3A_287 = tpu.vector_load %arg8[%get3A_285, %get3A_286] {strides = array<i32>} : memref<80x256xf32, #tpu.memory_space<vmem>>, vector<1x16xf32>,
      %get3A_288 = vector.shape_cast %get3A_287 : vector<1x16xf32> to vector<16xf32>
      %add3A_289 = arith.addf %scan3A_264, %get3A_288 : vector<16xf32>
      %get3A_290 = arith.index_cast %mul3A_280 : i32 to index
      %get3A_291 = arith.constant 32 : index
      %get3A_292 = tpu.vector_load %arg8[%get3A_290, %get3A_291] {strides = array<i32>} : memref<80x256xf32, #tpu.memory_space<vmem>>, vector<1x16xf32>,
      %get3A_293 = vector.shape_cast %get3A_292 : vector<1x16xf32> to vector<16xf32>
      %add3A_294 = arith.addf %scan3A_265, %get3A_293 : vector<16xf32>
      %get3A_295 = arith.index_cast %mul3A_280 : i32 to index
      %get3A_296 = arith.constant 48 : index
      %get3A_297 = tpu.vector_load %arg8[%get3A_295, %get3A_296] {strides = array<i32>} : memref<80x256xf32, #tpu.memory_space<vmem>>, vector<1x16xf32>,
      %get3A_298 = vector.shape_cast %get3A_297 : vector<1x16xf32> to vector<16xf32>
      %add3A_299 = arith.addf %scan3A_266, %get3A_298 : vector<16xf32>
      %get3A_300 = arith.index_cast %mul3A_280 : i32 to index
      %get3A_301 = arith.constant 64 : index
      %get3A_302 = tpu.vector_load %arg8[%get3A_300, %get3A_301] {strides = array<i32>} : memref<80x256xf32, #tpu.memory_space<vmem>>, vector<1x16xf32>,
      %get3A_303 = vector.shape_cast %get3A_302 : vector<1x16xf32> to vector<16xf32>
      %add3A_304 = arith.addf %scan3A_267, %get3A_303 : vector<16xf32>
      %get3A_305 = arith.index_cast %mul3A_280 : i32 to index
      %get3A_306 = arith.constant 80 : index
      %get3A_307 = tpu.vector_load %arg8[%get3A_305, %get3A_306] {strides = array<i32>} : memref<80x256xf32, #tpu.memory_space<vmem>>, vector<1x16xf32>,
      %get3A_308 = vector.shape_cast %get3A_307 : vector<1x16xf32> to vector<16xf32>
      %add3A_309 = arith.addf %scan3A_268, %get3A_308 : vector<16xf32>
      %get3A_310 = arith.index_cast %mul3A_280 : i32 to index
      %get3A_311 = arith.constant 96 : index
      %get3A_312 = tpu.vector_load %arg8[%get3A_310, %get3A_311] {strides = array<i32>} : memref<80x256xf32, #tpu.memory_space<vmem>>, vector<1x16xf32>,
      %get3A_313 = vector.shape_cast %get3A_312 : vector<1x16xf32> to vector<16xf32>
      %add3A_314 = arith.addf %scan3A_269, %get3A_313 : vector<16xf32>
      %get3A_315 = arith.index_cast %mul3A_280 : i32 to index
      %get3A_316 = arith.constant 112 : index
      %get3A_317 = tpu.vector_load %arg8[%get3A_315, %get3A_316] {strides = array<i32>} : memref<80x256xf32, #tpu.memory_space<vmem>>, vector<1x16xf32>,
      %get3A_318 = vector.shape_cast %get3A_317 : vector<1x16xf32> to vector<16xf32>
      %add3A_319 = arith.addf %scan3A_270, %get3A_318 : vector<16xf32>
      %get3A_320 = arith.index_cast %mul3A_280 : i32 to index
      %get3A_321 = arith.constant 128 : index
      %get3A_322 = tpu.vector_load %arg8[%get3A_320, %get3A_321] {strides = array<i32>} : memref<80x256xf32, #tpu.memory_space<vmem>>, vector<1x16xf32>,
      %get3A_323 = vector.shape_cast %get3A_322 : vector<1x16xf32> to vector<16xf32>
      %add3A_324 = arith.addf %scan3A_271, %get3A_323 : vector<16xf32>
      %get3A_325 = arith.index_cast %mul3A_280 : i32 to index
      %get3A_326 = arith.constant 144 : index
      %get3A_327 = tpu.vector_load %arg8[%get3A_325, %get3A_326] {strides = array<i32>} : memref<80x256xf32, #tpu.memory_space<vmem>>, vector<1x16xf32>,
      %get3A_328 = vector.shape_cast %get3A_327 : vector<1x16xf32> to vector<16xf32>
      %add3A_329 = arith.addf %scan3A_272, %get3A_328 : vector<16xf32>
      %get3A_330 = arith.index_cast %mul3A_280 : i32 to index
      %get3A_331 = arith.constant 160 : index
      %get3A_332 = tpu.vector_load %arg8[%get3A_330, %get3A_331] {strides = array<i32>} : memref<80x256xf32, #tpu.memory_space<vmem>>, vector<1x16xf32>,
      %get3A_333 = vector.shape_cast %get3A_332 : vector<1x16xf32> to vector<16xf32>
      %add3A_334 = arith.addf %scan3A_273, %get3A_333 : vector<16xf32>
      %get3A_335 = arith.index_cast %mul3A_280 : i32 to index
      %get3A_336 = arith.constant 176 : index
      %get3A_337 = tpu.vector_load %arg8[%get3A_335, %get3A_336] {strides = array<i32>} : memref<80x256xf32, #tpu.memory_space<vmem>>, vector<1x16xf32>,
      %get3A_338 = vector.shape_cast %get3A_337 : vector<1x16xf32> to vector<16xf32>
      %add3A_339 = arith.addf %scan3A_274, %get3A_338 : vector<16xf32>
      %get3A_340 = arith.index_cast %mul3A_280 : i32 to index
      %get3A_341 = arith.constant 192 : index
      %get3A_342 = tpu.vector_load %arg8[%get3A_340, %get3A_341] {strides = array<i32>} : memref<80x256xf32, #tpu.memory_space<vmem>>, vector<1x16xf32>,
      %get3A_343 = vector.shape_cast %get3A_342 : vector<1x16xf32> to vector<16xf32>
      %add3A_344 = arith.addf %scan3A_275, %get3A_343 : vector<16xf32>
      %get3A_345 = arith.index_cast %mul3A_280 : i32 to index
      %get3A_346 = arith.constant 208 : index
      %get3A_347 = tpu.vector_load %arg8[%get3A_345, %get3A_346] {strides = array<i32>} : memref<80x256xf32, #tpu.memory_space<vmem>>, vector<1x16xf32>,
      %get3A_348 = vector.shape_cast %get3A_347 : vector<1x16xf32> to vector<16xf32>
      %add3A_349 = arith.addf %scan3A_276, %get3A_348 : vector<16xf32>
      %get3A_350 = arith.index_cast %mul3A_280 : i32 to index
      %get3A_351 = arith.constant 224 : index
      %get3A_352 = tpu.vector_load %arg8[%get3A_350, %get3A_351] {strides = array<i32>} : memref<80x256xf32, #tpu.memory_space<vmem>>, vector<1x16xf32>,
      %get3A_353 = vector.shape_cast %get3A_352 : vector<1x16xf32> to vector<16xf32>
      %add3A_354 = arith.addf %scan3A_277, %get3A_353 : vector<16xf32>
      %get3A_355 = arith.index_cast %mul3A_280 : i32 to index
      %get3A_356 = arith.constant 240 : index
      %get3A_357 = tpu.vector_load %arg8[%get3A_355, %get3A_356] {strides = array<i32>} : memref<80x256xf32, #tpu.memory_space<vmem>>, vector<1x16xf32>,
      %get3A_358 = vector.shape_cast %get3A_357 : vector<1x16xf32> to vector<16xf32>
      %add3A_359 = arith.addf %scan3A_278, %get3A_358 : vector<16xf32>
      %add3A_360 = arith.constant 1 : i32
      %add3A_361 = arith.addi %mul3A_280, %add3A_360 : i32
      %get3A_362 = arith.index_cast %add3A_361 : i32 to index
      %get3A_363 = arith.constant 0 : index
      %get3A_364 = tpu.vector_load %arg8[%get3A_362, %get3A_363] {strides = array<i32>} : memref<80x256xf32, #tpu.memory_space<vmem>>, vector<1x16xf32>,
      %get3A_365 = vector.shape_cast %get3A_364 : vector<1x16xf32> to vector<16xf32>
      %add3A_366 = arith.addf %add3A_284, %get3A_365 : vector<16xf32>
      %add3A_367 = arith.constant 1 : i32
      %add3A_368 = arith.addi %mul3A_280, %add3A_367 : i32
      %get3A_369 = arith.index_cast %add3A_368 : i32 to index
      %get3A_370 = arith.constant 16 : index
      %get3A_371 = tpu.vector_load %arg8[%get3A_369, %get3A_370] {strides = array<i32>} : memref<80x256xf32, #tpu.memory_space<vmem>>, vector<1x16xf32>,
      %get3A_372 = vector.shape_cast %get3A_371 : vector<1x16xf32> to vector<16xf32>
      %add3A_373 = arith.addf %add3A_289, %get3A_372 : vector<16xf32>
      %add3A_374 = arith.constant 1 : i32
      %add3A_375 = arith.addi %mul3A_280, %add3A_374 : i32
      %get3A_376 = arith.index_cast %add3A_375 : i32 to index
      %get3A_377 = arith.constant 32 : index
      %get3A_378 = tpu.vector_load %arg8[%get3A_376, %get3A_377] {strides = array<i32>} : memref<80x256xf32, #tpu.memory_space<vmem>>, vector<1x16xf32>,
      %get3A_379 = vector.shape_cast %get3A_378 : vector<1x16xf32> to vector<16xf32>
      %add3A_380 = arith.addf %add3A_294, %get3A_379 : vector<16xf32>
      %add3A_381 = arith.constant 1 : i32
      %add3A_382 = arith.addi %mul3A_280, %add3A_381 : i32
      %get3A_383 = arith.index_cast %add3A_382 : i32 to index
      %get3A_384 = arith.constant 48 : index
      %get3A_385 = tpu.vector_load %arg8[%get3A_383, %get3A_384] {strides = array<i32>} : memref<80x256xf32, #tpu.memory_space<vmem>>, vector<1x16xf32>,
      %get3A_386 = vector.shape_cast %get3A_385 : vector<1x16xf32> to vector<16xf32>
      %add3A_387 = arith.addf %add3A_299, %get3A_386 : vector<16xf32>
      %add3A_388 = arith.constant 1 : i32
      %add3A_389 = arith.addi %mul3A_280, %add3A_388 : i32
      %get3A_390 = arith.index_cast %add3A_389 : i32 to index
      %get3A_391 = arith.constant 64 : index
      %get3A_392 = tpu.vector_load %arg8[%get3A_390, %get3A_391] {strides = array<i32>} : memref<80x256xf32, #tpu.memory_space<vmem>>, vector<1x16xf32>,
      %get3A_393 = vector.shape_cast %get3A_392 : vector<1x16xf32> to vector<16xf32>
      %add3A_394 = arith.addf %add3A_304, %get3A_393 : vector<16xf32>
      %add3A_395 = arith.constant 1 : i32
      %add3A_396 = arith.addi %mul3A_280, %add3A_395 : i32
      %get3A_397 = arith.index_cast %add3A_396 : i32 to index
      %get3A_398 = arith.constant 80 : index
      %get3A_399 = tpu.vector_load %arg8[%get3A_397, %get3A_398] {strides = array<i32>} : memref<80x256xf32, #tpu.memory_space<vmem>>, vector<1x16xf32>,
      %get3A_400 = vector.shape_cast %get3A_399 : vector<1x16xf32> to vector<16xf32>
      %add3A_401 = arith.addf %add3A_309, %get3A_400 : vector<16xf32>
      %add3A_402 = arith.constant 1 : i32
      %add3A_403 = arith.addi %mul3A_280, %add3A_402 : i32
      %get3A_404 = arith.index_cast %add3A_403 : i32 to index
      %get3A_405 = arith.constant 96 : index
      %get3A_406 = tpu.vector_load %arg8[%get3A_404, %get3A_405] {strides = array<i32>} : memref<80x256xf32, #tpu.memory_space<vmem>>, vector<1x16xf32>,
      %get3A_407 = vector.shape_cast %get3A_406 : vector<1x16xf32> to vector<16xf32>
      %add3A_408 = arith.addf %add3A_314, %get3A_407 : vector<16xf32>
      %add3A_409 = arith.constant 1 : i32
      %add3A_410 = arith.addi %mul3A_280, %add3A_409 : i32
      %get3A_411 = arith.index_cast %add3A_410 : i32 to index
      %get3A_412 = arith.constant 112 : index
      %get3A_413 = tpu.vector_load %arg8[%get3A_411, %get3A_412] {strides = array<i32>} : memref<80x256xf32, #tpu.memory_space<vmem>>, vector<1x16xf32>,
      %get3A_414 = vector.shape_cast %get3A_413 : vector<1x16xf32> to vector<16xf32>
      %add3A_415 = arith.addf %add3A_319, %get3A_414 : vector<16xf32>
      %add3A_416 = arith.constant 1 : i32
      %add3A_417 = arith.addi %mul3A_280, %add3A_416 : i32
      %get3A_418 = arith.index_cast %add3A_417 : i32 to index
      %get3A_419 = arith.constant 128 : index
      %get3A_420 = tpu.vector_load %arg8[%get3A_418, %get3A_419] {strides = array<i32>} : memref<80x256xf32, #tpu.memory_space<vmem>>, vector<1x16xf32>,
      %get3A_421 = vector.shape_cast %get3A_420 : vector<1x16xf32> to vector<16xf32>
      %add3A_422 = arith.addf %add3A_324, %get3A_421 : vector<16xf32>
      %add3A_423 = arith.constant 1 : i32
      %add3A_424 = arith.addi %mul3A_280, %add3A_423 : i32
      %get3A_425 = arith.index_cast %add3A_424 : i32 to index
      %get3A_426 = arith.constant 144 : index
      %get3A_427 = tpu.vector_load %arg8[%get3A_425, %get3A_426] {strides = array<i32>} : memref<80x256xf32, #tpu.memory_space<vmem>>, vector<1x16xf32>,
      %get3A_428 = vector.shape_cast %get3A_427 : vector<1x16xf32> to vector<16xf32>
      %add3A_429 = arith.addf %add3A_329, %get3A_428 : vector<16xf32>
      %add3A_430 = arith.constant 1 : i32
      %add3A_431 = arith.addi %mul3A_280, %add3A_430 : i32
      %get3A_432 = arith.index_cast %add3A_431 : i32 to index
      %get3A_433 = arith.constant 160 : index
      %get3A_434 = tpu.vector_load %arg8[%get3A_432, %get3A_433] {strides = array<i32>} : memref<80x256xf32, #tpu.memory_space<vmem>>, vector<1x16xf32>,
      %get3A_435 = vector.shape_cast %get3A_434 : vector<1x16xf32> to vector<16xf32>
      %add3A_436 = arith.addf %add3A_334, %get3A_435 : vector<16xf32>
      %add3A_437 = arith.constant 1 : i32
      %add3A_438 = arith.addi %mul3A_280, %add3A_437 : i32
      %get3A_439 = arith.index_cast %add3A_438 : i32 to index
      %get3A_440 = arith.constant 176 : index
      %get3A_441 = tpu.vector_load %arg8[%get3A_439, %get3A_440] {strides = array<i32>} : memref<80x256xf32, #tpu.memory_space<vmem>>, vector<1x16xf32>,
      %get3A_442 = vector.shape_cast %get3A_441 : vector<1x16xf32> to vector<16xf32>
      %add3A_443 = arith.addf %add3A_339, %get3A_442 : vector<16xf32>
      %add3A_444 = arith.constant 1 : i32
      %add3A_445 = arith.addi %mul3A_280, %add3A_444 : i32
      %get3A_446 = arith.index_cast %add3A_445 : i32 to index
      %get3A_447 = arith.constant 192 : index
      %get3A_448 = tpu.vector_load %arg8[%get3A_446, %get3A_447] {strides = array<i32>} : memref<80x256xf32, #tpu.memory_space<vmem>>, vector<1x16xf32>,
      %get3A_449 = vector.shape_cast %get3A_448 : vector<1x16xf32> to vector<16xf32>
      %add3A_450 = arith.addf %add3A_344, %get3A_449 : vector<16xf32>
      %add3A_451 = arith.constant 1 : i32
      %add3A_452 = arith.addi %mul3A_280, %add3A_451 : i32
      %get3A_453 = arith.index_cast %add3A_452 : i32 to index
      %get3A_454 = arith.constant 208 : index
      %get3A_455 = tpu.vector_load %arg8[%get3A_453, %get3A_454] {strides = array<i32>} : memref<80x256xf32, #tpu.memory_space<vmem>>, vector<1x16xf32>,
      %get3A_456 = vector.shape_cast %get3A_455 : vector<1x16xf32> to vector<16xf32>
      %add3A_457 = arith.addf %add3A_349, %get3A_456 : vector<16xf32>
      %add3A_458 = arith.constant 1 : i32
      %add3A_459 = arith.addi %mul3A_280, %add3A_458 : i32
      %get3A_460 = arith.index_cast %add3A_459 : i32 to index
      %get3A_461 = arith.constant 224 : index
      %get3A_462 = tpu.vector_load %arg8[%get3A_460, %get3A_461] {strides = array<i32>} : memref<80x256xf32, #tpu.memory_space<vmem>>, vector<1x16xf32>,
      %get3A_463 = vector.shape_cast %get3A_462 : vector<1x16xf32> to vector<16xf32>
      %add3A_464 = arith.addf %add3A_354, %get3A_463 : vector<16xf32>
      %add3A_465 = arith.constant 1 : i32
      %add3A_466 = arith.addi %mul3A_280, %add3A_465 : i32
      %get3A_467 = arith.index_cast %add3A_466 : i32 to index
      %get3A_468 = arith.constant 240 : index
      %get3A_469 = tpu.vector_load %arg8[%get3A_467, %get3A_468] {strides = array<i32>} : memref<80x256xf32, #tpu.memory_space<vmem>>, vector<1x16xf32>,
      %get3A_470 = vector.shape_cast %get3A_469 : vector<1x16xf32> to vector<16xf32>
      %add3A_471 = arith.addf %add3A_359, %get3A_470 : vector<16xf32>
      scf.yield %add3A_366, %add3A_373, %add3A_380, %add3A_387, %add3A_394, %add3A_401, %add3A_408, %add3A_415, %add3A_422, %add3A_429, %add3A_436, %add3A_443, %add3A_450, %add3A_457, %add3A_464, %add3A_471 : vector<16xf32>, vector<16xf32>, vector<16xf32>, vector<16xf32>, vector<16xf32>, vector<16xf32>, vector<16xf32>, vector<16xf32>, vector<16xf32>, vector<16xf32>, vector<16xf32>, vector<16xf32>, vector<16xf32>, vector<16xf32>, vector<16xf32>, vector<16xf32>
    }
    %scan3A_197 = arith.constant 40 : i32
    %swap3A_198 = arith.constant 0 : index
    %swap3A_199 = tpu.vector_load %arg11[%swap3A_198] {strides = array<i32>} : memref<256xf32, #tpu.memory_space<vmem>>, vector<16xf32>,
    %swap3A_200 = vector.shape_cast %swap3A_199 : vector<16xf32> to vector<16xf32>
    %swap3A_201 = vector.shape_cast %scan3A_196#0 : vector<16xf32> to vector<16xf32>
    tpu.vector_store %arg11[%swap3A_198], %swap3A_201 {strides = array<i32>} : memref<256xf32, #tpu.memory_space<vmem>>, vector<16xf32>,
    %swap3A_202 = arith.constant 16 : index
    %swap3A_203 = tpu.vector_load %arg11[%swap3A_202] {strides = array<i32>} : memref<256xf32, #tpu.memory_space<vmem>>, vector<16xf32>,
    %swap3A_204 = vector.shape_cast %swap3A_203 : vector<16xf32> to vector<16xf32>
    %swap3A_205 = vector.shape_cast %scan3A_196#1 : vector<16xf32> to vector<16xf32>
    tpu.vector_store %arg11[%swap3A_202], %swap3A_205 {strides = array<i32>} : memref<256xf32, #tpu.memory_space<vmem>>, vector<16xf32>,
    %swap3A_206 = arith.constant 32 : index
    %swap3A_207 = tpu.vector_load %arg11[%swap3A_206] {strides = array<i32>} : memref<256xf32, #tpu.memory_space<vmem>>, vector<16xf32>,
    %swap3A_208 = vector.shape_cast %swap3A_207 : vector<16xf32> to vector<16xf32>
    %swap3A_209 = vector.shape_cast %scan3A_196#2 : vector<16xf32> to vector<16xf32>
    tpu.vector_store %arg11[%swap3A_206], %swap3A_209 {strides = array<i32>} : memref<256xf32, #tpu.memory_space<vmem>>, vector<16xf32>,
    %swap3A_210 = arith.constant 48 : index
    %swap3A_211 = tpu.vector_load %arg11[%swap3A_210] {strides = array<i32>} : memref<256xf32, #tpu.memory_space<vmem>>, vector<16xf32>,
    %swap3A_212 = vector.shape_cast %swap3A_211 : vector<16xf32> to vector<16xf32>
    %swap3A_213 = vector.shape_cast %scan3A_196#3 : vector<16xf32> to vector<16xf32>
    tpu.vector_store %arg11[%swap3A_210], %swap3A_213 {strides = array<i32>} : memref<256xf32, #tpu.memory_space<vmem>>, vector<16xf32>,
    %swap3A_214 = arith.constant 64 : index
    %swap3A_215 = tpu.vector_load %arg11[%swap3A_214] {strides = array<i32>} : memref<256xf32, #tpu.memory_space<vmem>>, vector<16xf32>,
    %swap3A_216 = vector.shape_cast %swap3A_215 : vector<16xf32> to vector<16xf32>
    %swap3A_217 = vector.shape_cast %scan3A_196#4 : vector<16xf32> to vector<16xf32>
    tpu.vector_store %arg11[%swap3A_214], %swap3A_217 {strides = array<i32>} : memref<256xf32, #tpu.memory_space<vmem>>, vector<16xf32>,
    %swap3A_218 = arith.constant 80 : index
    %swap3A_219 = tpu.vector_load %arg11[%swap3A_218] {strides = array<i32>} : memref<256xf32, #tpu.memory_space<vmem>>, vector<16xf32>,
    %swap3A_220 = vector.shape_cast %swap3A_219 : vector<16xf32> to vector<16xf32>
    %swap3A_221 = vector.shape_cast %scan3A_196#5 : vector<16xf32> to vector<16xf32>
    tpu.vector_store %arg11[%swap3A_218], %swap3A_221 {strides = array<i32>} : memref<256xf32, #tpu.memory_space<vmem>>, vector<16xf32>,
    %swap3A_222 = arith.constant 96 : index
    %swap3A_223 = tpu.vector_load %arg11[%swap3A_222] {strides = array<i32>} : memref<256xf32, #tpu.memory_space<vmem>>, vector<16xf32>,
    %swap3A_224 = vector.shape_cast %swap3A_223 : vector<16xf32> to vector<16xf32>
    %swap3A_225 = vector.shape_cast %scan3A_196#6 : vector<16xf32> to vector<16xf32>
    tpu.vector_store %arg11[%swap3A_222], %swap3A_225 {strides = array<i32>} : memref<256xf32, #tpu.memory_space<vmem>>, vector<16xf32>,
    %swap3A_226 = arith.constant 112 : index
    %swap3A_227 = tpu.vector_load %arg11[%swap3A_226] {strides = array<i32>} : memref<256xf32, #tpu.memory_space<vmem>>, vector<16xf32>,
    %swap3A_228 = vector.shape_cast %swap3A_227 : vector<16xf32> to vector<16xf32>
    %swap3A_229 = vector.shape_cast %scan3A_196#7 : vector<16xf32> to vector<16xf32>
    tpu.vector_store %arg11[%swap3A_226], %swap3A_229 {strides = array<i32>} : memref<256xf32, #tpu.memory_space<vmem>>, vector<16xf32>,
    %swap3A_230 = arith.constant 128 : index
    %swap3A_231 = tpu.vector_load %arg11[%swap3A_230] {strides = array<i32>} : memref<256xf32, #tpu.memory_space<vmem>>, vector<16xf32>,
    %swap3A_232 = vector.shape_cast %swap3A_231 : vector<16xf32> to vector<16xf32>
    %swap3A_233 = vector.shape_cast %scan3A_196#8 : vector<16xf32> to vector<16xf32>
    tpu.vector_store %arg11[%swap3A_230], %swap3A_233 {strides = array<i32>} : memref<256xf32, #tpu.memory_space<vmem>>, vector<16xf32>,
    %swap3A_234 = arith.constant 144 : index
    %swap3A_235 = tpu.vector_load %arg11[%swap3A_234] {strides = array<i32>} : memref<256xf32, #tpu.memory_space<vmem>>, vector<16xf32>,
    %swap3A_236 = vector.shape_cast %swap3A_235 : vector<16xf32> to vector<16xf32>
    %swap3A_237 = vector.shape_cast %scan3A_196#9 : vector<16xf32> to vector<16xf32>
    tpu.vector_store %arg11[%swap3A_234], %swap3A_237 {strides = array<i32>} : memref<256xf32, #tpu.memory_space<vmem>>, vector<16xf32>,
    %swap3A_238 = arith.constant 160 : index
    %swap3A_239 = tpu.vector_load %arg11[%swap3A_238] {strides = array<i32>} : memref<256xf32, #tpu.memory_space<vmem>>, vector<16xf32>,
    %swap3A_240 = vector.shape_cast %swap3A_239 : vector<16xf32> to vector<16xf32>
    %swap3A_241 = vector.shape_cast %scan3A_196#10 : vector<16xf32> to vector<16xf32>
    tpu.vector_store %arg11[%swap3A_238], %swap3A_241 {strides = array<i32>} : memref<256xf32, #tpu.memory_space<vmem>>, vector<16xf32>,
    %swap3A_242 = arith.constant 176 : index
    %swap3A_243 = tpu.vector_load %arg11[%swap3A_242] {strides = array<i32>} : memref<256xf32, #tpu.memory_space<vmem>>, vector<16xf32>,
    %swap3A_244 = vector.shape_cast %swap3A_243 : vector<16xf32> to vector<16xf32>
    %swap3A_245 = vector.shape_cast %scan3A_196#11 : vector<16xf32> to vector<16xf32>
    tpu.vector_store %arg11[%swap3A_242], %swap3A_245 {strides = array<i32>} : memref<256xf32, #tpu.memory_space<vmem>>, vector<16xf32>,
    %swap3A_246 = arith.constant 192 : index
    %swap3A_247 = tpu.vector_load %arg11[%swap3A_246] {strides = array<i32>} : memref<256xf32, #tpu.memory_space<vmem>>, vector<16xf32>,
    %swap3A_248 = vector.shape_cast %swap3A_247 : vector<16xf32> to vector<16xf32>
    %swap3A_249 = vector.shape_cast %scan3A_196#12 : vector<16xf32> to vector<16xf32>
    tpu.vector_store %arg11[%swap3A_246], %swap3A_249 {strides = array<i32>} : memref<256xf32, #tpu.memory_space<vmem>>, vector<16xf32>,
    %swap3A_250 = arith.constant 208 : index
    %swap3A_251 = tpu.vector_load %arg11[%swap3A_250] {strides = array<i32>} : memref<256xf32, #tpu.memory_space<vmem>>, vector<16xf32>,
    %swap3A_252 = vector.shape_cast %swap3A_251 : vector<16xf32> to vector<16xf32>
    %swap3A_253 = vector.shape_cast %scan3A_196#13 : vector<16xf32> to vector<16xf32>
    tpu.vector_store %arg11[%swap3A_250], %swap3A_253 {strides = array<i32>} : memref<256xf32, #tpu.memory_space<vmem>>, vector<16xf32>,
    %swap3A_254 = arith.constant 224 : index
    %swap3A_255 = tpu.vector_load %arg11[%swap3A_254] {strides = array<i32>} : memref<256xf32, #tpu.memory_space<vmem>>, vector<16xf32>,
    %swap3A_256 = vector.shape_cast %swap3A_255 : vector<16xf32> to vector<16xf32>
    %swap3A_257 = vector.shape_cast %scan3A_196#14 : vector<16xf32> to vector<16xf32>
    tpu.vector_store %arg11[%swap3A_254], %swap3A_257 {strides = array<i32>} : memref<256xf32, #tpu.memory_space<vmem>>, vector<16xf32>,
    %swap3A_258 = arith.constant 240 : index
    %swap3A_259 = tpu.vector_load %arg11[%swap3A_258] {strides = array<i32>} : memref<256xf32, #tpu.memory_space<vmem>>, vector<16xf32>,
    %swap3A_260 = vector.shape_cast %swap3A_259 : vector<16xf32> to vector<16xf32>
    %swap3A_261 = vector.shape_cast %scan3A_196#15 : vector<16xf32> to vector<16xf32>
    tpu.vector_store %arg11[%swap3A_258], %swap3A_261 {strides = array<i32>} : memref<256xf32, #tpu.memory_space<vmem>>, vector<16xf32>,
    "tpu.region"() ({
      %run_scoped3A = tpu.sem_alloc : memref<!tpu.dma_semaphore, #tpu.memory_space<semaphore_mem>>
      %dma_start3A_262 = arith.constant 0 : i32
      %dma_start3A_263 = tpu.memref_slice %arg5[%add3A, %dma_start3A_262] : memref<32x256xf32, #tpu.memory_space<hbm>> -> memref<1x256xf32, #tpu.memory_space<hbm>>
      %dma_start3A_264 = tpu.memref_squeeze %dma_start3A_263 : memref<1x256xf32, #tpu.memory_space<hbm>> -> memref<256xf32, #tpu.memory_space<hbm>>
      %dma_start3A_265 = arith.constant 0 : i32
      %dma_start3A_266 = tpu.memref_slice %arg5[%add3A, %dma_start3A_265] : memref<32x256xf32, #tpu.memory_space<hbm>> -> memref<1x256xf32, #tpu.memory_space<hbm>>
      %dma_start3A_267 = tpu.memref_squeeze %dma_start3A_266 : memref<1x256xf32, #tpu.memory_space<hbm>> -> memref<256xf32, #tpu.memory_space<hbm>>
      tpu.enqueue_dma source(%arg11 : memref<256xf32, #tpu.memory_space<vmem>>) target(%dma_start3A_267 : memref<256xf32, #tpu.memory_space<hbm>>) target_semaphore(%run_scoped3A : memref<!tpu.dma_semaphore, #tpu.memory_space<semaphore_mem>>)
      %dma_wait3A_268 = arith.constant 0 : i32
      %dma_wait3A_269 = tpu.memref_slice %arg5[%add3A, %dma_wait3A_268] : memref<32x256xf32, #tpu.memory_space<hbm>> -> memref<1x256xf32, #tpu.memory_space<hbm>>
      %dma_wait3A_270 = tpu.memref_squeeze %dma_wait3A_269 : memref<1x256xf32, #tpu.memory_space<hbm>> -> memref<256xf32, #tpu.memory_space<hbm>>
      %dma_wait3A_271 = arith.constant 0 : i32
      %dma_wait3A_272 = tpu.memref_slice %arg5[%add3A, %dma_wait3A_271] : memref<32x256xf32, #tpu.memory_space<hbm>> -> memref<1x256xf32, #tpu.memory_space<hbm>>
      %dma_wait3A_273 = tpu.memref_squeeze %dma_wait3A_272 : memref<1x256xf32, #tpu.memory_space<hbm>> -> memref<256xf32, #tpu.memory_space<hbm>>
      tpu.wait_dma2 semaphore(%run_scoped3A : memref<!tpu.dma_semaphore, #tpu.memory_space<semaphore_mem>>) src(%arg11 : memref<256xf32, #tpu.memory_space<vmem>>) dst(%dma_wait3A_273 : memref<256xf32, #tpu.memory_space<hbm>>)
      tpu.yield
    }) : () -> ()
    return
  }
}

module attributes {stable_mosaic.version = 14 : i64} {
  func.func @_fused_body(%arg0: i32, %arg1: memref<3200x128xf32, #tpu.memory_space<vmem>>, %arg2: memref<3200x256xf32, #tpu.memory_space<vmem>>, %arg3: memref<1000x128xf32, #tpu.memory_space<vmem>>, %arg4: memref<32x128xf32, #tpu.memory_space<vmem>>, %arg5: memref<32x256xf32, #tpu.memory_space<vmem>>, %arg6: memref<128x256xf32, #tpu.memory_space<vmem>>, %arg7: memref<1x256xf32, #tpu.memory_space<vmem>>, %arg8: memref<128x256xf32, #tpu.memory_space<vmem>>, %arg9: memref<1x256xf32, #tpu.memory_space<vmem>>, %arg10: memref<1x256xf32, #tpu.memory_space<vmem>>, %arg11: memref<1x256xf32, #tpu.memory_space<vmem>>, %arg12: memref<256x256xf32, #tpu.memory_space<vmem>>, %arg13: memref<1x256xf32, #tpu.memory_space<vmem>>, %arg14: memref<256x256xf32, #tpu.memory_space<vmem>>, %arg15: memref<1x256xf32, #tpu.memory_space<vmem>>, %arg16: memref<1x256xf32, #tpu.memory_space<vmem>>, %arg17: memref<1x256xf32, #tpu.memory_space<vmem>>, %arg18: memref<1000x256xf32, #tpu.memory_space<vmem>>, %arg19: memref<1x128xf32, #tpu.memory_space<vmem>>, %arg20: memref<1x256xf32, #tpu.memory_space<vmem>>, %arg21: memref<1x256xf32, #tpu.memory_space<vmem>>, %arg22: memref<1x256xf32, #tpu.memory_space<vmem>>, %arg23: memref<1x256xf32, #tpu.memory_space<vmem>>, %arg24: memref<10000x256xf32, #tpu.memory_space<vmem>>) attributes {dimension_semantics = [#tpu.dimension_semantics<arbitrary>], iteration_bounds = array<i64: 66>, scalar_prefetch = 0 : i64, scratch_operands = 6 : i64, tpu.core_type = #tpu.core_type<tc>, window_params = [{transform_indices = @transform_0, window_bounds = array<i64: 3200, 128>}, {transform_indices = @transform_1, window_bounds = array<i64: 3200, 256>}, {transform_indices = @transform_2, window_bounds = array<i64: 1000, 128>}, {pipeline_mode = #tpu.pipeline_mode<synchronous>, transform_indices = @transform_3, window_bounds = array<i64: 32, 128>}, {pipeline_mode = #tpu.pipeline_mode<synchronous>, transform_indices = @transform_4, window_bounds = array<i64: 32, 256>}, {pipeline_mode = #tpu.pipeline_mode<synchronous>, transform_indices = @transform_5, window_bounds = array<i64: 128, 256>}, {pipeline_mode = #tpu.pipeline_mode<synchronous>, transform_indices = @transform_6, window_bounds = array<i64: 1, 256>}, {pipeline_mode = #tpu.pipeline_mode<synchronous>, transform_indices = @transform_7, window_bounds = array<i64: 128, 256>}, {pipeline_mode = #tpu.pipeline_mode<synchronous>, transform_indices = @transform_8, window_bounds = array<i64: 1, 256>}, {pipeline_mode = #tpu.pipeline_mode<synchronous>, transform_indices = @transform_9, window_bounds = array<i64: 1, 256>}, {pipeline_mode = #tpu.pipeline_mode<synchronous>, transform_indices = @transform_10, window_bounds = array<i64: 1, 256>}, {pipeline_mode = #tpu.pipeline_mode<synchronous>, transform_indices = @transform_11, window_bounds = array<i64: 256, 256>}, {pipeline_mode = #tpu.pipeline_mode<synchronous>, transform_indices = @transform_12, window_bounds = array<i64: 1, 256>}, {pipeline_mode = #tpu.pipeline_mode<synchronous>, transform_indices = @transform_13, window_bounds = array<i64: 256, 256>}, {pipeline_mode = #tpu.pipeline_mode<synchronous>, transform_indices = @transform_14, window_bounds = array<i64: 1, 256>}, {pipeline_mode = #tpu.pipeline_mode<synchronous>, transform_indices = @transform_15, window_bounds = array<i64: 1, 256>}, {pipeline_mode = #tpu.pipeline_mode<synchronous>, transform_indices = @transform_16, window_bounds = array<i64: 1, 256>}, {transform_indices = @transform_17, window_bounds = array<i64: 1000, 256>}]} {
    %eq3A = arith.constant 0 : i32
    %eq3A_0 = arith.cmpi eq, %arg0, %eq3A : i32
    %convert_element_type3A = arith.extui %eq3A_0 : i1 to i32
    %cond3A = arith.constant 0 : i32
    %cond3A_1 = arith.cmpi ne, %convert_element_type3A, %cond3A : i32
    scf.if %cond3A_1 {
      %broadcast_in_dim3A = arith.constant 0.000000e+00 : f32
      %broadcast_in_dim3A_27 = vector.broadcast %broadcast_in_dim3A : f32 to vector<1x128xf32>
      %swap3A = arith.constant 0 : index
      %swap3A_28 = arith.constant 0 : index
      %swap3A_29 = vector.load %arg19[%swap3A, %swap3A_28] : memref<1x128xf32, #tpu.memory_space<vmem>>, vector<1x128xf32>
      tpu.vector_store %arg19[%swap3A, %swap3A_28], %broadcast_in_dim3A_27 {strides = array<i32>} : memref<1x128xf32, #tpu.memory_space<vmem>>, vector<1x128xf32>,
      %broadcast_in_dim3A_30 = arith.constant 0.000000e+00 : f32
      %broadcast_in_dim3A_31 = vector.broadcast %broadcast_in_dim3A_30 : f32 to vector<1x256xf32>
      %swap3A_32 = arith.constant 0 : index
      %swap3A_33 = arith.constant 0 : index
      %swap3A_34 = vector.load %arg20[%swap3A_32, %swap3A_33] : memref<1x256xf32, #tpu.memory_space<vmem>>, vector<1x256xf32>
      tpu.vector_store %arg20[%swap3A_32, %swap3A_33], %broadcast_in_dim3A_31 {strides = array<i32>} : memref<1x256xf32, #tpu.memory_space<vmem>>, vector<1x256xf32>,
      %broadcast_in_dim3A_35 = arith.constant 0.000000e+00 : f32
      %broadcast_in_dim3A_36 = vector.broadcast %broadcast_in_dim3A_35 : f32 to vector<1x256xf32>
      %swap3A_37 = arith.constant 0 : index
      %swap3A_38 = arith.constant 0 : index
      %swap3A_39 = vector.load %arg23[%swap3A_37, %swap3A_38] : memref<1x256xf32, #tpu.memory_space<vmem>>, vector<1x256xf32>
      tpu.vector_store %arg23[%swap3A_37, %swap3A_38], %broadcast_in_dim3A_36 {strides = array<i32>} : memref<1x256xf32, #tpu.memory_space<vmem>>, vector<1x256xf32>,
    } else {
    }
    %lt3A = arith.constant 46 : i32
    %lt3A_2 = arith.cmpi slt, %arg0, %lt3A : i32
    %convert_element_type3A_3 = arith.extui %lt3A_2 : i1 to i32
    %cond3A_4 = arith.constant 0 : i32
    %cond3A_5 = arith.cmpi ne, %convert_element_type3A_3, %cond3A_4 : i32
    scf.if %cond3A_5 {
      %get3A = arith.constant 0 : index
      %get3A_27 = arith.constant 0 : index
      %get3A_28 = vector.load %arg19[%get3A, %get3A_27] : memref<1x128xf32, #tpu.memory_space<vmem>>, vector<1x128xf32>
      %get3A_29 = arith.constant 0 : index
      %get3A_30 = arith.constant 0 : index
      %get3A_31 = vector.load %arg1[%get3A_29, %get3A_30] : memref<3200x128xf32, #tpu.memory_space<vmem>>, vector<3200x128xf32>
      %reduce_sum3A = arith.constant dense<0.000000e+00> : vector<128xf32>
      %reduce_sum3A_32 = vector.multi_reduction <add>, %get3A_31, %reduce_sum3A [0] : vector<3200x128xf32> to vector<128xf32>
      %broadcast_in_dim3A = vector.shape_cast %reduce_sum3A_32 : vector<128xf32> to vector<1x128xf32>
      %add3A = arith.addf %get3A_28, %broadcast_in_dim3A : vector<1x128xf32>
      %swap3A = arith.constant 0 : index
      %swap3A_33 = arith.constant 0 : index
      %swap3A_34 = vector.load %arg19[%swap3A, %swap3A_33] : memref<1x128xf32, #tpu.memory_space<vmem>>, vector<1x128xf32>
      tpu.vector_store %arg19[%swap3A, %swap3A_33], %add3A {strides = array<i32>} : memref<1x128xf32, #tpu.memory_space<vmem>>, vector<1x128xf32>,
      %get3A_35 = arith.constant 0 : index
      %get3A_36 = arith.constant 0 : index
      %get3A_37 = vector.load %arg20[%get3A_35, %get3A_36] : memref<1x256xf32, #tpu.memory_space<vmem>>, vector<1x256xf32>
      %get3A_38 = arith.constant 0 : index
      %get3A_39 = arith.constant 0 : index
      %get3A_40 = vector.load %arg2[%get3A_38, %get3A_39] : memref<3200x256xf32, #tpu.memory_space<vmem>>, vector<3200x256xf32>
      %reduce_sum3A_41 = arith.constant dense<0.000000e+00> : vector<256xf32>
      %reduce_sum3A_42 = vector.multi_reduction <add>, %get3A_40, %reduce_sum3A_41 [0] : vector<3200x256xf32> to vector<256xf32>
      %broadcast_in_dim3A_43 = vector.shape_cast %reduce_sum3A_42 : vector<256xf32> to vector<1x256xf32>
      %add3A_44 = arith.addf %get3A_37, %broadcast_in_dim3A_43 : vector<1x256xf32>
      %swap3A_45 = arith.constant 0 : index
      %swap3A_46 = arith.constant 0 : index
      %swap3A_47 = vector.load %arg20[%swap3A_45, %swap3A_46] : memref<1x256xf32, #tpu.memory_space<vmem>>, vector<1x256xf32>
      tpu.vector_store %arg20[%swap3A_45, %swap3A_46], %add3A_44 {strides = array<i32>} : memref<1x256xf32, #tpu.memory_space<vmem>>, vector<1x256xf32>,
    } else {
    }
    %lt3A_6 = arith.constant 10 : i32
    %lt3A_7 = arith.cmpi slt, %arg0, %lt3A_6 : i32
    %convert_element_type3A_8 = arith.extui %lt3A_7 : i1 to i32
    %cond3A_9 = arith.constant 0 : i32
    %cond3A_10 = arith.cmpi ne, %convert_element_type3A_8, %cond3A_9 : i32
    scf.if %cond3A_10 {
      %get3A = arith.constant 0 : index
      %get3A_27 = arith.constant 0 : index
      %get3A_28 = vector.load %arg3[%get3A, %get3A_27] : memref<1000x128xf32, #tpu.memory_space<vmem>>, vector<1000x128xf32>
      %get3A_29 = arith.constant 0 : index
      %get3A_30 = arith.constant 0 : index
      %get3A_31 = vector.load %arg6[%get3A_29, %get3A_30] : memref<128x256xf32, #tpu.memory_space<vmem>>, vector<128x256xf32>
      %dot_general3A = arith.constant dense<0.000000e+00> : vector<1000x256xf32>
      %dot_general3A_32 = tpu.matmul %get3A_28, %get3A_31, %dot_general3A {dimension_numbers = #tpu.dot_dimension_numbers<[1], [0], [0], [1], [0, 0, 1, 1], [], []>, transpose_lhs_hint = false} : vector<1000x128xf32>, vector<128x256xf32>, vector<1000x256xf32> -> vector<1000x256xf32>
      %mul3A = arith.constant 1000 : i32
      %mul3A_33 = arith.muli %arg0, %mul3A : i32
      %swap3A = arith.index_cast %mul3A_33 : i32 to index
      %swap3A_34 = arith.constant 0 : index
      %swap3A_35 = vector.load %arg24[%swap3A, %swap3A_34] : memref<10000x256xf32, #tpu.memory_space<vmem>>, vector<1000x256xf32>
      tpu.vector_store %arg24[%swap3A, %swap3A_34], %dot_general3A_32 {strides = array<i32>} : memref<10000x256xf32, #tpu.memory_space<vmem>>, vector<1000x256xf32>,
    } else {
    }
    %eq3A_11 = arith.constant 46 : i32
    %eq3A_12 = arith.cmpi eq, %arg0, %eq3A_11 : i32
    %convert_element_type3A_13 = arith.extui %eq3A_12 : i1 to i32
    %cond3A_14 = arith.constant 0 : i32
    %cond3A_15 = arith.cmpi ne, %convert_element_type3A_13, %cond3A_14 : i32
    scf.if %cond3A_15 {
      %get3A = arith.constant 0 : index
      %get3A_27 = arith.constant 0 : index
      %get3A_28 = vector.load %arg19[%get3A, %get3A_27] : memref<1x128xf32, #tpu.memory_space<vmem>>, vector<1x128xf32>
      %get3A_29 = arith.constant 0 : index
      %get3A_30 = arith.constant 0 : index
      %get3A_31 = vector.load %arg4[%get3A_29, %get3A_30] : memref<32x128xf32, #tpu.memory_space<vmem>>, vector<32x128xf32>
      %reduce_sum3A = arith.constant dense<0.000000e+00> : vector<128xf32>
      %reduce_sum3A_32 = vector.multi_reduction <add>, %get3A_31, %reduce_sum3A [0] : vector<32x128xf32> to vector<128xf32>
      %broadcast_in_dim3A = vector.shape_cast %reduce_sum3A_32 : vector<128xf32> to vector<1x128xf32>
      %add3A = arith.addf %get3A_28, %broadcast_in_dim3A : vector<1x128xf32>
      %mul3A = arith.constant 6.250000e-06 : f32
      %mul3A_33 = vector.broadcast %mul3A : f32 to vector<1x128xf32>
      %mul3A_34 = arith.mulf %add3A, %mul3A_33 : vector<1x128xf32>
      %get3A_35 = arith.constant 0 : index
      %get3A_36 = arith.constant 0 : index
      %get3A_37 = vector.load %arg20[%get3A_35, %get3A_36] : memref<1x256xf32, #tpu.memory_space<vmem>>, vector<1x256xf32>
      %get3A_38 = arith.constant 0 : index
      %get3A_39 = arith.constant 0 : index
      %get3A_40 = vector.load %arg5[%get3A_38, %get3A_39] : memref<32x256xf32, #tpu.memory_space<vmem>>, vector<32x256xf32>
      %reduce_sum3A_41 = arith.constant dense<0.000000e+00> : vector<256xf32>
      %reduce_sum3A_42 = vector.multi_reduction <add>, %get3A_40, %reduce_sum3A_41 [0] : vector<32x256xf32> to vector<256xf32>
      %broadcast_in_dim3A_43 = vector.shape_cast %reduce_sum3A_42 : vector<256xf32> to vector<1x256xf32>
      %add3A_44 = arith.addf %get3A_37, %broadcast_in_dim3A_43 : vector<1x256xf32>
      %mul3A_45 = arith.constant 6.250000e-06 : f32
      %mul3A_46 = vector.broadcast %mul3A_45 : f32 to vector<1x256xf32>
      %mul3A_47 = arith.mulf %add3A_44, %mul3A_46 : vector<1x256xf32>
      %get3A_48 = arith.constant 0 : index
      %get3A_49 = arith.constant 0 : index
      %get3A_50 = vector.load %arg8[%get3A_48, %get3A_49] : memref<128x256xf32, #tpu.memory_space<vmem>>, vector<128x256xf32>
      %dot_general3A = arith.constant dense<0.000000e+00> : vector<1x256xf32>
      %dot_general3A_51 = tpu.matmul %mul3A_34, %get3A_50, %dot_general3A {dimension_numbers = #tpu.dot_dimension_numbers<[1], [0], [0], [1], [0, 0, 1, 1], [], []>, transpose_lhs_hint = false} : vector<1x128xf32>, vector<128x256xf32>, vector<1x256xf32> -> vector<1x256xf32>
      %get3A_52 = arith.constant 0 : index
      %get3A_53 = arith.constant 0 : index
      %get3A_54 = vector.load %arg7[%get3A_52, %get3A_53] : memref<1x256xf32, #tpu.memory_space<vmem>>, vector<1x256xf32>
      %add3A_55 = arith.addf %dot_general3A_51, %get3A_54 : vector<1x256xf32>
      %get3A_56 = arith.constant 0 : index
      %get3A_57 = arith.constant 0 : index
      %get3A_58 = vector.load %arg9[%get3A_56, %get3A_57] : memref<1x256xf32, #tpu.memory_space<vmem>>, vector<1x256xf32>
      %add3A_59 = arith.addf %add3A_55, %get3A_58 : vector<1x256xf32>
      %swap3A = arith.constant 0 : index
      %swap3A_60 = arith.constant 0 : index
      %swap3A_61 = vector.load %arg21[%swap3A, %swap3A_60] : memref<1x256xf32, #tpu.memory_space<vmem>>, vector<1x256xf32>
      tpu.vector_store %arg21[%swap3A, %swap3A_60], %add3A_59 {strides = array<i32>} : memref<1x256xf32, #tpu.memory_space<vmem>>, vector<1x256xf32>,
      %get3A_62 = arith.constant 0 : index
      %get3A_63 = arith.constant 0 : index
      %get3A_64 = vector.load %arg14[%get3A_62, %get3A_63] : memref<256x256xf32, #tpu.memory_space<vmem>>, vector<256x256xf32>
      %dot_general3A_65 = arith.constant dense<0.000000e+00> : vector<1x256xf32>
      %dot_general3A_66 = tpu.matmul %mul3A_47, %get3A_64, %dot_general3A_65 {dimension_numbers = #tpu.dot_dimension_numbers<[1], [0], [0], [1], [0, 0, 1, 1], [], []>, transpose_lhs_hint = false} : vector<1x256xf32>, vector<256x256xf32>, vector<1x256xf32> -> vector<1x256xf32>
      %get3A_67 = arith.constant 0 : index
      %get3A_68 = arith.constant 0 : index
      %get3A_69 = vector.load %arg13[%get3A_67, %get3A_68] : memref<1x256xf32, #tpu.memory_space<vmem>>, vector<1x256xf32>
      %add3A_70 = arith.addf %dot_general3A_66, %get3A_69 : vector<1x256xf32>
      %get3A_71 = arith.constant 0 : index
      %get3A_72 = arith.constant 0 : index
      %get3A_73 = vector.load %arg15[%get3A_71, %get3A_72] : memref<1x256xf32, #tpu.memory_space<vmem>>, vector<1x256xf32>
      %add3A_74 = arith.addf %add3A_70, %get3A_73 : vector<1x256xf32>
      %swap3A_75 = arith.constant 0 : index
      %swap3A_76 = arith.constant 0 : index
      %swap3A_77 = vector.load %arg22[%swap3A_75, %swap3A_76] : memref<1x256xf32, #tpu.memory_space<vmem>>, vector<1x256xf32>
      tpu.vector_store %arg22[%swap3A_75, %swap3A_76], %add3A_74 {strides = array<i32>} : memref<1x256xf32, #tpu.memory_space<vmem>>, vector<1x256xf32>,
    } else {
    }
    %ge3A = arith.constant 46 : i32
    %ge3A_16 = arith.cmpi sge, %arg0, %ge3A : i32
    %lt3A_17 = arith.constant 56 : i32
    %lt3A_18 = arith.cmpi slt, %arg0, %lt3A_17 : i32
    %and3A = arith.andi %ge3A_16, %lt3A_18 : i1
    %convert_element_type3A_19 = arith.extui %and3A : i1 to i32
    %cond3A_20 = arith.constant 0 : i32
    %cond3A_21 = arith.cmpi ne, %convert_element_type3A_19, %cond3A_20 : i32
    scf.if %cond3A_21 {
      %sub3A = arith.constant 46 : i32
      %sub3A_27 = arith.subi %arg0, %sub3A : i32
      %mul3A = arith.constant 1000 : i32
      %mul3A_28 = arith.muli %sub3A_27, %mul3A : i32
      %get3A = arith.index_cast %mul3A_28 : i32 to index
      %get3A_29 = arith.constant 0 : index
      %get3A_30 = vector.load %arg24[%get3A, %get3A_29] : memref<10000x256xf32, #tpu.memory_space<vmem>>, vector<1000x256xf32>
      %get3A_31 = arith.constant 0 : index
      %get3A_32 = arith.constant 0 : index
      %get3A_33 = vector.load %arg21[%get3A_31, %get3A_32] : memref<1x256xf32, #tpu.memory_space<vmem>>, vector<1x256xf32>
      %add3A = vector.broadcast %get3A_33 : vector<1x256xf32> to vector<1000x256xf32>
      %add3A_34 = arith.addf %get3A_30, %add3A : vector<1000x256xf32>
      %reduce_sum3A = arith.constant dense<0.000000e+00> : vector<1000xf32>
      %reduce_sum3A_35 = vector.multi_reduction <add>, %add3A_34, %reduce_sum3A [1] : vector<1000x256xf32> to vector<1000xf32>
      %broadcast_in_dim3A = vector.shape_cast %reduce_sum3A_35 : vector<1000xf32> to vector<1000x1xf32>
      %div3A = arith.constant 2.560000e+02 : f32
      %div3A_36 = vector.broadcast %div3A : f32 to vector<1000x1xf32>
      %div3A_37 = arith.divf %broadcast_in_dim3A, %div3A_36 : vector<1000x1xf32>
      %sub3A_38 = vector.broadcast %div3A_37 : vector<1000x1xf32> to vector<1000x256xf32>
      %sub3A_39 = arith.subf %add3A_34, %sub3A_38 : vector<1000x256xf32>
      %integer_pow3A = arith.mulf %sub3A_39, %sub3A_39 : vector<1000x256xf32>
      %reduce_sum3A_40 = arith.constant dense<0.000000e+00> : vector<1000xf32>
      %reduce_sum3A_41 = vector.multi_reduction <add>, %integer_pow3A, %reduce_sum3A_40 [1] : vector<1000x256xf32> to vector<1000xf32>
      %broadcast_in_dim3A_42 = vector.shape_cast %reduce_sum3A_41 : vector<1000xf32> to vector<1000x1xf32>
      %div3A_43 = arith.constant 2.560000e+02 : f32
      %div3A_44 = vector.broadcast %div3A_43 : f32 to vector<1000x1xf32>
      %div3A_45 = arith.divf %broadcast_in_dim3A_42, %div3A_44 : vector<1000x1xf32>
      %sub3A_46 = vector.broadcast %div3A_37 : vector<1000x1xf32> to vector<1000x256xf32>
      %sub3A_47 = arith.subf %add3A_34, %sub3A_46 : vector<1000x256xf32>
      %add3A_48 = arith.constant 9.99999974E-6 : f32
      %add3A_49 = vector.broadcast %add3A_48 : f32 to vector<1000x1xf32>
      %add3A_50 = arith.addf %div3A_45, %add3A_49 : vector<1000x1xf32>
      %rsqrt3A = math.rsqrt %add3A_50 : vector<1000x1xf32>
      %mul3A_51 = vector.broadcast %rsqrt3A : vector<1000x1xf32> to vector<1000x256xf32>
      %mul3A_52 = arith.mulf %sub3A_47, %mul3A_51 : vector<1000x256xf32>
      %get3A_53 = arith.constant 0 : index
      %get3A_54 = arith.constant 0 : index
      %get3A_55 = vector.load %arg10[%get3A_53, %get3A_54] : memref<1x256xf32, #tpu.memory_space<vmem>>, vector<1x256xf32>
      %mul3A_56 = vector.broadcast %get3A_55 : vector<1x256xf32> to vector<1000x256xf32>
      %mul3A_57 = arith.mulf %mul3A_52, %mul3A_56 : vector<1000x256xf32>
      %get3A_58 = arith.constant 0 : index
      %get3A_59 = arith.constant 0 : index
      %get3A_60 = vector.load %arg11[%get3A_58, %get3A_59] : memref<1x256xf32, #tpu.memory_space<vmem>>, vector<1x256xf32>
      %add3A_61 = vector.broadcast %get3A_60 : vector<1x256xf32> to vector<1000x256xf32>
      %add3A_62 = arith.addf %mul3A_57, %add3A_61 : vector<1000x256xf32>
      %max3A = arith.constant 0.000000e+00 : f32
      %max3A_63 = vector.broadcast %max3A : f32 to vector<1000x256xf32>
      %max3A_64 = arith.maximumf %add3A_62, %max3A_63 : vector<1000x256xf32>
      %get3A_65 = arith.constant 0 : index
      %get3A_66 = arith.constant 0 : index
      %get3A_67 = vector.load %arg12[%get3A_65, %get3A_66] : memref<256x256xf32, #tpu.memory_space<vmem>>, vector<256x256xf32>
      %dot_general3A = arith.constant dense<0.000000e+00> : vector<1000x256xf32>
      %dot_general3A_68 = tpu.matmul %max3A_64, %get3A_67, %dot_general3A {dimension_numbers = #tpu.dot_dimension_numbers<[1], [0], [0], [1], [0, 0, 1, 1], [], []>, transpose_lhs_hint = false} : vector<1000x256xf32>, vector<256x256xf32>, vector<1000x256xf32> -> vector<1000x256xf32>
      %get3A_69 = arith.constant 0 : index
      %get3A_70 = arith.constant 0 : index
      %get3A_71 = vector.load %arg22[%get3A_69, %get3A_70] : memref<1x256xf32, #tpu.memory_space<vmem>>, vector<1x256xf32>
      %add3A_72 = vector.broadcast %get3A_71 : vector<1x256xf32> to vector<1000x256xf32>
      %add3A_73 = arith.addf %dot_general3A_68, %add3A_72 : vector<1000x256xf32>
      %reduce_sum3A_74 = arith.constant dense<0.000000e+00> : vector<1000xf32>
      %reduce_sum3A_75 = vector.multi_reduction <add>, %add3A_73, %reduce_sum3A_74 [1] : vector<1000x256xf32> to vector<1000xf32>
      %broadcast_in_dim3A_76 = vector.shape_cast %reduce_sum3A_75 : vector<1000xf32> to vector<1000x1xf32>
      %div3A_77 = arith.constant 2.560000e+02 : f32
      %div3A_78 = vector.broadcast %div3A_77 : f32 to vector<1000x1xf32>
      %div3A_79 = arith.divf %broadcast_in_dim3A_76, %div3A_78 : vector<1000x1xf32>
      %sub3A_80 = vector.broadcast %div3A_79 : vector<1000x1xf32> to vector<1000x256xf32>
      %sub3A_81 = arith.subf %add3A_73, %sub3A_80 : vector<1000x256xf32>
      %integer_pow3A_82 = arith.mulf %sub3A_81, %sub3A_81 : vector<1000x256xf32>
      %reduce_sum3A_83 = arith.constant dense<0.000000e+00> : vector<1000xf32>
      %reduce_sum3A_84 = vector.multi_reduction <add>, %integer_pow3A_82, %reduce_sum3A_83 [1] : vector<1000x256xf32> to vector<1000xf32>
      %broadcast_in_dim3A_85 = vector.shape_cast %reduce_sum3A_84 : vector<1000xf32> to vector<1000x1xf32>
      %div3A_86 = arith.constant 2.560000e+02 : f32
      %div3A_87 = vector.broadcast %div3A_86 : f32 to vector<1000x1xf32>
      %div3A_88 = arith.divf %broadcast_in_dim3A_85, %div3A_87 : vector<1000x1xf32>
      %sub3A_89 = vector.broadcast %div3A_79 : vector<1000x1xf32> to vector<1000x256xf32>
      %sub3A_90 = arith.subf %add3A_73, %sub3A_89 : vector<1000x256xf32>
      %add3A_91 = arith.constant 9.99999974E-6 : f32
      %add3A_92 = vector.broadcast %add3A_91 : f32 to vector<1000x1xf32>
      %add3A_93 = arith.addf %div3A_88, %add3A_92 : vector<1000x1xf32>
      %rsqrt3A_94 = math.rsqrt %add3A_93 : vector<1000x1xf32>
      %mul3A_95 = vector.broadcast %rsqrt3A_94 : vector<1000x1xf32> to vector<1000x256xf32>
      %mul3A_96 = arith.mulf %sub3A_90, %mul3A_95 : vector<1000x256xf32>
      %get3A_97 = arith.constant 0 : index
      %get3A_98 = arith.constant 0 : index
      %get3A_99 = vector.load %arg16[%get3A_97, %get3A_98] : memref<1x256xf32, #tpu.memory_space<vmem>>, vector<1x256xf32>
      %mul3A_100 = vector.broadcast %get3A_99 : vector<1x256xf32> to vector<1000x256xf32>
      %mul3A_101 = arith.mulf %mul3A_96, %mul3A_100 : vector<1000x256xf32>
      %get3A_102 = arith.constant 0 : index
      %get3A_103 = arith.constant 0 : index
      %get3A_104 = vector.load %arg17[%get3A_102, %get3A_103] : memref<1x256xf32, #tpu.memory_space<vmem>>, vector<1x256xf32>
      %add3A_105 = vector.broadcast %get3A_104 : vector<1x256xf32> to vector<1000x256xf32>
      %add3A_106 = arith.addf %mul3A_101, %add3A_105 : vector<1000x256xf32>
      %max3A_107 = arith.constant 0.000000e+00 : f32
      %max3A_108 = vector.broadcast %max3A_107 : f32 to vector<1000x256xf32>
      %max3A_109 = arith.maximumf %add3A_106, %max3A_108 : vector<1000x256xf32>
      %mul3A_110 = arith.constant 1000 : i32
      %mul3A_111 = arith.muli %sub3A_27, %mul3A_110 : i32
      %swap3A = arith.index_cast %mul3A_111 : i32 to index
      %swap3A_112 = arith.constant 0 : index
      %swap3A_113 = vector.load %arg24[%swap3A, %swap3A_112] : memref<10000x256xf32, #tpu.memory_space<vmem>>, vector<1000x256xf32>
      tpu.vector_store %arg24[%swap3A, %swap3A_112], %max3A_109 {strides = array<i32>} : memref<10000x256xf32, #tpu.memory_space<vmem>>, vector<1000x256xf32>,
      %get3A_114 = arith.constant 0 : index
      %get3A_115 = arith.constant 0 : index
      %get3A_116 = vector.load %arg23[%get3A_114, %get3A_115] : memref<1x256xf32, #tpu.memory_space<vmem>>, vector<1x256xf32>
      %mul3A_117 = arith.mulf %max3A_109, %max3A_109 : vector<1000x256xf32>
      %reduce_sum3A_118 = arith.constant dense<0.000000e+00> : vector<256xf32>
      %reduce_sum3A_119 = vector.multi_reduction <add>, %mul3A_117, %reduce_sum3A_118 [0] : vector<1000x256xf32> to vector<256xf32>
      %broadcast_in_dim3A_120 = vector.shape_cast %reduce_sum3A_119 : vector<256xf32> to vector<1x256xf32>
      %add3A_121 = arith.addf %get3A_116, %broadcast_in_dim3A_120 : vector<1x256xf32>
      %swap3A_122 = arith.constant 0 : index
      %swap3A_123 = arith.constant 0 : index
      %swap3A_124 = vector.load %arg23[%swap3A_122, %swap3A_123] : memref<1x256xf32, #tpu.memory_space<vmem>>, vector<1x256xf32>
      tpu.vector_store %arg23[%swap3A_122, %swap3A_123], %add3A_121 {strides = array<i32>} : memref<1x256xf32, #tpu.memory_space<vmem>>, vector<1x256xf32>,
    } else {
    }
    %ge3A_22 = arith.constant 56 : i32
    %ge3A_23 = arith.cmpi sge, %arg0, %ge3A_22 : i32
    %convert_element_type3A_24 = arith.extui %ge3A_23 : i1 to i32
    %cond3A_25 = arith.constant 0 : i32
    %cond3A_26 = arith.cmpi ne, %convert_element_type3A_24, %cond3A_25 : i32
    scf.if %cond3A_26 {
      %sub3A = arith.constant 56 : i32
      %sub3A_27 = arith.subi %arg0, %sub3A : i32
      %get3A = arith.constant 0 : index
      %get3A_28 = arith.constant 0 : index
      %get3A_29 = vector.load %arg23[%get3A, %get3A_28] : memref<1x256xf32, #tpu.memory_space<vmem>>, vector<1x256xf32>
      %sqrt3A = math.sqrt %get3A_29 : vector<1x256xf32>
      %max3A = arith.constant 9.99999996E-13 : f32
      %max3A_30 = vector.broadcast %max3A : f32 to vector<1x256xf32>
      %max3A_31 = arith.maximumf %sqrt3A, %max3A_30 : vector<1x256xf32>
      %div3A = arith.constant 1.000000e+00 : f32
      %div3A_32 = vector.broadcast %div3A : f32 to vector<1x256xf32>
      %div3A_33 = arith.divf %div3A_32, %max3A_31 : vector<1x256xf32>
      %mul3A = arith.constant 1000 : i32
      %mul3A_34 = arith.muli %sub3A_27, %mul3A : i32
      %get3A_35 = arith.index_cast %mul3A_34 : i32 to index
      %get3A_36 = arith.constant 0 : index
      %get3A_37 = vector.load %arg24[%get3A_35, %get3A_36] : memref<10000x256xf32, #tpu.memory_space<vmem>>, vector<1000x256xf32>
      %mul3A_38 = vector.broadcast %div3A_33 : vector<1x256xf32> to vector<1000x256xf32>
      %mul3A_39 = arith.mulf %get3A_37, %mul3A_38 : vector<1000x256xf32>
      %swap3A = arith.constant 0 : index
      %swap3A_40 = arith.constant 0 : index
      %swap3A_41 = vector.load %arg18[%swap3A, %swap3A_40] : memref<1000x256xf32, #tpu.memory_space<vmem>>, vector<1000x256xf32>
      tpu.vector_store %arg18[%swap3A, %swap3A_40], %mul3A_39 {strides = array<i32>} : memref<1000x256xf32, #tpu.memory_space<vmem>>, vector<1000x256xf32>,
    } else {
    }
    return
  }
  func.func @transform_0(%arg0: i32) -> (i32, i32) {
    %min3A = arith.constant 45 : i32
    %min3A_0 = arith.minsi %arg0, %min3A : i32
    %add3A = arith.constant 4 : i32
    %add3A_1 = arith.addi %add3A, %min3A_0 : i32
    %c0_i32 = arith.constant 0 : i32
    %c0_i32_2 = arith.constant 0 : i32
    return %add3A_1, %c0_i32 : i32, i32
  }
  func.func @transform_1(%arg0: i32) -> (i32, i32) {
    %min3A = arith.constant 45 : i32
    %min3A_0 = arith.minsi %arg0, %min3A : i32
    %add3A = arith.constant 4 : i32
    %add3A_1 = arith.addi %add3A, %min3A_0 : i32
    %c0_i32 = arith.constant 0 : i32
    %c0_i32_2 = arith.constant 0 : i32
    return %add3A_1, %c0_i32 : i32, i32
  }
  func.func @transform_2(%arg0: i32) -> (i32, i32) {
    %min3A = arith.constant 9 : i32
    %min3A_0 = arith.minsi %arg0, %min3A : i32
    %c0_i32 = arith.constant 0 : i32
    %c0_i32_1 = arith.constant 0 : i32
    return %min3A_0, %c0_i32 : i32, i32
  }
  func.func @transform_3(%arg0: i32) -> (i32, i32) {
    %c0_i32 = arith.constant 0 : i32
    %c0_i32_0 = arith.constant 0 : i32
    %c0_i32_1 = arith.constant 0 : i32
    return %c0_i32, %c0_i32_0 : i32, i32
  }
  func.func @transform_4(%arg0: i32) -> (i32, i32) {
    %c0_i32 = arith.constant 0 : i32
    %c0_i32_0 = arith.constant 0 : i32
    %c0_i32_1 = arith.constant 0 : i32
    return %c0_i32, %c0_i32_0 : i32, i32
  }
  func.func @transform_5(%arg0: i32) -> (i32, i32) {
    %c0_i32 = arith.constant 0 : i32
    %c0_i32_0 = arith.constant 0 : i32
    %c0_i32_1 = arith.constant 0 : i32
    return %c0_i32, %c0_i32_0 : i32, i32
  }
  func.func @transform_6(%arg0: i32) -> (i32, i32) {
    %c0_i32 = arith.constant 0 : i32
    %c0_i32_0 = arith.constant 0 : i32
    %c0_i32_1 = arith.constant 0 : i32
    return %c0_i32, %c0_i32_0 : i32, i32
  }
  func.func @transform_7(%arg0: i32) -> (i32, i32) {
    %c0_i32 = arith.constant 0 : i32
    %c0_i32_0 = arith.constant 0 : i32
    %c0_i32_1 = arith.constant 0 : i32
    return %c0_i32, %c0_i32_0 : i32, i32
  }
  func.func @transform_8(%arg0: i32) -> (i32, i32) {
    %c0_i32 = arith.constant 0 : i32
    %c0_i32_0 = arith.constant 0 : i32
    %c0_i32_1 = arith.constant 0 : i32
    return %c0_i32, %c0_i32_0 : i32, i32
  }
  func.func @transform_9(%arg0: i32) -> (i32, i32) {
    %c0_i32 = arith.constant 0 : i32
    %c0_i32_0 = arith.constant 0 : i32
    %c0_i32_1 = arith.constant 0 : i32
    return %c0_i32, %c0_i32_0 : i32, i32
  }
  func.func @transform_10(%arg0: i32) -> (i32, i32) {
    %c0_i32 = arith.constant 0 : i32
    %c0_i32_0 = arith.constant 0 : i32
    %c0_i32_1 = arith.constant 0 : i32
    return %c0_i32, %c0_i32_0 : i32, i32
  }
  func.func @transform_11(%arg0: i32) -> (i32, i32) {
    %c0_i32 = arith.constant 0 : i32
    %c0_i32_0 = arith.constant 0 : i32
    %c0_i32_1 = arith.constant 0 : i32
    return %c0_i32, %c0_i32_0 : i32, i32
  }
  func.func @transform_12(%arg0: i32) -> (i32, i32) {
    %c0_i32 = arith.constant 0 : i32
    %c0_i32_0 = arith.constant 0 : i32
    %c0_i32_1 = arith.constant 0 : i32
    return %c0_i32, %c0_i32_0 : i32, i32
  }
  func.func @transform_13(%arg0: i32) -> (i32, i32) {
    %c0_i32 = arith.constant 0 : i32
    %c0_i32_0 = arith.constant 0 : i32
    %c0_i32_1 = arith.constant 0 : i32
    return %c0_i32, %c0_i32_0 : i32, i32
  }
  func.func @transform_14(%arg0: i32) -> (i32, i32) {
    %c0_i32 = arith.constant 0 : i32
    %c0_i32_0 = arith.constant 0 : i32
    %c0_i32_1 = arith.constant 0 : i32
    return %c0_i32, %c0_i32_0 : i32, i32
  }
  func.func @transform_15(%arg0: i32) -> (i32, i32) {
    %c0_i32 = arith.constant 0 : i32
    %c0_i32_0 = arith.constant 0 : i32
    %c0_i32_1 = arith.constant 0 : i32
    return %c0_i32, %c0_i32_0 : i32, i32
  }
  func.func @transform_16(%arg0: i32) -> (i32, i32) {
    %c0_i32 = arith.constant 0 : i32
    %c0_i32_0 = arith.constant 0 : i32
    %c0_i32_1 = arith.constant 0 : i32
    return %c0_i32, %c0_i32_0 : i32, i32
  }
  func.func @transform_17(%arg0: i32) -> (i32, i32) {
    %sub3A = arith.constant 56 : i32
    %sub3A_0 = arith.subi %arg0, %sub3A : i32
    %jit3A = arith.constant 0 : i32
    %jit3A_1 = arith.constant 9 : i32
    %max3A = arith.maxsi %jit3A, %sub3A_0 : i32
    %min3A = arith.minsi %jit3A_1, %max3A : i32
    %c0_i32 = arith.constant 0 : i32
    %c0_i32_2 = arith.constant 0 : i32
    return %min3A, %c0_i32 : i32, i32
  }
}

</mosaic_0001>

<sc_bundles>
// kernel: kernel.4.cloned.1.call-start
scs
__scs_entry_jumppad:
0x0: {  	(pc) =	sbr.rel $0x88, $3  }
0x1: {  	(tag) =	ssettag $0x0;
	lr =	simm.s32 $0x1  }
0x2: {  	[smem:$0x3F92] =	sst lr;
	_ =	strace $0xD0000000  }
0x3: {  	_ = 	snop  }
0x4: {  	_ = 	snop  }
0x5: {  	_ = 	snop  }
0x6: {  	_ = 	snop  }
0x7: {  	_ = 	snop  }
__scs_overlays_trampoline_lowered:
0x8: {  	[smem:$0x3FA1] =	sst s0  }
0x9: {  	[smem:$0x3FA2] =	sst s1  }
0xa: {  	[smem:$0x3FA3] =	sst s2  }
0xb: {  	[smem:$0x3FA4] =	sst s3  }
0xc: {  	[smem:$0x3FA5] =	sst s4  }
0xd: {  	[smem:$0x3FA6] =	sst s5  }
0xe: {  	[smem:$0x3FA7] =	sst s6  }
0xf: {  	[smem:$0x3FA8] =	sst s7  }
0x10: {  	[smem:$0x3FA9] =	sst s8  }
0x11: {  	[smem:$0x3FAA] =	sst s9;
	s0 =	simm.s32 @!p0 $0x0  }
0x12: {  	s1 =	sld [smem:$0x3F90];
	s0 =	simm.s32 @p0 $0x1  }
0x13: {  	[smem:$0x3FAB] =	sst s0;
	s0 =	simm.s32 @!p1 $0x0  }
0x14: {  	s2 =	sld [smem:$0x3F8F];
	s0 =	simm.s32 @p1 $0x1  }
0x15: {  	[smem:$0x3FAC] =	sst s0;
	s0 =	simm.s32 @!p2 $0x0  }
0x16: {  	s3 =	sld [smem:$0x3FDB];
	s0 =	simm.s32 @p2 $0x1  }
0x17: {  	s4 =	simm.s32 $0x1BF5;
	[smem:$0x3FAE] =	sst s0  }
0x18: {  	s0 =	sld [smem:$0x3F91];
	_ =	swait.ge [sflag:s4], $0x0  }
0x19: {  	s7 =	sld [smem:$0x3F92]  }
0x1a: {  	s8 =	sadd.s32 $0xFFFFE003, lr  }
0x1b: {  	s9 =	sadd.s32 $0xFFFFFEF7, lr;
	s5 =	simm.s32 $0xFFFFFFFF;
	p2 =	slt.u32 s8, $0xFFFFF086  }
0x1c: {  	p1 =	slt.u32 s9, $0xF7A;
	s5 =	simm.s32 @!p2 $0x0  }
0x1d: {  	s5 =	simm.s32 @p1 $0x1;
	p0 =	seq.s32 s7, s2  }
0x1e: {  	s7 =	smul.u32 @!p0 $0xF7A, s2;
	p2 =	seq.s32 @!p0 s5, $0x0  }
0x1f: {  	s9 =	smul.u32 $0xF7A, s1;
	s8 =	simm.s32 @!p0 $0x1BF5;
	p2 =	por !p2, p0  }
0x20: {  	[sflag:s8] =	ssyncset.s32 @!p0 $0xFFFFF086;
	s6 =	sadd.s32 @!p0 s3, s7;
	s7 =	simm.s32 @!p0 $0x108  }
0x21: {  	s3 =	sadd.s32 s3, s9;
	s6 =	sadd.s32 @!p0 $0x88, s6;
	s7 =	simm.s32 @p2 $0x1082  }
0x22: {  	[simem:s7], [sflag:s8] =	dma.local @!p0 [hbm:s6], $0xF7A  }
0x23: {  	s9 =	sor.u32 $0xD0000000, s2;
	s6 =	simm.s32 $0x108;
	_ =	swait.ge @!p0 [sflag:s8], $0x0  }
0x24: {  	s3 =	sadd.s32 $0x88, s3;
	s6 =	simm.s32 @!p1 $0x1082;
	[sflag:s4] =	ssyncset.s32 $0xFFFFF086  }
0x25: {  	[simem:s6], [sflag:s4] =	dma.local [hbm:s3], $0xF7A  }
0x26: {  	[smem:$0x3F92] =	sst s1;
	(tag) =	ssettag s2;
	_ =	strace s9  }
0x27: {  	s1 =	sld [smem:$0x3FA2]  }
0x28: {  	s2 =	sld [smem:$0x3FA3]  }
0x29: {  	s4 =	sld [smem:$0x3FA5]  }
0x2a: {  	p0 =	seq.s32 s5, $0x0;
	s5 =	sld [smem:$0x3FA6]  }
0x2b: {  	s6 =	sld [smem:$0x3FA7]  }
0x2c: {  	s7 =	sld [smem:$0x3FA8]  }
0x2d: {  	s3 =	simm.s32 $0x108;
	s8 =	sld [smem:$0x3FA9]  }
0x2e: {  	s3 =	simm.s32 @!p0 $0x1082;
	s9 =	sld [smem:$0x3FAA]  }
0x2f: {  	lr =	sadd.s32 s0, s3;
	s0 =	sld [smem:$0x3FA1]  }
0x30: {  	s3 =	sld [smem:$0x3FA4]  }
0x31: {  	[smem:$0x3FAD] =	sst s10  }
0x32: {  	s10 =	sld [smem:$0x3FAB];
	_ =	sdelay $0x3  }
0x33: {  	p0 =	seq.s32 s10, $0x1;
	s10 =	sld [smem:$0x3FAD];
	_ =	sdelay $0x3  }
0x34: {  	[smem:$0x3FAD] =	sst s10  }
0x35: {  	s10 =	sld [smem:$0x3FAC];
	_ =	sdelay $0x3  }
0x36: {  	p1 =	seq.s32 s10, $0x1;
	s10 =	sld [smem:$0x3FAD];
	_ =	sdelay $0x3  }
0x37: {  	[smem:$0x3FAD] =	sst s10  }
0x38: {  	s10 =	sld [smem:$0x3FAE]  }
0x39: {  	_ = 	snop;
	(pc) =	sbr.ind lr, $3  }
0x3a: {  	_ = 	snop  }
0x3b: {  	_ = 	snop  }
0x3c: {  	p2 =	seq.s32 s10, $0x1;
	s10 =	sld [smem:$0x3FAD]  }
0x3d: {  	_ =	shalt  }
0x3e: {  	_ =	shalt  }
0x3f: {  	_ =	shalt  }
0x40: {  	_ =	shalt  }
0x41: {  	_ =	shalt  }
0x42: {  	_ =	shalt  }
0x43: {  	_ =	shalt  }
0x44: {  	_ =	shalt  }
0x45: {  	_ =	shalt  }
0x46: {  	_ =	shalt  }
0x47: {  	_ =	shalt  }
0x48: {  	_ =	shalt  }
0x49: {  	_ =	shalt  }
0x4a: {  	_ =	shalt  }
0x4b: {  	_ =	shalt  }
0x4c: {  	_ =	shalt  }
0x4d: {  	_ =	shalt  }
0x4e: {  	_ =	shalt  }
0x4f: {  	_ =	shalt  }
0x50: {  	_ =	shalt  }
0x51: {  	_ =	shalt  }
0x52: {  	_ =	shalt  }
0x53: {  	_ =	shalt  }
0x54: {  	_ =	shalt  }
0x55: {  	_ =	shalt  }
0x56: {  	_ =	shalt  }
0x57: {  	_ =	shalt  }
0x58: {  	_ =	shalt  }
0x59: {  	_ =	shalt  }
0x5a: {  	_ =	shalt  }
0x5b: {  	_ =	shalt  }
0x5c: {  	_ =	shalt  }
0x5d: {  	_ =	shalt  }
0x5e: {  	_ =	shalt  }
0x5f: {  	_ =	shalt  }
0x60: {  	_ =	shalt  }
0x61: {  	_ =	shalt  }
0x62: {  	_ =	shalt  }
0x63: {  	_ =	shalt  }
0x64: {  	_ =	shalt  }
0x65: {  	_ =	shalt  }
0x66: {  	_ =	shalt  }
0x67: {  	_ =	shalt  }
0x68: {  	_ =	shalt  }
0x69: {  	_ =	shalt  }
0x6a: {  	_ =	shalt  }
0x6b: {  	_ =	shalt  }
0x6c: {  	_ =	shalt  }
0x6d: {  	_ =	shalt  }
0x6e: {  	_ =	shalt  }
0x6f: {  	_ =	shalt  }
0x70: {  	_ =	shalt  }
0x71: {  	_ =	shalt  }
0x72: {  	_ =	shalt  }
0x73: {  	_ =	shalt  }
0x74: {  	_ =	shalt  }
0x75: {  	_ =	shalt  }
0x76: {  	_ =	shalt  }
0x77: {  	_ =	shalt  }
0x78: {  	_ =	shalt  }
0x79: {  	_ =	shalt  }
0x7a: {  	_ =	shalt  }
0x7b: {  	_ =	shalt  }
0x7c: {  	_ =	shalt  }
0x7d: {  	_ =	shalt  }
0x7e: {  	_ =	shalt  }
0x7f: {  	_ =	shalt  }
0x80: {  	_ =	shalt  }
0x81: {  	_ =	shalt  }
0x82: {  	_ =	shalt  }
0x83: {  	_ =	shalt  }
0x84: {  	_ =	shalt  }
0x85: {  	_ =	shalt  }
0x86: {  	_ =	shalt  }
0x87: {  	_ =	shalt  }
.Lfunc_end0:
.L_simem_size_0:
called_computation_lowered:
.L_overlay_start_0:
0x88: {  	s2 =	sld [smem:$0x3FD9]  }
0x89: {  	s3 =	sld [smem:$0x3FFE];
	_ =	sdelay $0x1  }
0x8a: {  	s1 =	srdreg.scid  }
0x8b: {  	s0 =	sand.u32 $0x1, s1  }
0x8c: {  	s17 =	sshll.u32 s0, $0xA;
	s2 =	sadd.s32 s3, s2  }
0x8d: {  	s2 =	sadd.s32 s2, s17  }
0x8e: {  	[smem:$0x3FB9] =	sst s2  }
0x8f: {  	_ = 	snop  }
0x90: {  	s2 =	sld [smem:$0x3FC8]  }
0x91: {  	s18 =	sld [smem:$0x3FC7]  }
0x92: {  	s4 =	sld [smem:$0x3FD0];
	(tm) =	ssettm $0x1  }
0x93: {  	s5 =	sld [smem:$0x3FFB];
	_ =	sdelay $0x3  }
0x94: {  	_ =	strace s5  }
0x95: {  	s5 =	sld [smem:$0x3FFC];
	_ =	sdelay $0x3  }
0x96: {  	_ =	strace s5  }
0x97: {  	s5 =	sld [smem:$0x3FFD];
	_ =	sdelay $0x3  }
0x98: {  	_ =	strace s5  }
0x99: {  	_ =	strace $0x8FFFFFFF  }
0x9a: {  	s19 =	sld [smem:$0x3FDB];
	_ =	sdelay $0x1  }
0x9b: {  	s6 =	simm.s32 $_scs_section_size  }
0x9c: {  	s7 =	simm.s32 $_size__tile_overlayer_lowered;
	s8 =	simm.s32 $_tile_overlayer_lowered  }
0x9d: {  	s22 =	simm.s32 $0x1BFF;
	s21 =	sshll.u32 s8, $0x1;
	s5 =	sadd.s32 s6, s19  }
0x9e: {  	s9 =	simm.s32 $0x0;
	s20 =	sshll.u32 s7, $0x1;
	s7 =	sadd.s32 s21, s5  }
0x9f: {  	[timem:s9], [sflag:s22] =	dma.local [hbm:s7], s20  }
0xa0: {  	_ =	swait.ge [sflag:s22], s20  }
0xa1: {  	s6 =	ssub.s32 $0x0, s20;
	[sflag:s22] =	ssyncset.done $0x0  }
0xa2: {  	[sflag:s22] =	ssyncadd.s32 s6;
	_ =	sdelay $0x1  }
0xa3: {  	s23 =	simm.s32 $0x1B8B  }
0xa4: {  	_ =	swait.ge [sflag:s23], $0x1  }
0xa5: {  	[sflag:s23] =	ssyncset.done $0x0  }
0xa6: {  	s25 =	simm.s32 $0x1B8E;
	s24 =	sld [smem:$0x3FFE];
	[sflag:s23] =	ssyncadd.s32 $0xFFFFFFFF  }
0xa7: {  	s26 =	simm.s32 $execute0_lowered;
	[smem:$0x3FD2] =	sst s25  }
0xa8: {  	s7 =	sshll.u32 s26, $0x1;
	_ =	strace $0x80000046;
	[dreg:$0x1] =	wrdreg $0xFFFFFFFF  }
0xa9: {  	s28 =	simm.s32 $_size_execute0_lowered;
	s5 =	sadd.s32 s5, s7;
	[dreg:$0x0] =	wrdreg $0x0  }
0xaa: {  	s7 =	sshll.u32 s28, $0x1;
	[dreg:$0x2] =	wrdreg s5  }
0xab: {  	[dreg:$0x3] =	wrdreg s7  }
0xac: {  	[dreg:$0x4] =	wrdreg $0xC0  }
0xad: {  	_ =	task [dreg:s9], $0x5FFFF  }
0xae: {  	[dreg:$0x1] =	wrdreg $0xFFFFFFFF  }
0xaf: {  	[dreg:$0x0] =	wrdreg $0x60  }
0xb0: {  	[dreg:$0x2] =	wrdreg s2  }
0xb1: {  	[dreg:$0x3] =	wrdreg s18  }
0xb2: {  	[dreg:$0x4] =	wrdreg s24  }
0xb3: {  	[dreg:$0x5] =	wrdreg s4  }
0xb4: {  	[dreg:$0x6] =	wrdreg $0x9  }
0xb5: {  	_ =	task.clear_ibuf [dreg:s9], $0x7FFFF;
	_ =	strace $0x90000046  }
0xb6: {  	s29 =	simm.s32 $0x9;
	_ =	strace $0x80000048  }
0xb7: {  	_ =	swait.ge [sflag:s29], $0x1  }
0xb8: {  	[sflag:s29] =	ssyncadd.s32 $0xFFFFFFFF  }
0xb9: {  	_ =	strace $0x90000048  }
0xba: {  	_ =	sfence  }
0xbb: {  	s30 =	sld [smem:$0x0];
	_ =	sdelay $0x2  }
0xbc: {  	s31 =	sshll.u32 s1, $0xD;
	s1 =	sshrl.u32 s1, $0x2  }
0xbd: {  	s3 =	sand.u32 $0x4000, s31;
	s1 =	sadd.s32 s1, s30  }
0xbe: {  	s0 =	sor.u32 s3, s0;
	s1 =	sshll.u32 s1, $0x11  }
0xbf: {  	s0 =	sor.u32 s1, s0  }
0xc0: {  	s0 =	sadd.s32 $0x8F2B, s0  }
0xc1: {  	[sflag:s0] =	ssyncadd.remote.s32 $0x1  }
0xc2: {  	_ =	sfence.sel $0xFFFF  }
0xc3: {  	[dreg:$0x0] =	wrdreg $0xFFFFFFFF;
	(pc) =	sbr.abs _section_cstart, $3  }
0xc4: {  	[dreg:$0x1] =	wrdreg $0xFFFFFFFF  }
0xc5: {  	_ =	task.clear_ibuf [dreg:s9], $0x2FFFF;
	_ =	strace $0x9FFFFFFF  }
0xc6: {  	(tm) =	ssettm $0x7FFFFFFF  }
0xc7: {  	_ =	shalt  }
tec
execute0_lowered:
.L_overlay_start_1:
0x0: {  	(tag) =	ssettag $0x1  }
0x1: {  	s4 =	rddreg [dreg:$0x0]  }
0x2: {  	s7 =	rddreg [dreg:$0x1]  }
0x3: {  	s3 =	rddreg [dreg:$0x2];
	s1 =	srdreg.scid  }
0x4: {  	s0 =	stileid.u32;
	s11 =	rddreg [dreg:$0x3]  }
0x5: {  	s15 =	simm.s32 $0x2;
	s16 =	simm.s32 $0x16800;
	s17 =	simm.s32 $0x5  }
0x6: {  	s18 =	simm.s32 $0xC800;
	s19 =	simm.s32 $0x11800;
	s20 =	simm.s32 $0x3  }
0x7: {  	s21 =	simm.s32 $0x4;
	s22 =	simm.s32 $0x80;
	s23 =	simm.s32 $0x400  }
0x8: {  	s24 =	simm.s32 $0x16880;
	s5 =	sand.u32 $0x1, s1;
	s2 =	sshll.u32 s0, $0x1  }
0x9: {  	s25 =	simm.s32 $0x0;
	s1 =	rddreg [dreg:$0x4];
	s6 =	sor.u32 s5, s2  }
0xa: {  	s8 =	sshrl.u32 s0, $0x2;
	s2 =	simm.s32 $0x0;
	s12 =	smul.u32 $0xC800, s6  }
0xb: {  	s10 =	sshll.u32 s8, $0xA;
	s5 =	ssub.s32 $0x2, s5;
	s13 =	smul.u32 $0x1900, s6  }
0xc: {  	s31 =	sshll.u32 s8, $0xB;
	s9 =	sshll.u32 s6, $0x7;
	s29 =	smul.u32 $0x19000, s6  }
0xd: {  	[smem:$0x7FF] =	sst s2;
	s26 =	sshrl.u32 s5, $0x1;
	s6 =	smul.u32 $0x3200, s6  }
0xe: {  	s9 =	sand.u32 $0x380, s9;
	_ =	strace $0x80000047;
	s14 =	ssub.s32 s5, s26  }
0xf: {  	s10 =	sor.u32 s10, s9;
	s28 =	sshrl.u32 s12, $0x3;
	s30 =	sshrl.u32 s29, $0x3  }
0x10: {  	s6 =	sadd.s32 s7, s6;
	s12 =	sor.u32 s31, s9;
	s10 =	sshrl.u32 s10, $0x3  }
0x11: {  	s12 =	sshrl.u32 s12, $0x3;
	s10 =	sadd.s32 s10, s3;
	s3 =	sadd.s32 s4, s13  }
0x12: {  	s4 =	sadd.s32 s4, s28;
	s11 =	sadd.s32 s11, s12;
	s12 =	smax.u32 s14, $0x1  }
0x13: {  	s13 =	simm.s32 $0x6400;
	s5 =	sadd.s32 $0x2600, s10;
	s10 =	sadd.s32 s7, s30  }
0x14: {  	s14 =	simm.s32 $0x1;
	s4 =	sadd.s32 $0xC80, s4;
	s7 =	sadd.s32 $0xA00, s10  }
0x15: {  	s8 =	sadd.s32 $0x1400, s10;
	s9 =	sadd.s32 $0x1E00, s10;
	s10 =	sadd.s32 $0x2800, s10  }
.LBB2_1:
0x16: {  	[tilespmem:s2], [sflag:$0x1] =	stream.linear.gather [hbm4b:s3+s2], $0x6400, $0x38;
	[tilespmem:$0x16980] =	vst v63  }
0x17: {  	_ = 	snop  }
0x18: {  	[tilespmem:s13], [sflag:$0x2] =	stream.linear.gather [hbm4b:s4+s2], $0x6400, $0x38;
	[tilespmem:$0x16980] =	vst v63  }
0x19: {  	_ =	swait.ge [sflag:s14], $0x6400  }
0x1a: {  	[sflag:s14] =	ssyncset.done $0x0  }
0x1b: {  	s26 =	simm.s32 $0x0;
	[sflag:s14] =	ssyncadd.s32 $0xFFFF9C00  }
0x1c: {  	v4 =	vld [tilespmem:s26+$0x80]  }
0x1d: {  	v6 =	vld [tilespmem:s26+$0x90]  }
0x1e: {  	v5 =	vld [tilespmem:s26+$0xA0]  }
0x1f: {  	v7 =	vld [tilespmem:s26+$0xB0]  }
0x20: {  	v0 =	vld [tilespmem:s26+$0xC0]  }
0x21: {  	v1 =	vld [tilespmem:s26+$0xD0]  }
0x22: {  	v23 =	vld [tilespmem:s26+$0x0]  }
0x23: {  	v25 =	vld [tilespmem:s26+$0x10]  }
0x24: {  	v22 =	vld [tilespmem:s26+$0x20]  }
0x25: {  	v24 =	vld [tilespmem:s26+$0x30]  }
0x26: {  	v3 =	vimm.f32 $0.0e+00;
	v16 =	vimm.f32 $0.0e+00;
	v19 =	vld [tilespmem:s26+$0x40]  }
0x27: {  	v17 =	vimm.f32 $0.0e+00;
	v18 =	vimm.f32 $0.0e+00;
	v12 =	vimm.f32 $0.0e+00;
	v20 =	vld [tilespmem:s26+$0x50]  }
0x28: {  	s28 =	simm.s32 $0x400;
	v15 =	vimm.f32 $0.0e+00;
	v13 =	vimm.f32 $0.0e+00;
	v14 =	vimm.f32 $0.0e+00;
	v21 =	vld [tilespmem:s26+$0x60]  }
.LBB2_2:
0x29: {  	p0 =	sne.s32 s28, $0x18C00;
	v2 =	vadd.f32 v23, v3;
	v8 =	vadd.f32 v25, v16;
	v9 =	vld [tilespmem:s26+$0x70]  }
0x2a: {  	v10 =	vadd.f32 v22, v17;
	v11 =	vadd.f32 v24, v18;
	v22 =	vld [tilespmem:s26+$0xE0]  }
0x2b: {  	v3 =	vadd.f32 v4, v2;
	v16 =	vadd.f32 v6, v8;
	v2 =	vld [tilespmem:s26+$0xF0];
	s26 =	sshra.s32 s28, $0x2  }
0x2c: {  	v17 =	vadd.f32 v5, v10;
	v4 =	vld [tilespmem:s26+$0x80];
	v18 =	vadd.f32 v7, v11  }
0x2d: {  	v8 =	vadd.f32 v19, v12;
	v10 =	vadd.f32 v20, v15;
	v6 =	vld [tilespmem:s26+$0x90]  }
0x2e: {  	v11 =	vadd.f32 v21, v13;
	v5 =	vld [tilespmem:s26+$0xA0];
	v9 =	vadd.f32 v9, v14  }
0x2f: {  	v12 =	vadd.f32 v0, v8;
	v15 =	vadd.f32 v1, v10;
	v7 =	vld [tilespmem:s26+$0xB0]  }
0x30: {  	v13 =	vadd.f32 v22, v11;
	v0 =	vld [tilespmem:s26+$0xC0];
	v14 =	vadd.f32 v2, v9  }
0x31: {  	v1 =	vld [tilespmem:s26+$0xD0]  }
0x32: {  	v23 =	vld [tilespmem:s26+$0x0]  }
0x33: {  	v25 =	vld [tilespmem:s26+$0x10]  }
.Ltmp0:
0x34: {  	v22 =	vld [tilespmem:s26+$0x20];
	(pc) =	sbr.rel @p0 .LBB2_2-.Ltmp0, $4  }
0x35: {  	v24 =	vld [tilespmem:s26+$0x30]  }
0x36: {  	v19 =	vld [tilespmem:s26+$0x40]  }
0x37: {  	v20 =	vld [tilespmem:s26+$0x50]  }
0x38: {  	s28 =	sadd.s32 $0x400, s28;
	v21 =	vld [tilespmem:s26+$0x60]  }
0x39: {  	v26 =	vld [tilespmem:s26+$0x70]  }
0x3a: {  	v27 =	vld [tilespmem:s26+$0xE0]  }
0x3b: {  	v28 =	vld [tilespmem:s26+$0xF0];
	_ =	swait.ge [sflag:s15], $0x6400  }
0x3c: {  	[sflag:s15] =	ssyncset.done $0x0  }
0x3d: {  	s26 =	simm.s32 $0x0;
	[sflag:s15] =	ssyncadd.s32 $0xFFFF9C00  }
0x3e: {  	v8 =	vld [tilespmem:s26+$0x6480]  }
0x3f: {  	v11 =	vld [tilespmem:s26+$0x6490]  }
0x40: {  	v9 =	vld [tilespmem:s26+$0x64A0]  }
0x41: {  	v10 =	vld [tilespmem:s26+$0x64B0]  }
0x42: {  	v2 =	vld [tilespmem:s26+$0x64C0]  }
0x43: {  	v23 =	vadd.f32 v23, v3;
	v16 =	vadd.f32 v25, v16;
	v3 =	vld [tilespmem:s26+$0x64D0]  }
0x44: {  	v22 =	vadd.f32 v22, v17;
	v24 =	vadd.f32 v24, v18;
	v17 =	vld [tilespmem:s26+$0x6400]  }
0x45: {  	v4 =	vadd.f32 v4, v23;
	v6 =	vadd.f32 v6, v16;
	v18 =	vld [tilespmem:s26+$0x6410]  }
0x46: {  	v16 =	vadd.f32 v5, v22;
	v5 =	vadd.f32 v7, v24;
	v22 =	vld [tilespmem:s26+$0x6420]  }
0x47: {  	v7 =	vadd.f32 v19, v12;
	v15 =	vadd.f32 v20, v15;
	v19 =	vld [tilespmem:s26+$0x6430]  }
0x48: {  	v20 =	vadd.f32 v21, v13;
	v13 =	vld [tilespmem:s26+$0x6440];
	v21 =	vadd.f32 v26, v14  }
0x49: {  	v12 =	vadd.f32 v0, v7;
	v1 =	vadd.f32 v1, v15;
	v14 =	vld [tilespmem:s26+$0x6450]  }
0x4a: {  	s28 =	simm.s32 $0x400;
	v15 =	vld [tilespmem:s26+$0x6460];
	v7 =	vadd.f32 v27, v20;
	v0 =	vadd.f32 v28, v21  }
.LBB2_4:
0x4b: {  	p0 =	sne.s32 s28, $0x18C00;
	v4 =	vadd.f32 v17, v4;
	v6 =	vadd.f32 v18, v6;
	v17 =	vld [tilespmem:s26+$0x6470]  }
0x4c: {  	v16 =	vadd.f32 v22, v16;
	v5 =	vadd.f32 v19, v5;
	v18 =	vld [tilespmem:s26+$0x64E0]  }
0x4d: {  	v4 =	vadd.f32 v8, v4;
	v6 =	vadd.f32 v11, v6;
	v19 =	vld [tilespmem:s26+$0x64F0];
	s26 =	sshra.s32 s28, $0x2  }
0x4e: {  	v16 =	vadd.f32 v9, v16;
	v8 =	vld [tilespmem:s26+$0x6480];
	v5 =	vadd.f32 v10, v5  }
0x4f: {  	v12 =	vadd.f32 v13, v12;
	v1 =	vadd.f32 v14, v1;
	v11 =	vld [tilespmem:s26+$0x6490]  }
0x50: {  	v7 =	vadd.f32 v15, v7;
	v9 =	vld [tilespmem:s26+$0x64A0];
	v0 =	vadd.f32 v17, v0  }
0x51: {  	v12 =	vadd.f32 v2, v12;
	v1 =	vadd.f32 v3, v1;
	v10 =	vld [tilespmem:s26+$0x64B0]  }
0x52: {  	v7 =	vadd.f32 v18, v7;
	v2 =	vld [tilespmem:s26+$0x64C0];
	v0 =	vadd.f32 v19, v0  }
0x53: {  	v3 =	vld [tilespmem:s26+$0x64D0]  }
0x54: {  	v17 =	vld [tilespmem:s26+$0x6400]  }
0x55: {  	v18 =	vld [tilespmem:s26+$0x6410]  }
.Ltmp1:
0x56: {  	v22 =	vld [tilespmem:s26+$0x6420];
	(pc) =	sbr.rel @p0 .LBB2_4-.Ltmp1, $4  }
0x57: {  	v19 =	vld [tilespmem:s26+$0x6430]  }
0x58: {  	v13 =	vld [tilespmem:s26+$0x6440]  }
0x59: {  	v14 =	vld [tilespmem:s26+$0x6450]  }
0x5a: {  	s28 =	sadd.s32 $0x400, s28;
	v15 =	vld [tilespmem:s26+$0x6460]  }
0x5b: {  	v4 =	vadd.f32 v17, v4  }
0x5c: {  	v6 =	vadd.f32 v18, v6  }
0x5d: {  	v17 =	vld [tilespmem:s26+$0x6470];
	v16 =	vadd.f32 v22, v16;
	v4 =	vadd.f32 v8, v4  }
0x5e: {  	v18 =	vld [tilespmem:s26+$0x64E0];
	v5 =	vadd.f32 v19, v5;
	v6 =	vadd.f32 v11, v6  }
0x5f: {  	v8 =	vld [tilespmem:s26+$0x64F0];
	v9 =	vadd.f32 v9, v16;
	v11 =	vadd.f32 v13, v12;
	[tilespmem:$0x16800] =	vst v4  }
0x60: {  	v1 =	vadd.f32 v14, v1;
	v4 =	vadd.f32 v10, v5;
	[tilespmem:$0x16810] =	vst v6  }
0x61: {  	v5 =	vadd.f32 v15, v7;
	v2 =	vadd.f32 v2, v11;
	[tilespmem:$0x16820] =	vst v9  }
0x62: {  	v0 =	vadd.f32 v17, v0;
	v1 =	vadd.f32 v3, v1;
	[tilespmem:$0x16830] =	vst v4  }
0x63: {  	v3 =	vadd.f32 v18, v5;
	[tilespmem:$0x16840] =	vst v2  }
0x64: {  	v0 =	vadd.f32 v8, v0;
	[tilespmem:$0x16850] =	vst v1  }
0x65: {  	[tilespmem:$0x16860] =	vst v3  }
0x66: {  	s26 =	simm.s32 $0x0;
	[tilespmem:$0x16870] =	vst v0  }
0x67: {  	[hbm4b:s5+s26] =	stream.linear.scatter [tilespmem:s16], [sflag:$0x5], $0x80, $0x38;
	[tilespmem:$0x16980] =	vst v63  }
0x68: {  	_ =	swait.ge [sflag:s17], $0x80  }
0x69: {  	[sflag:s17] =	ssyncset.done $0x0  }
0x6a: {  	[sflag:s17] =	ssyncadd.s32 $0xFFFFFF80  }
0x6b: {  	[tilespmem:s18], [sflag:$0x3] =	stream.linear.gather [hbm4b:s6+s26], $0x5000, $0x38;
	[tilespmem:$0x16980] =	vst v63  }
0x6c: {  	_ = 	snop  }
0x6d: {  	[tilespmem:s19], [sflag:$0x4] =	stream.linear.gather [hbm4b:s7+s26], $0x5000, $0x38;
	[tilespmem:$0x16980] =	vst v63  }
0x6e: {  	_ =	swait.ge [sflag:s20], $0x5000  }
0x6f: {  	s28 =	sand.u32 $0x7800, s26;
	s29 =	sand.u32 $0x300, s26;
	[sflag:s20] =	ssyncset.done $0x0  }
0x70: {  	s28 =	sor.u32 s29, s28;
	[sflag:s20] =	ssyncadd.s32 $0xFFFFB000  }
0x71: {  	v0 =	vld [tilespmem:s28+$0xC880]  }
0x72: {  	v1 =	vld [tilespmem:s28+$0xC890]  }
0x73: {  	v2 =	vld [tilespmem:s28+$0xC8A0]  }
0x74: {  	v3 =	vld [tilespmem:s28+$0xC8B0]  }
0x75: {  	v4 =	vld [tilespmem:s28+$0xC8C0]  }
0x76: {  	v5 =	vld [tilespmem:s28+$0xC8D0]  }
0x77: {  	v7 =	vld [tilespmem:s28+$0xC8E0]  }
0x78: {  	v18 =	vld [tilespmem:s28+$0xC8F0]  }
0x79: {  	v12 =	vld [tilespmem:s28+$0xCC80]  }
0x7a: {  	v13 =	vld [tilespmem:s28+$0xCC90]  }
0x7b: {  	v10 =	vld [tilespmem:s28+$0xCCA0]  }
0x7c: {  	v11 =	vld [tilespmem:s28+$0xCCB0]  }
0x7d: {  	v8 =	vld [tilespmem:s28+$0xC800]  }
0x7e: {  	v9 =	vld [tilespmem:s28+$0xC810]  }
0x7f: {  	v14 =	vld [tilespmem:s28+$0xC820]  }
0x80: {  	v15 =	vld [tilespmem:s28+$0xC830]  }
0x81: {  	v19 =	vld [tilespmem:s28+$0xC860]  }
0x82: {  	v22 =	vld [tilespmem:s28+$0xC870]  }
0x83: {  	v16 =	vld [tilespmem:s28+$0xC840]  }
0x84: {  	v6 =	vimm.f32 $0.0e+00;
	v17 =	vld [tilespmem:s28+$0xC850]  }
0x85: {  	v27 =	vld [tilespmem:s28+$0xCC00];
	v20 =	vadd.f32 v8, v6;
	v21 =	vadd.f32 v9, v6  }
0x86: {  	v34 =	vld [tilespmem:s28+$0xCC10];
	v14 =	vadd.f32 v14, v6;
	v15 =	vadd.f32 v15, v6  }
0x87: {  	v33 =	vld [tilespmem:s28+$0xCC20];
	v23 =	vadd.f32 v19, v6;
	v36 =	vadd.f32 v22, v6  }
0x88: {  	v25 =	vimm.f32 $0.0e+00;
	v35 =	vld [tilespmem:s28+$0xCC30];
	v0 =	vadd.f32 v0, v20;
	v1 =	vadd.f32 v1, v21  }
0x89: {  	v26 =	vld [tilespmem:s28+$0xCC40];
	v19 =	vimm.f32 $0.0e+00;
	v2 =	vadd.f32 v2, v14;
	v14 =	vadd.f32 v16, v6  }
0x8a: {  	v32 =	vld [tilespmem:s28+$0xCC50];
	v3 =	vadd.f32 v3, v15;
	v15 =	vadd.f32 v17, v6;
	v16 =	vimm.f32 $0.0e+00  }
0x8b: {  	v8 =	vld [tilespmem:s28+$0xCCC0];
	v17 =	vimm.f32 $0.0e+00;
	v21 =	vimm.f32 $0.0e+00;
	v4 =	vadd.f32 v4, v14  }
0x8c: {  	s29 =	simm.s32 $0x100;
	v9 =	vld [tilespmem:s28+$0xCCD0];
	v5 =	vadd.f32 v5, v15;
	v14 =	vimm.f32 $0.0e+00;
	v15 =	vimm.f32 $0.0e+00  }
.LBB2_6:
0x8d: {  	p0 =	sne.s32 s29, $0x2700;
	v20 =	vld [tilespmem:s28+$0xCC60];
	v22 =	vadd.f32 v7, v23;
	v24 =	vadd.f32 v18, v36  }
0x8e: {  	v6 =	vadd.f32 v27, v6;
	v7 =	vadd.f32 v34, v19;
	s26 =	sadd.s32 $0x200, s26;
	v18 =	vld [tilespmem:s28+$0xCC70]  }
0x8f: {  	s31 =	sand.u32 $0x300, s29;
	s30 =	sand.u32 $0x7800, s26;
	v14 =	vadd.f32 v33, v14;
	v15 =	vadd.f32 v35, v15;
	v23 =	vld [tilespmem:s28+$0xCCE0]  }
0x90: {  	v6 =	vadd.f32 v12, v6;
	v19 =	vadd.f32 v13, v7;
	v7 =	vld [tilespmem:s28+$0xCCF0];
	s28 =	sor.u32 s31, s30  }
0x91: {  	v14 =	vadd.f32 v10, v14;
	v28 =	vld [tilespmem:s28+$0xC880];
	v15 =	vadd.f32 v11, v15  }
0x92: {  	v10 =	vadd.f32 v26, v16;
	v11 =	vadd.f32 v32, v25;
	v29 =	vld [tilespmem:s28+$0xC890]  }
0x93: {  	v12 =	vadd.f32 v20, v17;
	v26 =	vld [tilespmem:s28+$0xC8A0];
	v13 =	vadd.f32 v18, v21  }
0x94: {  	v16 =	vadd.f32 v8, v10;
	v25 =	vadd.f32 v9, v11;
	v20 =	vld [tilespmem:s28+$0xC8B0]  }
0x95: {  	v17 =	vadd.f32 v23, v12;
	v30 =	vld [tilespmem:s28+$0xC8C0];
	v21 =	vadd.f32 v7, v13  }
0x96: {  	v31 =	vld [tilespmem:s28+$0xC8D0]  }
0x97: {  	v7 =	vld [tilespmem:s28+$0xC8E0]  }
0x98: {  	v18 =	vld [tilespmem:s28+$0xC8F0]  }
0x99: {  	v12 =	vld [tilespmem:s28+$0xCC80]  }
0x9a: {  	v13 =	vld [tilespmem:s28+$0xCC90]  }
0x9b: {  	v10 =	vld [tilespmem:s28+$0xCCA0]  }
0x9c: {  	v11 =	vld [tilespmem:s28+$0xCCB0]  }
0x9d: {  	v8 =	vld [tilespmem:s28+$0xCCC0]  }
0x9e: {  	v9 =	vld [tilespmem:s28+$0xCCD0]  }
0x9f: {  	v23 =	vld [tilespmem:s28+$0xC800]  }
0xa0: {  	v27 =	vld [tilespmem:s28+$0xC810]  }
0xa1: {  	v32 =	vld [tilespmem:s28+$0xC820]  }
0xa2: {  	v33 =	vld [tilespmem:s28+$0xC830]  }
0xa3: {  	v35 =	vld [tilespmem:s28+$0xC840]  }
0xa4: {  	v36 =	vld [tilespmem:s28+$0xC850]  }
0xa5: {  	v37 =	vld [tilespmem:s28+$0xC860]  }
0xa6: {  	v0 =	vadd.f32 v23, v0;
	v1 =	vadd.f32 v27, v1;
	v38 =	vld [tilespmem:s28+$0xC870]  }
0xa7: {  	v2 =	vadd.f32 v32, v2;
	v3 =	vadd.f32 v33, v3;
	v27 =	vld [tilespmem:s28+$0xCC00]  }
.Ltmp2:
0xa8: {  	v0 =	vadd.f32 v28, v0;
	v1 =	vadd.f32 v29, v1;
	v34 =	vld [tilespmem:s28+$0xCC10];
	(pc) =	sbr.rel @p0 .LBB2_6-.Ltmp2, $4  }
0xa9: {  	v2 =	vadd.f32 v26, v2;
	v33 =	vld [tilespmem:s28+$0xCC20];
	v3 =	vadd.f32 v20, v3  }
0xaa: {  	v4 =	vadd.f32 v35, v4;
	v5 =	vadd.f32 v36, v5;
	v35 =	vld [tilespmem:s28+$0xCC30]  }
0xab: {  	v23 =	vadd.f32 v37, v22;
	v36 =	vadd.f32 v38, v24;
	v26 =	vld [tilespmem:s28+$0xCC40]  }
0xac: {  	s29 =	sadd.s32 $0x100, s29;
	v4 =	vadd.f32 v30, v4;
	v5 =	vadd.f32 v31, v5;
	v32 =	vld [tilespmem:s28+$0xCC50]  }
0xad: {  	v37 =	vld [tilespmem:s28+$0xCC60]  }
0xae: {  	v38 =	vld [tilespmem:s28+$0xCC70]  }
0xaf: {  	v39 =	vld [tilespmem:s28+$0xCCE0];
	s26 =	simm.s32 $0x0  }
0xb0: {  	v40 =	vld [tilespmem:s28+$0xCCF0];
	[tilespmem:s18], [sflag:$0x3] =	stream.linear.gather [hbm4b:s8+s26], $0x5000, $0x38  }
0xb1: {  	_ =	swait.ge [sflag:s21], $0x5000  }
0xb2: {  	s28 =	sand.u32 $0x7800, s26;
	s29 =	sand.u32 $0x300, s26;
	[sflag:s21] =	ssyncset.done $0x0  }
0xb3: {  	s29 =	sor.u32 s29, s28;
	[sflag:s21] =	ssyncadd.s32 $0xFFFFB000  }
0xb4: {  	s28 =	sadd.s32 $0x11800, s29;
	v41 =	vld [tilespmem:s29+$0x11800]  }
0xb5: {  	v42 =	vld [tilespmem:s28+$0x80]  }
0xb6: {  	v43 =	vld [tilespmem:s28+$0x90]  }
0xb7: {  	v44 =	vld [tilespmem:s28+$0xA0]  }
0xb8: {  	v45 =	vld [tilespmem:s28+$0xB0]  }
0xb9: {  	v29 =	vld [tilespmem:s28+$0xC0]  }
0xba: {  	v31 =	vld [tilespmem:s28+$0xD0]  }
0xbb: {  	v28 =	vld [tilespmem:s28+$0xE0]  }
0xbc: {  	v30 =	vld [tilespmem:s28+$0xF0]  }
0xbd: {  	v20 =	vld [tilespmem:s28+$0x480]  }
0xbe: {  	v24 =	vld [tilespmem:s28+$0x490]  }
0xbf: {  	v46 =	vadd.f32 v7, v23;
	v22 =	vld [tilespmem:s28+$0x4A0]  }
0xc0: {  	v36 =	vadd.f32 v18, v36;
	v18 =	vadd.f32 v27, v6;
	v23 =	vld [tilespmem:s28+$0x4B0]  }
0xc1: {  	v19 =	vadd.f32 v34, v19;
	v6 =	vld [tilespmem:s28+$0x4C0]  }
0xc2: {  	v14 =	vadd.f32 v33, v14;
	v18 =	vadd.f32 v12, v18;
	v12 =	vld [tilespmem:s28+$0x10]  }
0xc3: {  	v15 =	vadd.f32 v35, v15;
	v19 =	vadd.f32 v13, v19;
	v13 =	vld [tilespmem:s28+$0x20]  }
0xc4: {  	v14 =	vadd.f32 v10, v14;
	v10 =	vadd.f32 v26, v16;
	v16 =	vld [tilespmem:s28+$0x30]  }
0xc5: {  	v15 =	vadd.f32 v11, v15;
	v11 =	vadd.f32 v32, v25;
	v27 =	vld [tilespmem:s28+$0x50]  }
0xc6: {  	v17 =	vadd.f32 v37, v17;
	v21 =	vadd.f32 v38, v21;
	v63 =	vld [tilespmem:s28+$0x70]  }
0xc7: {  	v7 =	vld [tilespmem:s28+$0x4D0];
	v8 =	vadd.f32 v8, v10;
	v9 =	vadd.f32 v9, v11  }
0xc8: {  	v26 =	vld [tilespmem:s28+$0x40];
	v10 =	vadd.f32 v39, v17;
	v11 =	vadd.f32 v40, v21  }
0xc9: {  	v21 =	vld [tilespmem:s28+$0x60];
	v0 =	vadd.f32 v41, v0;
	v12 =	vadd.f32 v12, v1  }
0xca: {  	v32 =	vld [tilespmem:s28+$0x410];
	v13 =	vadd.f32 v13, v2;
	v16 =	vadd.f32 v16, v3  }
0xcb: {  	v25 =	vld [tilespmem:s28+$0x420];
	v17 =	vadd.f32 v27, v5;
	v35 =	vadd.f32 v63, v36  }
0xcc: {  	v1 =	vld [tilespmem:s28+$0x400];
	v2 =	vadd.f32 v42, v0;
	v3 =	vadd.f32 v43, v12  }
0xcd: {  	v33 =	vld [tilespmem:s28+$0x430];
	v12 =	vadd.f32 v44, v13;
	v0 =	vadd.f32 v26, v4  }
0xce: {  	s29 =	simm.s32 $0x100;
	v5 =	vld [tilespmem:s28+$0x440];
	v13 =	vadd.f32 v45, v16;
	v34 =	vadd.f32 v21, v46  }
.LBB2_8:
0xcf: {  	p0 =	sne.s32 s29, $0x2700;
	v4 =	vld [tilespmem:s28+$0x450];
	v0 =	vadd.f32 v29, v0;
	v16 =	vadd.f32 v31, v17  }
0xd0: {  	v17 =	vld [tilespmem:s28+$0x460];
	v21 =	vadd.f32 v28, v34;
	v26 =	vadd.f32 v30, v35  }
0xd1: {  	v1 =	vadd.f32 v1, v18;
	s26 =	sadd.s32 $0x200, s26;
	v19 =	vadd.f32 v32, v19;
	v27 =	vld [tilespmem:s28+$0x470]  }
0xd2: {  	s31 =	sand.u32 $0x300, s29;
	s30 =	sand.u32 $0x7800, s26;
	v14 =	vadd.f32 v25, v14;
	v15 =	vadd.f32 v33, v15;
	v25 =	vld [tilespmem:s28+$0x4E0]  }
0xd3: {  	s30 =	sor.u32 s31, s30;
	v18 =	vadd.f32 v20, v1;
	v19 =	vadd.f32 v24, v19;
	v1 =	vld [tilespmem:s28+$0x4F0]  }
0xd4: {  	s28 =	sadd.s32 $0x11800, s30;
	v14 =	vadd.f32 v22, v14;
	v32 =	vld [tilespmem:s30+$0x11800];
	v15 =	vadd.f32 v23, v15  }
0xd5: {  	v5 =	vadd.f32 v5, v8;
	v4 =	vadd.f32 v4, v9;
	v33 =	vld [tilespmem:s28+$0x80]  }
0xd6: {  	v10 =	vadd.f32 v17, v10;
	v34 =	vld [tilespmem:s28+$0x90];
	v11 =	vadd.f32 v27, v11  }
0xd7: {  	v8 =	vadd.f32 v6, v5;
	v9 =	vadd.f32 v7, v4;
	v17 =	vld [tilespmem:s28+$0xA0]  }
0xd8: {  	v10 =	vadd.f32 v25, v10;
	v4 =	vld [tilespmem:s28+$0xB0];
	v11 =	vadd.f32 v1, v11  }
0xd9: {  	v29 =	vld [tilespmem:s28+$0xC0]  }
0xda: {  	v31 =	vld [tilespmem:s28+$0xD0]  }
0xdb: {  	v28 =	vld [tilespmem:s28+$0xE0]  }
0xdc: {  	v30 =	vld [tilespmem:s28+$0xF0]  }
0xdd: {  	v20 =	vld [tilespmem:s28+$0x480]  }
0xde: {  	v24 =	vld [tilespmem:s28+$0x490]  }
0xdf: {  	v22 =	vld [tilespmem:s28+$0x4A0]  }
0xe0: {  	v23 =	vld [tilespmem:s28+$0x4B0]  }
0xe1: {  	v6 =	vld [tilespmem:s28+$0x4C0]  }
0xe2: {  	v7 =	vld [tilespmem:s28+$0x4D0]  }
0xe3: {  	v1 =	vld [tilespmem:s28+$0x10]  }
0xe4: {  	v5 =	vld [tilespmem:s28+$0x20]  }
0xe5: {  	v25 =	vld [tilespmem:s28+$0x30]  }
0xe6: {  	v27 =	vld [tilespmem:s28+$0x40]  }
0xe7: {  	v35 =	vld [tilespmem:s28+$0x50]  }
0xe8: {  	v36 =	vld [tilespmem:s28+$0x60]  }
0xe9: {  	v2 =	vadd.f32 v32, v2;
	v3 =	vadd.f32 v1, v3;
	v37 =	vld [tilespmem:s28+$0x70]  }
.Ltmp3:
0xea: {  	v5 =	vadd.f32 v5, v12;
	v13 =	vadd.f32 v25, v13;
	v1 =	vld [tilespmem:s28+$0x400];
	(pc) =	sbr.rel @p0 .LBB2_8-.Ltmp3, $4  }
0xeb: {  	v2 =	vadd.f32 v33, v2;
	v3 =	vadd.f32 v34, v3;
	v32 =	vld [tilespmem:s28+$0x410]  }
0xec: {  	v12 =	vadd.f32 v17, v5;
	v25 =	vld [tilespmem:s28+$0x420];
	v13 =	vadd.f32 v4, v13  }
0xed: {  	v0 =	vadd.f32 v27, v0;
	v17 =	vadd.f32 v35, v16;
	v33 =	vld [tilespmem:s28+$0x430]  }
0xee: {  	s29 =	sadd.s32 $0x100, s29;
	v34 =	vadd.f32 v36, v21;
	v35 =	vadd.f32 v37, v26;
	v5 =	vld [tilespmem:s28+$0x440]  }
0xef: {  	v36 =	vld [tilespmem:s28+$0x450]  }
0xf0: {  	v37 =	vld [tilespmem:s28+$0x460]  }
0xf1: {  	v38 =	vld [tilespmem:s28+$0x470]  }
0xf2: {  	v39 =	vld [tilespmem:s28+$0x4E0];
	s26 =	simm.s32 $0x0  }
0xf3: {  	v40 =	vld [tilespmem:s28+$0x4F0];
	[tilespmem:s19], [sflag:$0x4] =	stream.linear.gather [hbm4b:s9+s26], $0x5000, $0x38  }
0xf4: {  	_ =	swait.ge [sflag:s20], $0x5000  }
0xf5: {  	s28 =	sand.u32 $0x7800, s26;
	s29 =	sand.u32 $0x300, s26;
	[sflag:s20] =	ssyncset.done $0x0  }
0xf6: {  	s28 =	sor.u32 s29, s28;
	[sflag:s20] =	ssyncadd.s32 $0xFFFFB000  }
0xf7: {  	v41 =	vld [tilespmem:s28+$0xC880]  }
0xf8: {  	v42 =	vld [tilespmem:s28+$0xC890]  }
0xf9: {  	v43 =	vld [tilespmem:s28+$0xC8A0]  }
0xfa: {  	v44 =	vld [tilespmem:s28+$0xC8B0]  }
0xfb: {  	v45 =	vld [tilespmem:s28+$0xC8C0]  }
0xfc: {  	v46 =	vld [tilespmem:s28+$0xC8D0]  }
0xfd: {  	v26 =	vld [tilespmem:s28+$0xC8E0]  }
0xfe: {  	v27 =	vld [tilespmem:s28+$0xC8F0]  }
0xff: {  	v16 =	vld [tilespmem:s28+$0xCC80]  }
0x100: {  	v21 =	vld [tilespmem:s28+$0xCC90]  }
0x101: {  	v4 =	vld [tilespmem:s28+$0xCCA0]  }
0x102: {  	v29 =	vadd.f32 v29, v0;
	v31 =	vadd.f32 v31, v17;
	v17 =	vld [tilespmem:s28+$0xCCB0]  }
0x103: {  	v18 =	vadd.f32 v1, v18;
	v28 =	vadd.f32 v28, v34;
	v0 =	vld [tilespmem:s28+$0xCCC0]  }
0x104: {  	v30 =	vadd.f32 v30, v35;
	v14 =	vadd.f32 v25, v14;
	v25 =	vld [tilespmem:s28+$0xC800]  }
0x105: {  	v32 =	vadd.f32 v32, v19;
	v19 =	vadd.f32 v20, v18;
	v18 =	vld [tilespmem:s28+$0xC810]  }
0x106: {  	v15 =	vadd.f32 v33, v15;
	v14 =	vadd.f32 v22, v14;
	v22 =	vld [tilespmem:s28+$0xC820]  }
0x107: {  	v5 =	vadd.f32 v5, v8;
	v8 =	vadd.f32 v36, v9;
	v9 =	vld [tilespmem:s28+$0xC830]  }
0x108: {  	v20 =	vadd.f32 v24, v32;
	v15 =	vadd.f32 v23, v15;
	v23 =	vld [tilespmem:s28+$0xC840]  }
0x109: {  	v10 =	vadd.f32 v37, v10;
	v11 =	vadd.f32 v38, v11;
	v24 =	vld [tilespmem:s28+$0xC850]  }
0x10a: {  	v63 =	vld [tilespmem:s28+$0xC860];
	v5 =	vadd.f32 v6, v5;
	v6 =	vadd.f32 v7, v8  }
0x10b: {  	v1 =	vld [tilespmem:s28+$0xCCD0];
	v7 =	vadd.f32 v39, v10;
	v8 =	vadd.f32 v40, v11  }
0x10c: {  	v10 =	vadd.f32 v25, v2;
	v3 =	vadd.f32 v18, v3;
	v18 =	vld [tilespmem:s28+$0xC870]  }
0x10d: {  	v34 =	vld [tilespmem:s28+$0xCC10];
	v11 =	vadd.f32 v22, v12;
	v12 =	vadd.f32 v9, v13  }
0x10e: {  	v35 =	vld [tilespmem:s28+$0xCC30];
	v13 =	vadd.f32 v23, v29;
	v22 =	vadd.f32 v24, v31  }
0x10f: {  	v2 =	vld [tilespmem:s28+$0xCC00];
	v24 =	vadd.f32 v63, v28;
	v9 =	vadd.f32 v41, v10  }
0x110: {  	v10 =	vadd.f32 v42, v3;
	v3 =	vld [tilespmem:s28+$0xCC20];
	v11 =	vadd.f32 v43, v11  }
0x111: {  	v32 =	vld [tilespmem:s28+$0xCC40];
	v12 =	vadd.f32 v44, v12;
	v36 =	vadd.f32 v18, v30  }
0x112: {  	s29 =	simm.s32 $0x100;
	v33 =	vld [tilespmem:s28+$0xCC50];
	v13 =	vadd.f32 v45, v13;
	v18 =	vadd.f32 v46, v22  }
.LBB2_10:
0x113: {  	p0 =	sne.s32 s29, $0x2700;
	v22 =	vld [tilespmem:s28+$0xCC60];
	v23 =	vadd.f32 v26, v24;
	v25 =	vadd.f32 v27, v36  }
0x114: {  	v2 =	vadd.f32 v2, v19;
	v20 =	vadd.f32 v34, v20;
	s26 =	sadd.s32 $0x200, s26;
	v24 =	vld [tilespmem:s28+$0xCC70]  }
0x115: {  	s31 =	sand.u32 $0x300, s29;
	s30 =	sand.u32 $0x7800, s26;
	v3 =	vadd.f32 v3, v14;
	v15 =	vadd.f32 v35, v15;
	v26 =	vld [tilespmem:s28+$0xCCE0]  }
0x116: {  	v19 =	vadd.f32 v16, v2;
	v20 =	vadd.f32 v21, v20;
	v2 =	vld [tilespmem:s28+$0xCCF0];
	s28 =	sor.u32 s31, s30  }
0x117: {  	v14 =	vadd.f32 v4, v3;
	v28 =	vld [tilespmem:s28+$0xC880];
	v15 =	vadd.f32 v17, v15  }
0x118: {  	v4 =	vadd.f32 v32, v5;
	v6 =	vadd.f32 v33, v6;
	v3 =	vld [tilespmem:s28+$0xC890]  }
0x119: {  	v7 =	vadd.f32 v22, v7;
	v29 =	vld [tilespmem:s28+$0xC8A0];
	v8 =	vadd.f32 v24, v8  }
0x11a: {  	v5 =	vadd.f32 v0, v4;
	v6 =	vadd.f32 v1, v6;
	v22 =	vld [tilespmem:s28+$0xC8B0]  }
0x11b: {  	v7 =	vadd.f32 v26, v7;
	v30 =	vld [tilespmem:s28+$0xC8C0];
	v8 =	vadd.f32 v2, v8  }
0x11c: {  	v31 =	vld [tilespmem:s28+$0xC8D0]  }
0x11d: {  	v26 =	vld [tilespmem:s28+$0xC8E0]  }
0x11e: {  	v27 =	vld [tilespmem:s28+$0xC8F0]  }
0x11f: {  	v16 =	vld [tilespmem:s28+$0xCC80]  }
0x120: {  	v21 =	vld [tilespmem:s28+$0xCC90]  }
0x121: {  	v4 =	vld [tilespmem:s28+$0xCCA0]  }
0x122: {  	v17 =	vld [tilespmem:s28+$0xCCB0]  }
0x123: {  	v0 =	vld [tilespmem:s28+$0xCCC0]  }
0x124: {  	v1 =	vld [tilespmem:s28+$0xCCD0]  }
0x125: {  	v2 =	vld [tilespmem:s28+$0xC800]  }
0x126: {  	v24 =	vld [tilespmem:s28+$0xC810]  }
0x127: {  	v32 =	vld [tilespmem:s28+$0xC820]  }
0x128: {  	v33 =	vld [tilespmem:s28+$0xC830]  }
0x129: {  	v35 =	vld [tilespmem:s28+$0xC840]  }
0x12a: {  	v36 =	vld [tilespmem:s28+$0xC850]  }
0x12b: {  	v37 =	vld [tilespmem:s28+$0xC860]  }
0x12c: {  	v9 =	vadd.f32 v2, v9;
	v10 =	vadd.f32 v24, v10;
	v38 =	vld [tilespmem:s28+$0xC870]  }
0x12d: {  	v11 =	vadd.f32 v32, v11;
	v12 =	vadd.f32 v33, v12;
	v2 =	vld [tilespmem:s28+$0xCC00]  }
.Ltmp4:
0x12e: {  	v9 =	vadd.f32 v28, v9;
	v10 =	vadd.f32 v3, v10;
	v34 =	vld [tilespmem:s28+$0xCC10];
	(pc) =	sbr.rel @p0 .LBB2_10-.Ltmp4, $4  }
0x12f: {  	v11 =	vadd.f32 v29, v11;
	v3 =	vld [tilespmem:s28+$0xCC20];
	v12 =	vadd.f32 v22, v12  }
0x130: {  	v13 =	vadd.f32 v35, v13;
	v18 =	vadd.f32 v36, v18;
	v35 =	vld [tilespmem:s28+$0xCC30]  }
0x131: {  	v24 =	vadd.f32 v37, v23;
	v36 =	vadd.f32 v38, v25;
	v32 =	vld [tilespmem:s28+$0xCC40]  }
0x132: {  	s29 =	sadd.s32 $0x100, s29;
	v13 =	vadd.f32 v30, v13;
	v18 =	vadd.f32 v31, v18;
	v33 =	vld [tilespmem:s28+$0xCC50]  }
0x133: {  	v37 =	vld [tilespmem:s28+$0xCC60]  }
0x134: {  	v38 =	vld [tilespmem:s28+$0xCC70]  }
0x135: {  	v39 =	vld [tilespmem:s28+$0xCCE0];
	s26 =	simm.s32 $0x0  }
0x136: {  	v40 =	vld [tilespmem:s28+$0xCCF0];
	[tilespmem:s18], [sflag:$0x3] =	stream.linear.gather [hbm4b:s10+s26], $0x5000, $0x38  }
0x137: {  	_ =	swait.ge [sflag:s21], $0x5000  }
0x138: {  	s28 =	sand.u32 $0x7800, s26;
	s29 =	sand.u32 $0x300, s26;
	[sflag:s21] =	ssyncset.done $0x0  }
0x139: {  	s29 =	sor.u32 s29, s28;
	[sflag:s21] =	ssyncadd.s32 $0xFFFFB000  }
0x13a: {  	s28 =	sadd.s32 $0x11800, s29;
	v41 =	vld [tilespmem:s29+$0x11800]  }
0x13b: {  	v42 =	vld [tilespmem:s28+$0x80]  }
0x13c: {  	v43 =	vld [tilespmem:s28+$0x90]  }
0x13d: {  	v44 =	vld [tilespmem:s28+$0xA0]  }
0x13e: {  	v45 =	vld [tilespmem:s28+$0xB0]  }
0x13f: {  	v29 =	vld [tilespmem:s28+$0xC0]  }
0x140: {  	v31 =	vld [tilespmem:s28+$0xD0]  }
0x141: {  	v28 =	vld [tilespmem:s28+$0xE0]  }
0x142: {  	v30 =	vld [tilespmem:s28+$0xF0]  }
0x143: {  	v23 =	vld [tilespmem:s28+$0x480]  }
0x144: {  	v25 =	vld [tilespmem:s28+$0x490]  }
0x145: {  	v22 =	vld [tilespmem:s28+$0x4A0]  }
0x146: {  	v26 =	vadd.f32 v26, v24;
	v27 =	vadd.f32 v27, v36;
	v24 =	vld [tilespmem:s28+$0x4B0]  }
0x147: {  	v19 =	vadd.f32 v2, v19;
	v20 =	vadd.f32 v34, v20;
	v2 =	vld [tilespmem:s28+$0x4C0]  }
0x148: {  	v14 =	vadd.f32 v3, v14;
	v15 =	vadd.f32 v35, v15;
	v3 =	vld [tilespmem:s28+$0x4D0]  }
0x149: {  	v16 =	vadd.f32 v16, v19;
	v19 =	vadd.f32 v21, v20;
	v20 =	vld [tilespmem:s28+$0x10]  }
0x14a: {  	v14 =	vadd.f32 v4, v14;
	v15 =	vadd.f32 v17, v15;
	v17 =	vld [tilespmem:s28+$0x20]  }
0x14b: {  	v4 =	vadd.f32 v32, v5;
	v5 =	vadd.f32 v33, v6;
	v6 =	vld [tilespmem:s28+$0x30]  }
0x14c: {  	v7 =	vadd.f32 v37, v7;
	v8 =	vadd.f32 v38, v8;
	v62 =	vld [tilespmem:s28+$0x50]  }
0x14d: {  	v21 =	vld [tilespmem:s28+$0x40];
	v0 =	vadd.f32 v0, v4;
	v1 =	vadd.f32 v1, v5  }
0x14e: {  	v63 =	vld [tilespmem:s28+$0x60];
	v4 =	vadd.f32 v39, v7;
	v5 =	vadd.f32 v40, v8  }
0x14f: {  	v7 =	vadd.f32 v41, v9;
	v8 =	vadd.f32 v20, v10;
	v20 =	vld [tilespmem:s28+$0x70]  }
0x150: {  	v33 =	vld [tilespmem:s28+$0x410];
	v9 =	vadd.f32 v17, v11;
	v10 =	vadd.f32 v6, v12  }
0x151: {  	v32 =	vld [tilespmem:s28+$0x420];
	v17 =	vadd.f32 v62, v18;
	v6 =	vadd.f32 v42, v7  }
0x152: {  	v11 =	vld [tilespmem:s28+$0x400];
	v7 =	vadd.f32 v43, v8;
	v8 =	vadd.f32 v44, v9  }
0x153: {  	v9 =	vadd.f32 v45, v10;
	v10 =	vadd.f32 v21, v13;
	v13 =	vld [tilespmem:s28+$0x430]  }
0x154: {  	s29 =	simm.s32 $0x100;
	v34 =	vadd.f32 v63, v26;
	v35 =	vadd.f32 v20, v27;
	v27 =	vld [tilespmem:s28+$0x440]  }
.LBB2_12:
0x155: {  	p0 =	sne.s32 s29, $0x2700;
	v12 =	vld [tilespmem:s28+$0x450];
	v10 =	vadd.f32 v29, v10;
	v17 =	vadd.f32 v31, v17  }
0x156: {  	v18 =	vld [tilespmem:s28+$0x460];
	v20 =	vadd.f32 v28, v34;
	v21 =	vadd.f32 v30, v35  }
0x157: {  	v11 =	vadd.f32 v11, v16;
	s26 =	sadd.s32 $0x200, s26;
	v19 =	vadd.f32 v33, v19;
	v26 =	vld [tilespmem:s28+$0x470]  }
0x158: {  	s31 =	sand.u32 $0x300, s29;
	s30 =	sand.u32 $0x7800, s26;
	v14 =	vadd.f32 v32, v14;
	v13 =	vadd.f32 v13, v15;
	v28 =	vld [tilespmem:s28+$0x4E0]  }
0x159: {  	s30 =	sor.u32 s31, s30;
	v16 =	vadd.f32 v23, v11;
	v19 =	vadd.f32 v25, v19;
	v11 =	vld [tilespmem:s28+$0x4F0]  }
0x15a: {  	s28 =	sadd.s32 $0x11800, s30;
	v14 =	vadd.f32 v22, v14;
	v32 =	vld [tilespmem:s30+$0x11800];
	v15 =	vadd.f32 v24, v13  }
0x15b: {  	v0 =	vadd.f32 v27, v0;
	v1 =	vadd.f32 v12, v1;
	v13 =	vld [tilespmem:s28+$0x80]  }
0x15c: {  	v4 =	vadd.f32 v18, v4;
	v12 =	vld [tilespmem:s28+$0x90];
	v5 =	vadd.f32 v26, v5  }
0x15d: {  	v0 =	vadd.f32 v2, v0;
	v1 =	vadd.f32 v3, v1;
	v18 =	vld [tilespmem:s28+$0xA0]  }
0x15e: {  	v4 =	vadd.f32 v28, v4;
	v26 =	vld [tilespmem:s28+$0xB0];
	v5 =	vadd.f32 v11, v5  }
0x15f: {  	v29 =	vld [tilespmem:s28+$0xC0]  }
0x160: {  	v31 =	vld [tilespmem:s28+$0xD0]  }
0x161: {  	v28 =	vld [tilespmem:s28+$0xE0]  }
0x162: {  	v30 =	vld [tilespmem:s28+$0xF0]  }
0x163: {  	v23 =	vld [tilespmem:s28+$0x480]  }
0x164: {  	v25 =	vld [tilespmem:s28+$0x490]  }
0x165: {  	v22 =	vld [tilespmem:s28+$0x4A0]  }
0x166: {  	v24 =	vld [tilespmem:s28+$0x4B0]  }
0x167: {  	v2 =	vld [tilespmem:s28+$0x4C0]  }
0x168: {  	v3 =	vld [tilespmem:s28+$0x4D0]  }
0x169: {  	v11 =	vld [tilespmem:s28+$0x10]  }
0x16a: {  	v27 =	vld [tilespmem:s28+$0x20]  }
0x16b: {  	v33 =	vld [tilespmem:s28+$0x30]  }
0x16c: {  	v34 =	vld [tilespmem:s28+$0x40]  }
0x16d: {  	v35 =	vld [tilespmem:s28+$0x50]  }
0x16e: {  	v36 =	vld [tilespmem:s28+$0x60]  }
0x16f: {  	v6 =	vadd.f32 v32, v6;
	v7 =	vadd.f32 v11, v7;
	v37 =	vld [tilespmem:s28+$0x70]  }
.Ltmp5:
0x170: {  	v8 =	vadd.f32 v27, v8;
	v9 =	vadd.f32 v33, v9;
	v11 =	vld [tilespmem:s28+$0x400];
	(pc) =	sbr.rel @p0 .LBB2_12-.Ltmp5, $4  }
0x171: {  	v6 =	vadd.f32 v13, v6;
	v7 =	vadd.f32 v12, v7;
	v33 =	vld [tilespmem:s28+$0x410]  }
0x172: {  	v8 =	vadd.f32 v18, v8;
	v32 =	vld [tilespmem:s28+$0x420];
	v9 =	vadd.f32 v26, v9  }
0x173: {  	v10 =	vadd.f32 v34, v10;
	v17 =	vadd.f32 v35, v17;
	v13 =	vld [tilespmem:s28+$0x430]  }
0x174: {  	s29 =	sadd.s32 $0x100, s29;
	v34 =	vadd.f32 v36, v20;
	v35 =	vadd.f32 v37, v21;
	v27 =	vld [tilespmem:s28+$0x440]  }
0x175: {  	v36 =	vld [tilespmem:s28+$0x450]  }
0x176: {  	v37 =	vld [tilespmem:s28+$0x460]  }
0x177: {  	v38 =	vld [tilespmem:s28+$0x470]  }
0x178: {  	v39 =	vld [tilespmem:s28+$0x4E0]  }
0x179: {  	v40 =	vld [tilespmem:s28+$0x4F0];
	_ =	swait.ge [sflag:s20], $0x5000;
	s26 =	simm.s32 $0x0  }
0x17a: {  	[sflag:s20] =	ssyncset.done $0x0;
	s28 =	sand.u32 $0x7800, s26;
	s29 =	sand.u32 $0x300, s26  }
0x17b: {  	[sflag:s20] =	ssyncadd.s32 $0xFFFFB000;
	s28 =	sor.u32 s29, s28  }
0x17c: {  	v41 =	vld [tilespmem:s28+$0xC880]  }
0x17d: {  	v42 =	vld [tilespmem:s28+$0xC890]  }
0x17e: {  	v43 =	vld [tilespmem:s28+$0xC8A0]  }
0x17f: {  	v44 =	vld [tilespmem:s28+$0xC8B0]  }
0x180: {  	v45 =	vld [tilespmem:s28+$0xC8C0]  }
0x181: {  	v46 =	vld [tilespmem:s28+$0xC8D0]  }
0x182: {  	v26 =	vld [tilespmem:s28+$0xC8E0]  }
0x183: {  	v21 =	vld [tilespmem:s28+$0xC8F0]  }
0x184: {  	v20 =	vld [tilespmem:s28+$0xCC80]  }
0x185: {  	v18 =	vld [tilespmem:s28+$0xCC90]  }
0x186: {  	v12 =	vld [tilespmem:s28+$0xCCA0]  }
0x187: {  	v29 =	vadd.f32 v29, v10;
	v31 =	vadd.f32 v31, v17;
	v17 =	vld [tilespmem:s28+$0xCCB0]  }
0x188: {  	v16 =	vadd.f32 v11, v16;
	v19 =	vadd.f32 v33, v19;
	v10 =	vld [tilespmem:s28+$0xCCC0]  }
0x189: {  	v28 =	vadd.f32 v28, v34;
	v14 =	vadd.f32 v32, v14;
	v61 =	vld [tilespmem:s28+$0xC800]  }
0x18a: {  	v13 =	vadd.f32 v13, v15;
	v15 =	vadd.f32 v25, v19;
	v19 =	vld [tilespmem:s28+$0xC810]  }
0x18b: {  	v30 =	vadd.f32 v30, v35;
	v16 =	vadd.f32 v23, v16;
	v23 =	vld [tilespmem:s28+$0xC830]  }
0x18c: {  	v62 =	vld [tilespmem:s28+$0xC850];
	v14 =	vadd.f32 v22, v14;
	v0 =	vadd.f32 v27, v0  }
0x18d: {  	v22 =	vld [tilespmem:s28+$0xC820];
	v13 =	vadd.f32 v24, v13;
	v1 =	vadd.f32 v36, v1  }
0x18e: {  	v27 =	vld [tilespmem:s28+$0xC840];
	v24 =	vadd.f32 v37, v4;
	v5 =	vadd.f32 v38, v5  }
0x18f: {  	v63 =	vld [tilespmem:s28+$0xC860];
	v4 =	vadd.f32 v2, v0;
	v1 =	vadd.f32 v3, v1  }
0x190: {  	v11 =	vld [tilespmem:s28+$0xCCD0];
	v2 =	vadd.f32 v39, v24;
	v0 =	vadd.f32 v40, v5  }
0x191: {  	v3 =	vadd.f32 v61, v6;
	v5 =	vadd.f32 v19, v7;
	v19 =	vld [tilespmem:s28+$0xC870]  }
0x192: {  	v25 =	vld [tilespmem:s28+$0xCC00];
	v7 =	vadd.f32 v23, v9;
	v31 =	vadd.f32 v62, v31  }
0x193: {  	v24 =	vld [tilespmem:s28+$0xCC10];
	v6 =	vadd.f32 v22, v8;
	v8 =	vadd.f32 v27, v29  }
0x194: {  	v23 =	vld [tilespmem:s28+$0xCC20];
	v29 =	vadd.f32 v63, v28;
	v3 =	vadd.f32 v41, v3  }
0x195: {  	v27 =	vld [tilespmem:s28+$0xCC30];
	v5 =	vadd.f32 v42, v5;
	v7 =	vadd.f32 v44, v7  }
0x196: {  	v22 =	vld [tilespmem:s28+$0xCC40];
	v6 =	vadd.f32 v43, v6;
	v28 =	vadd.f32 v19, v30  }
0x197: {  	s29 =	simm.s32 $0x100;
	v9 =	vadd.f32 v45, v8;
	v8 =	vadd.f32 v46, v31;
	v19 =	vld [tilespmem:s28+$0xCC50]  }
.LBB2_14:
0x198: {  	p0 =	sne.s32 s29, $0x2700;
	v30 =	vld [tilespmem:s28+$0xCC60];
	v29 =	vadd.f32 v26, v29;
	v28 =	vadd.f32 v21, v28  }
0x199: {  	v16 =	vadd.f32 v25, v16;
	v15 =	vadd.f32 v24, v15;
	s26 =	sadd.s32 $0x200, s26;
	v21 =	vld [tilespmem:s28+$0xCC70]  }
0x19a: {  	s31 =	sand.u32 $0x300, s29;
	s30 =	sand.u32 $0x7800, s26;
	v14 =	vadd.f32 v23, v14;
	v13 =	vadd.f32 v27, v13;
	v23 =	vld [tilespmem:s28+$0xCCE0]  }
0x19b: {  	v16 =	vadd.f32 v20, v16;
	v15 =	vadd.f32 v18, v15;
	v18 =	vld [tilespmem:s28+$0xCCF0];
	s28 =	sor.u32 s31, s30  }
0x19c: {  	v14 =	vadd.f32 v12, v14;
	v27 =	vld [tilespmem:s28+$0xC880];
	v13 =	vadd.f32 v17, v13  }
0x19d: {  	v4 =	vadd.f32 v22, v4;
	v1 =	vadd.f32 v19, v1;
	v31 =	vld [tilespmem:s28+$0xC890]  }
0x19e: {  	v2 =	vadd.f32 v30, v2;
	v19 =	vld [tilespmem:s28+$0xC8A0];
	v0 =	vadd.f32 v21, v0  }
0x19f: {  	v4 =	vadd.f32 v10, v4;
	v1 =	vadd.f32 v11, v1;
	v22 =	vld [tilespmem:s28+$0xC8B0]  }
0x1a0: {  	v2 =	vadd.f32 v23, v2;
	v30 =	vld [tilespmem:s28+$0xC8C0];
	v0 =	vadd.f32 v18, v0  }
0x1a1: {  	v32 =	vld [tilespmem:s28+$0xC8D0]  }
0x1a2: {  	v26 =	vld [tilespmem:s28+$0xC8E0]  }
0x1a3: {  	v21 =	vld [tilespmem:s28+$0xC8F0]  }
0x1a4: {  	v20 =	vld [tilespmem:s28+$0xCC80]  }
0x1a5: {  	v18 =	vld [tilespmem:s28+$0xCC90]  }
0x1a6: {  	v12 =	vld [tilespmem:s28+$0xCCA0]  }
0x1a7: {  	v17 =	vld [tilespmem:s28+$0xCCB0]  }
0x1a8: {  	v10 =	vld [tilespmem:s28+$0xCCC0]  }
0x1a9: {  	v11 =	vld [tilespmem:s28+$0xCCD0]  }
0x1aa: {  	v23 =	vld [tilespmem:s28+$0xC800]  }
0x1ab: {  	v24 =	vld [tilespmem:s28+$0xC810]  }
0x1ac: {  	v25 =	vld [tilespmem:s28+$0xC820]  }
0x1ad: {  	v33 =	vld [tilespmem:s28+$0xC830]  }
0x1ae: {  	v34 =	vld [tilespmem:s28+$0xC840]  }
0x1af: {  	v35 =	vld [tilespmem:s28+$0xC850]  }
0x1b0: {  	v36 =	vld [tilespmem:s28+$0xC860]  }
0x1b1: {  	v3 =	vadd.f32 v23, v3;
	v5 =	vadd.f32 v24, v5;
	v37 =	vld [tilespmem:s28+$0xC870]  }
0x1b2: {  	v6 =	vadd.f32 v25, v6;
	v7 =	vadd.f32 v33, v7;
	v25 =	vld [tilespmem:s28+$0xCC00]  }
.Ltmp6:
0x1b3: {  	v3 =	vadd.f32 v27, v3;
	v5 =	vadd.f32 v31, v5;
	v24 =	vld [tilespmem:s28+$0xCC10];
	(pc) =	sbr.rel @p0 .LBB2_14-.Ltmp6, $4  }
0x1b4: {  	v6 =	vadd.f32 v19, v6;
	v23 =	vld [tilespmem:s28+$0xCC20];
	v7 =	vadd.f32 v22, v7  }
0x1b5: {  	v9 =	vadd.f32 v34, v9;
	v8 =	vadd.f32 v35, v8;
	v27 =	vld [tilespmem:s28+$0xCC30]  }
0x1b6: {  	v29 =	vadd.f32 v36, v29;
	v28 =	vadd.f32 v37, v28;
	v22 =	vld [tilespmem:s28+$0xCC40]  }
0x1b7: {  	s29 =	sadd.s32 $0x100, s29;
	v9 =	vadd.f32 v30, v9;
	v8 =	vadd.f32 v32, v8;
	v19 =	vld [tilespmem:s28+$0xCC50]  }
0x1b8: {  	v30 =	vld [tilespmem:s28+$0xCC60]  }
0x1b9: {  	v31 =	vld [tilespmem:s28+$0xCC70]  }
0x1ba: {  	v32 =	vld [tilespmem:s28+$0xCCE0]  }
0x1bb: {  	v33 =	vld [tilespmem:s28+$0xCCF0];
	[tilespmem:$0x16880] =	vst v3  }
0x1bc: {  	[tilespmem:$0x16890] =	vst v5  }
0x1bd: {  	[tilespmem:$0x168A0] =	vst v6  }
0x1be: {  	[tilespmem:$0x168B0] =	vst v7  }
0x1bf: {  	v57 =	vadd.f32 v26, v29;
	v58 =	vadd.f32 v25, v16;
	[tilespmem:$0x168C0] =	vst v9  }
0x1c0: {  	v59 =	vadd.f32 v21, v28;
	v60 =	vadd.f32 v24, v15;
	[tilespmem:$0x168D0] =	vst v8  }
0x1c1: {  	v61 =	vadd.f32 v23, v14;
	v5 =	vadd.f32 v20, v58;
	[tilespmem:$0x168E0] =	vst v57  }
0x1c2: {  	v62 =	vadd.f32 v27, v13;
	v7 =	vadd.f32 v18, v60;
	[tilespmem:$0x168F0] =	vst v59  }
0x1c3: {  	v63 =	vadd.f32 v12, v61;
	v4 =	vadd.f32 v22, v4;
	[tilespmem:$0x16900] =	vst v5  }
0x1c4: {  	v3 =	vadd.f32 v17, v62;
	v1 =	vadd.f32 v19, v1;
	[tilespmem:$0x16910] =	vst v7  }
0x1c5: {  	v2 =	vadd.f32 v30, v2;
	v4 =	vadd.f32 v10, v4;
	[tilespmem:$0x16920] =	vst v63  }
0x1c6: {  	v0 =	vadd.f32 v31, v0;
	v1 =	vadd.f32 v11, v1;
	[tilespmem:$0x16930] =	vst v3  }
0x1c7: {  	v2 =	vadd.f32 v32, v2;
	[tilespmem:$0x16940] =	vst v4  }
0x1c8: {  	s25 =	sadd.s32 $0x1, s25;
	v0 =	vadd.f32 v33, v0;
	[tilespmem:$0x16950] =	vst v1  }
0x1c9: {  	p0 =	sne.s32 s25, s12;
	[tilespmem:$0x16960] =	vst v2  }
.Ltmp7:
0x1ca: {  	[tilespmem:$0x16970] =	vst v0;
	(pc) =	sbr.rel @p0 .LBB2_1-.Ltmp7, $4  }
0x1cb: {  	[hbm4b:s11+s22] =	stream.strided.scatter [tilespmem:s24], [sflag:$0x5], $0x100, s23, s22, $0x38;
	[tilespmem:$0x16980] =	vst v63  }
0x1cc: {  	_ =	swait.ge [sflag:s17], $0x100  }
0x1cd: {  	[sflag:s17] =	ssyncset.done $0x0  }
0x1ce: {  	[sflag:s17] =	ssyncadd.s32 $0xFFFFFF00  }
0x1cf: {  	_ =	sfence.sel $0x180000  }
0x1d0: {  	[bflag:$0x0] =	sbarrier.arrive $0xFFFF  }
0x1d1: {  	p0 =	sne.s32 s0, $0x0;
	_ =	strace $0x90000047  }
0x1d2: {  	s0 =	sadd.s32 @!p0 $0x100000, s1;
	[bflag:$0x2] =	sbarrier.arrive $0xFFFF  }
0x1d3: {  	[sflag:s0] =	ssyncadd.tile.s32 @!p0 $0x1;
	_ =	shalt  }
.Lfunc_end2:
_tile_overlayer_lowered:
.L_overlay_start_2:
0x1d4: {  	(tag) =	ssettag $0x2  }
0x1d5: {  	s0 =	rddreg [dreg:$0x0];
	s2 =	stileid.u32  }
0x1d6: {  	s1 =	rddreg [dreg:$0x1];
	p0 =	sne.s32 s2, $0x0  }
0x1d7: {  	s3 =	rddreg [dreg:$0x2];
	[bflag:$0x3] =	sbarrier.arrive $0xFFFF;
	s2 =	simm.s32 @!p0 $0x1C05  }
0x1d8: {  	[timem:s3], [sflag:s2] =	dma.local @!p0 [hbm:s0], s1  }
0x1d9: {  	s0 =	simm.s32 @!p0 $0x5  }
0x1da: {  	_ =	swait.ge @!p0 [sflag:s0], s1  }
0x1db: {  	s1 =	ssub.s32 @!p0 $0x0, s1;
	[sflag:s0] =	ssyncset.done @!p0 $0x0  }
0x1dc: {  	[sflag:s0] =	ssyncadd.s32 @!p0 s1  }
0x1dd: {  	[bflag:$0x3] =	sbarrier.arrive $0xFFFF  }
0x1de: {  	_ =	shalt  }

</sc_bundles>
